<compile_context>
chip_gen: v7x
topology: tpu7x:2x2x1
jax: 0.10.2.dev20260603
libtpu: 0.0.44.dev20260713+nightly
codegen_flags: <defaults>
</compile_context>

<pallas_src>
import functools
import math

import jax
import jax.numpy as jnp
from jax import lax
from jax.experimental import pallas as pl
from jax.experimental.pallas import tpu as pltpu
from jax.experimental.pallas import tpu_sc as plsc

_EMB = 32
_SCALE = math.sqrt(_EMB)

_S = 16384
_T = 50
_NW = 32
_TILES = _S // 128
_TPW = _TILES // _NW
_HT = 2
_NZ = _T * _TPW // _HT


def _sc_embed(idx3d, tpad):
    mesh = plsc.VectorSubcoreMesh(core_axis_name="c", subcore_axis_name="s")

    @functools.partial(
        pl.kernel,
        mesh=mesh,
        out_type=jax.ShapeDtypeStruct((_T, _EMB // 8, _TILES, 8, 128),
                                      jnp.float32),
        scratch_types=[
            pltpu.VMEM((_T, _TPW, 128), jnp.int32),
            pltpu.VMEM((128 * _HT, 128), jnp.float32),
            pltpu.VMEM((128 * _HT, 128), jnp.float32),
            pltpu.VMEM((_EMB // 8, _HT, 8, 128), jnp.float32),
            pltpu.VMEM((_EMB // 8, _HT, 8, 128), jnp.float32),
            pltpu.SemaphoreType.DMA,
            pltpu.SemaphoreType.DMA,
            pltpu.SemaphoreType.DMA,
            pltpu.SemaphoreType.DMA,
        ],
        compiler_params=pltpu.CompilerParams(use_tc_tiling_on_sc=False,
                                             needs_layout_passes=False),
    )
    def k(idx_hbm, table_hbm, out_hbm, idx_v, rows_a, rows_b, outs_a,
          outs_b, sem_a, sem_b, osem_a, osem_b):
        wid = lax.axis_index("s") * 2 + lax.axis_index("c")
        tile0 = wid * _TPW
        pltpu.sync_copy(idx_hbm.at[:, pl.ds(tile0, _TPW), :], idx_v)
        iota = lax.iota(jnp.int32, 16)
        evecs = [jnp.full((16,), e, jnp.int32) for e in range(_EMB)]

        def fire(z, rows, sem):
            t = z >> 1
            h = z & 1
            for c in range(_HT):
                pltpu.async_copy(table_hbm.at[idx_v.at[t, _HT * h + c]],
                                 rows.at[pl.ds(c * 128, 128)], sem)

        def drain(rows, sem):
            pltpu.make_async_copy(table_hbm.at[pl.ds(0, 128 * _HT)],
                                  rows, sem).wait()

        def out_slice(z):
            t = z >> 1
            h = z & 1
            return out_hbm.at[t, :, pl.ds(tile0 + _HT * h, _HT)]

        def compute(z, rows, outs, osem):
            @plsc.parallel_loop(0, 128 * _HT // 16, unroll=2)
            def comp(kk):
                s_vec = kk * 16 + iota
                c2 = kk >> 3
                lo = (kk & 7) * 16
                for g in range(_EMB // 8):
                    vals = []
                    for e in range(8 * g, 8 * g + 8):
                        vals.append(
                            plsc.load_gather(rows, [s_vec, evecs[e]])
                            * _SCALE)
                    for r in range(8):
                        outs[g, c2, r, pl.ds(lo, 16)] = vals[r]

            pltpu.async_copy(outs, out_slice(z), osem)

        def odrain(z, outs, osem):
            pltpu.make_async_copy(outs, out_slice(z), osem).wait()

        fire(0, rows_a, sem_a)

        def z_body(zz, carry):
            z0 = 2 * zz
            drain(rows_a, sem_a)
            fire(z0 + 1, rows_b, sem_b)

            @pl.when(zz > 0)
            def _():
                odrain(z0 - 2, outs_a, osem_a)

            compute(z0, rows_a, outs_a, osem_a)
            drain(rows_b, sem_b)

            @pl.when(zz < _NZ // 2 - 1)
            def _():
                fire(z0 + 2, rows_a, sem_a)

            @pl.when(zz > 0)
            def _():
                odrain(z0 - 1, outs_b, osem_b)

            compute(z0 + 1, rows_b, outs_b, osem_b)
            return carry

        lax.fori_loop(0, _NZ // 2, z_body, 0)
        odrain(_NZ - 2, outs_a, osem_a)
        odrain(_NZ - 1, outs_b, osem_b)

    return k(idx3d, tpad)


def kernel(tokens, table):
    idx3d = jnp.swapaxes(tokens, 0, 1).reshape(_T, _TILES, 128)
    tpad = jnp.pad(table, ((0, 0), (0, 128 - _EMB)))
    out5 = _sc_embed(idx3d.astype(jnp.int32), tpad)
    return out5.transpose(2, 4, 0, 1, 3).reshape(_S, _T, _EMB)

# --- scband reference (transcript-rebuilt; emitter-appended) ---
"""Pipeline reference for scband-token-embedding-24756191494323 (READ-ONLY COPY).

The authoritative reference and input builder live on the scoring server;
editing this copy changes nothing except your own understanding.
"""

import jax, jax.numpy as jnp
import numpy as np
import math

VOCAB = 1000000
EMB = 32

def setup_inputs(seed: int = 0) -> dict:
    key = jax.random.key(seed)
    k1, k2 = jax.random.split(key)
    tokens = jax.random.randint(k1, (16384, 50), 0, VOCAB, dtype=jnp.int64 if jax.config.jax_enable_x64 else jnp.int32)
    table = jax.random.normal(k2, (VOCAB, EMB), dtype=jnp.float32)
    return {"tokens": tokens, "table": table}

def reference(tokens, table):
    # nn.Embedding lookup scaled by sqrt(emb_size)
    emb = jnp.take(table, tokens, axis=0)
    return emb * math.sqrt(EMB)

if __name__ == "__main__":
    import jax
    _d = setup_inputs()
    print(jax.jit(kernel)(*tuple(_d.values())))

</pallas_src>

<mosaic_0001>
#map = affine_map<(d0, d1) -> (0, 0, 0)>
#map1 = affine_map<(d0, d1) -> (0, 0)>
#map2 = affine_map<(d0, d1) -> (0, 0, 0, 0, 0)>
module attributes {stable_mosaic.version = 14 : i64} {
  func.func @k(%arg0: i32, %arg1: i32, %arg2: memref<50x128x128xi32, #tpu.memory_space<hbm>>, %arg3: memref<1000000x128xf32, #tpu.memory_space<hbm>>, %arg4: memref<50x4x128x8x128xf32, #tpu.memory_space<hbm>>, %arg5: memref<50x4x128xi32, #tpu.memory_space<vmem>>, %arg6: memref<256x128xf32, #tpu.memory_space<vmem>>, %arg7: memref<256x128xf32, #tpu.memory_space<vmem>>, %arg8: memref<4x2x8x128xf32, #tpu.memory_space<vmem>>, %arg9: memref<4x2x8x128xf32, #tpu.memory_space<vmem>>, %arg10: memref<!tpu.dma_semaphore, #tpu.memory_space<semaphore_mem>>, %arg11: memref<!tpu.dma_semaphore, #tpu.memory_space<semaphore_mem>>, %arg12: memref<!tpu.dma_semaphore, #tpu.memory_space<semaphore_mem>>, %arg13: memref<!tpu.dma_semaphore, #tpu.memory_space<semaphore_mem>>) attributes {dimension_semantics = [#tpu.dimension_semantics<core_parallel>, #tpu.dimension_semantics<subcore_parallel>], iteration_bounds = array<i64: 2, 16>, scalar_prefetch = 0 : i64, scratch_operands = 9 : i64, tpu.core_type = #tpu.core_type<sc_vector_subcore>, window_params = [{transform_indices = #map}, {transform_indices = #map1}, {transform_indices = #map2}]} {
    %mul3A = arith.constant 2 : i32
    %mul3A_0 = arith.muli %arg1, %mul3A : i32
    %add3A = arith.addi %mul3A_0, %arg0 : i32
    %mul3A_1 = arith.constant 4 : i32
    %mul3A_2 = arith.muli %add3A, %mul3A_1 : i32
    "tpu.region"() ({
      %run_scoped3A = tpu.sem_alloc : memref<!tpu.dma_semaphore, #tpu.memory_space<semaphore_mem>>
      %dma_start3A_117 = arith.constant 0 : i32
      %dma_start3A_118 = arith.constant 0 : i32
      %dma_start3A_119 = tpu.memref_slice %arg2[%dma_start3A_117, %mul3A_2, %dma_start3A_118] : memref<50x128x128xi32, #tpu.memory_space<hbm>> -> memref<50x4x128xi32, #tpu.memory_space<hbm>>
      %dma_start3A_120 = arith.constant 0 : i32
      %dma_start3A_121 = arith.constant 0 : i32
      %dma_start3A_122 = tpu.memref_slice %arg2[%dma_start3A_120, %mul3A_2, %dma_start3A_121] : memref<50x128x128xi32, #tpu.memory_space<hbm>> -> memref<50x4x128xi32, #tpu.memory_space<hbm>>
      tpu.enqueue_dma source(%dma_start3A_122 : memref<50x4x128xi32, #tpu.memory_space<hbm>>) target(%arg5 : memref<50x4x128xi32, #tpu.memory_space<vmem>>) target_semaphore(%run_scoped3A : memref<!tpu.dma_semaphore, #tpu.memory_space<semaphore_mem>>)
      %dma_wait3A_123 = arith.constant 0 : i32
      %dma_wait3A_124 = arith.constant 0 : i32
      %dma_wait3A_125 = tpu.memref_slice %arg2[%dma_wait3A_123, %mul3A_2, %dma_wait3A_124] : memref<50x128x128xi32, #tpu.memory_space<hbm>> -> memref<50x4x128xi32, #tpu.memory_space<hbm>>
      %dma_wait3A_126 = arith.constant 0 : i32
      %dma_wait3A_127 = arith.constant 0 : i32
      %dma_wait3A_128 = tpu.memref_slice %arg2[%dma_wait3A_126, %mul3A_2, %dma_wait3A_127] : memref<50x128x128xi32, #tpu.memory_space<hbm>> -> memref<50x4x128xi32, #tpu.memory_space<hbm>>
      tpu.wait_dma2 semaphore(%run_scoped3A : memref<!tpu.dma_semaphore, #tpu.memory_space<semaphore_mem>>) src(%dma_wait3A_128 : memref<50x4x128xi32, #tpu.memory_space<hbm>>) dst(%arg5 : memref<50x4x128xi32, #tpu.memory_space<vmem>>)
      tpu.yield
    }) : () -> ()
    %iota3A = tpu.iota {dimensions = array<i32: 0>} : vector<16xi32>
    %broadcast_in_dim3A = arith.constant 0 : i32
    %broadcast_in_dim3A_3 = vector.broadcast %broadcast_in_dim3A : i32 to vector<16xi32>
    %broadcast_in_dim3A_4 = arith.constant 1 : i32
    %broadcast_in_dim3A_5 = vector.broadcast %broadcast_in_dim3A_4 : i32 to vector<16xi32>
    %broadcast_in_dim3A_6 = arith.constant 2 : i32
    %broadcast_in_dim3A_7 = vector.broadcast %broadcast_in_dim3A_6 : i32 to vector<16xi32>
    %broadcast_in_dim3A_8 = arith.constant 3 : i32
    %broadcast_in_dim3A_9 = vector.broadcast %broadcast_in_dim3A_8 : i32 to vector<16xi32>
    %broadcast_in_dim3A_10 = arith.constant 4 : i32
    %broadcast_in_dim3A_11 = vector.broadcast %broadcast_in_dim3A_10 : i32 to vector<16xi32>
    %broadcast_in_dim3A_12 = arith.constant 5 : i32
    %broadcast_in_dim3A_13 = vector.broadcast %broadcast_in_dim3A_12 : i32 to vector<16xi32>
    %broadcast_in_dim3A_14 = arith.constant 6 : i32
    %broadcast_in_dim3A_15 = vector.broadcast %broadcast_in_dim3A_14 : i32 to vector<16xi32>
    %broadcast_in_dim3A_16 = arith.constant 7 : i32
    %broadcast_in_dim3A_17 = vector.broadcast %broadcast_in_dim3A_16 : i32 to vector<16xi32>
    %broadcast_in_dim3A_18 = arith.constant 8 : i32
    %broadcast_in_dim3A_19 = vector.broadcast %broadcast_in_dim3A_18 : i32 to vector<16xi32>
    %broadcast_in_dim3A_20 = arith.constant 9 : i32
    %broadcast_in_dim3A_21 = vector.broadcast %broadcast_in_dim3A_20 : i32 to vector<16xi32>
    %broadcast_in_dim3A_22 = arith.constant 10 : i32
    %broadcast_in_dim3A_23 = vector.broadcast %broadcast_in_dim3A_22 : i32 to vector<16xi32>
    %broadcast_in_dim3A_24 = arith.constant 11 : i32
    %broadcast_in_dim3A_25 = vector.broadcast %broadcast_in_dim3A_24 : i32 to vector<16xi32>
    %broadcast_in_dim3A_26 = arith.constant 12 : i32
    %broadcast_in_dim3A_27 = vector.broadcast %broadcast_in_dim3A_26 : i32 to vector<16xi32>
    %broadcast_in_dim3A_28 = arith.constant 13 : i32
    %broadcast_in_dim3A_29 = vector.broadcast %broadcast_in_dim3A_28 : i32 to vector<16xi32>
    %broadcast_in_dim3A_30 = arith.constant 14 : i32
    %broadcast_in_dim3A_31 = vector.broadcast %broadcast_in_dim3A_30 : i32 to vector<16xi32>
    %broadcast_in_dim3A_32 = arith.constant 15 : i32
    %broadcast_in_dim3A_33 = vector.broadcast %broadcast_in_dim3A_32 : i32 to vector<16xi32>
    %broadcast_in_dim3A_34 = arith.constant 16 : i32
    %broadcast_in_dim3A_35 = vector.broadcast %broadcast_in_dim3A_34 : i32 to vector<16xi32>
    %broadcast_in_dim3A_36 = arith.constant 17 : i32
    %broadcast_in_dim3A_37 = vector.broadcast %broadcast_in_dim3A_36 : i32 to vector<16xi32>
    %broadcast_in_dim3A_38 = arith.constant 18 : i32
    %broadcast_in_dim3A_39 = vector.broadcast %broadcast_in_dim3A_38 : i32 to vector<16xi32>
    %broadcast_in_dim3A_40 = arith.constant 19 : i32
    %broadcast_in_dim3A_41 = vector.broadcast %broadcast_in_dim3A_40 : i32 to vector<16xi32>
    %broadcast_in_dim3A_42 = arith.constant 20 : i32
    %broadcast_in_dim3A_43 = vector.broadcast %broadcast_in_dim3A_42 : i32 to vector<16xi32>
    %broadcast_in_dim3A_44 = arith.constant 21 : i32
    %broadcast_in_dim3A_45 = vector.broadcast %broadcast_in_dim3A_44 : i32 to vector<16xi32>
    %broadcast_in_dim3A_46 = arith.constant 22 : i32
    %broadcast_in_dim3A_47 = vector.broadcast %broadcast_in_dim3A_46 : i32 to vector<16xi32>
    %broadcast_in_dim3A_48 = arith.constant 23 : i32
    %broadcast_in_dim3A_49 = vector.broadcast %broadcast_in_dim3A_48 : i32 to vector<16xi32>
    %broadcast_in_dim3A_50 = arith.constant 24 : i32
    %broadcast_in_dim3A_51 = vector.broadcast %broadcast_in_dim3A_50 : i32 to vector<16xi32>
    %broadcast_in_dim3A_52 = arith.constant 25 : i32
    %broadcast_in_dim3A_53 = vector.broadcast %broadcast_in_dim3A_52 : i32 to vector<16xi32>
    %broadcast_in_dim3A_54 = arith.constant 26 : i32
    %broadcast_in_dim3A_55 = vector.broadcast %broadcast_in_dim3A_54 : i32 to vector<16xi32>
    %broadcast_in_dim3A_56 = arith.constant 27 : i32
    %broadcast_in_dim3A_57 = vector.broadcast %broadcast_in_dim3A_56 : i32 to vector<16xi32>
    %broadcast_in_dim3A_58 = arith.constant 28 : i32
    %broadcast_in_dim3A_59 = vector.broadcast %broadcast_in_dim3A_58 : i32 to vector<16xi32>
    %broadcast_in_dim3A_60 = arith.constant 29 : i32
    %broadcast_in_dim3A_61 = vector.broadcast %broadcast_in_dim3A_60 : i32 to vector<16xi32>
    %broadcast_in_dim3A_62 = arith.constant 30 : i32
    %broadcast_in_dim3A_63 = vector.broadcast %broadcast_in_dim3A_62 : i32 to vector<16xi32>
    %broadcast_in_dim3A_64 = arith.constant 31 : i32
    %broadcast_in_dim3A_65 = vector.broadcast %broadcast_in_dim3A_64 : i32 to vector<16xi32>
    %dma_start3A = arith.constant 0 : i32
    %dma_start3A_66 = arith.constant 0 : i32
    %dma_start3A_67 = arith.constant 0 : i32
    %dma_start3A_68 = arith.constant 0 : i32
    %dma_start3A_69 = tpu.memref_slice %arg6[%dma_start3A_67, %dma_start3A_68] : memref<256x128xf32, #tpu.memory_space<vmem>> -> memref<128x128xf32, #tpu.memory_space<vmem>>
    %dma_start3A_70 = arith.constant 0 : i32
    %dma_start3A_71 = tpu.memref_slice %arg5[%dma_start3A, %dma_start3A_66, %dma_start3A_70] : memref<50x4x128xi32, #tpu.memory_space<vmem>> -> memref<1x1x128xi32, #tpu.memory_space<vmem>>
    %dma_start3A_72 = tpu.memref_squeeze %dma_start3A_71 : memref<1x1x128xi32, #tpu.memory_space<vmem>> -> memref<128xi32, #tpu.memory_space<vmem>>
    %dma_start3A_73 = arith.constant 0 : i32
    %dma_start3A_74 = arith.constant 0 : i32
    %dma_start3A_75 = tpu.memref_slice %arg3[%dma_start3A_73, %dma_start3A_74] : memref<1000000x128xf32, #tpu.memory_space<hbm>> -> memref<1000000x128xf32, #tpu.memory_space<hbm>>
    tpu.enqueue_indirect_dma source(%dma_start3A_75 : memref<1000000x128xf32, #tpu.memory_space<hbm>>) target(%dma_start3A_69 : memref<128x128xf32, #tpu.memory_space<vmem>>) offsets(%dma_start3A_72 : memref<128xi32, #tpu.memory_space<vmem>>) semaphore(%arg10 : memref<!tpu.dma_semaphore, #tpu.memory_space<semaphore_mem>>)
    %dma_start3A_76 = arith.constant 0 : i32
    %dma_start3A_77 = arith.constant 1 : i32
    %dma_start3A_78 = arith.constant 128 : i32
    %dma_start3A_79 = arith.constant 0 : i32
    %dma_start3A_80 = tpu.memref_slice %arg6[%dma_start3A_78, %dma_start3A_79] : memref<256x128xf32, #tpu.memory_space<vmem>> -> memref<128x128xf32, #tpu.memory_space<vmem>>
    %dma_start3A_81 = arith.constant 0 : i32
    %dma_start3A_82 = tpu.memref_slice %arg5[%dma_start3A_76, %dma_start3A_77, %dma_start3A_81] : memref<50x4x128xi32, #tpu.memory_space<vmem>> -> memref<1x1x128xi32, #tpu.memory_space<vmem>>
    %dma_start3A_83 = tpu.memref_squeeze %dma_start3A_82 : memref<1x1x128xi32, #tpu.memory_space<vmem>> -> memref<128xi32, #tpu.memory_space<vmem>>
    %dma_start3A_84 = arith.constant 0 : i32
    %dma_start3A_85 = arith.constant 0 : i32
    %dma_start3A_86 = tpu.memref_slice %arg3[%dma_start3A_84, %dma_start3A_85] : memref<1000000x128xf32, #tpu.memory_space<hbm>> -> memref<1000000x128xf32, #tpu.memory_space<hbm>>
    tpu.enqueue_indirect_dma source(%dma_start3A_86 : memref<1000000x128xf32, #tpu.memory_space<hbm>>) target(%dma_start3A_80 : memref<128x128xf32, #tpu.memory_space<vmem>>) offsets(%dma_start3A_83 : memref<128xi32, #tpu.memory_space<vmem>>) semaphore(%arg10 : memref<!tpu.dma_semaphore, #tpu.memory_space<semaphore_mem>>)
    %scan3A = arith.constant 0 : i32
    %scan3A_87 = arith.constant 0 : i32
    %scan3A_88 = arith.constant 50 : i32
    %scan3A_89 = arith.addi %scan3A_87, %scan3A_88 : i32
    %scan3A_90 = arith.constant 1 : i32
    scf.for %scan3A_117 = %scan3A_87 to %scan3A_89 step %scan3A_90  : i32 {
      %mul3A_118 = arith.constant 2 : i32
      %mul3A_119 = arith.muli %mul3A_118, %scan3A_117 : i32
      %dma_wait3A_120 = arith.constant 0 : i32
      %dma_wait3A_121 = arith.constant 0 : i32
      %dma_wait3A_122 = tpu.memref_slice %arg3[%dma_wait3A_120, %dma_wait3A_121] : memref<1000000x128xf32, #tpu.memory_space<hbm>> -> memref<256x128xf32, #tpu.memory_space<hbm>>
      %dma_wait3A_123 = arith.constant 0 : i32
      %dma_wait3A_124 = arith.constant 0 : i32
      %dma_wait3A_125 = tpu.memref_slice %arg3[%dma_wait3A_123, %dma_wait3A_124] : memref<1000000x128xf32, #tpu.memory_space<hbm>> -> memref<256x128xf32, #tpu.memory_space<hbm>>
      tpu.wait_dma2 semaphore(%arg10 : memref<!tpu.dma_semaphore, #tpu.memory_space<semaphore_mem>>) src(%dma_wait3A_125 : memref<256x128xf32, #tpu.memory_space<hbm>>) dst(%arg6 : memref<256x128xf32, #tpu.memory_space<vmem>>)
      %add3A_126 = arith.constant 1 : i32
      %add3A_127 = arith.addi %mul3A_119, %add3A_126 : i32
      %shift_right_arithmetic3A = arith.constant 1 : i32
      %shift_right_arithmetic3A_128 = arith.shrsi %add3A_127, %shift_right_arithmetic3A : i32
      %and3A = arith.constant 1 : i32
      %and3A_129 = arith.andi %add3A_127, %and3A : i32
      %mul3A_130 = arith.constant 2 : i32
      %mul3A_131 = arith.muli %mul3A_130, %and3A_129 : i32
      %add3A_132 = arith.constant 0 : i32
      %add3A_133 = arith.addi %mul3A_131, %add3A_132 : i32
      %dma_start3A_134 = arith.constant 0 : i32
      %dma_start3A_135 = arith.constant 0 : i32
      %dma_start3A_136 = tpu.memref_slice %arg7[%dma_start3A_134, %dma_start3A_135] : memref<256x128xf32, #tpu.memory_space<vmem>> -> memref<128x128xf32, #tpu.memory_space<vmem>>
      %dma_start3A_137 = arith.constant 0 : i32
      %dma_start3A_138 = tpu.memref_slice %arg5[%shift_right_arithmetic3A_128, %add3A_133, %dma_start3A_137] : memref<50x4x128xi32, #tpu.memory_space<vmem>> -> memref<1x1x128xi32, #tpu.memory_space<vmem>>
      %dma_start3A_139 = tpu.memref_squeeze %dma_start3A_138 : memref<1x1x128xi32, #tpu.memory_space<vmem>> -> memref<128xi32, #tpu.memory_space<vmem>>
      %dma_start3A_140 = arith.constant 0 : i32
      %dma_start3A_141 = arith.constant 0 : i32
      %dma_start3A_142 = tpu.memref_slice %arg3[%dma_start3A_140, %dma_start3A_141] : memref<1000000x128xf32, #tpu.memory_space<hbm>> -> memref<1000000x128xf32, #tpu.memory_space<hbm>>
      tpu.enqueue_indirect_dma source(%dma_start3A_142 : memref<1000000x128xf32, #tpu.memory_space<hbm>>) target(%dma_start3A_136 : memref<128x128xf32, #tpu.memory_space<vmem>>) offsets(%dma_start3A_139 : memref<128xi32, #tpu.memory_space<vmem>>) semaphore(%arg11 : memref<!tpu.dma_semaphore, #tpu.memory_space<semaphore_mem>>)
      %mul3A_143 = arith.constant 2 : i32
      %mul3A_144 = arith.muli %mul3A_143, %and3A_129 : i32
      %add3A_145 = arith.constant 1 : i32
      %add3A_146 = arith.addi %mul3A_144, %add3A_145 : i32
      %dma_start3A_147 = arith.constant 128 : i32
      %dma_start3A_148 = arith.constant 0 : i32
      %dma_start3A_149 = tpu.memref_slice %arg7[%dma_start3A_147, %dma_start3A_148] : memref<256x128xf32, #tpu.memory_space<vmem>> -> memref<128x128xf32, #tpu.memory_space<vmem>>
      %dma_start3A_150 = arith.constant 0 : i32
      %dma_start3A_151 = tpu.memref_slice %arg5[%shift_right_arithmetic3A_128, %add3A_146, %dma_start3A_150] : memref<50x4x128xi32, #tpu.memory_space<vmem>> -> memref<1x1x128xi32, #tpu.memory_space<vmem>>
      %dma_start3A_152 = tpu.memref_squeeze %dma_start3A_151 : memref<1x1x128xi32, #tpu.memory_space<vmem>> -> memref<128xi32, #tpu.memory_space<vmem>>
      %dma_start3A_153 = arith.constant 0 : i32
      %dma_start3A_154 = arith.constant 0 : i32
      %dma_start3A_155 = tpu.memref_slice %arg3[%dma_start3A_153, %dma_start3A_154] : memref<1000000x128xf32, #tpu.memory_space<hbm>> -> memref<1000000x128xf32, #tpu.memory_space<hbm>>
      tpu.enqueue_indirect_dma source(%dma_start3A_155 : memref<1000000x128xf32, #tpu.memory_space<hbm>>) target(%dma_start3A_149 : memref<128x128xf32, #tpu.memory_space<vmem>>) offsets(%dma_start3A_152 : memref<128xi32, #tpu.memory_space<vmem>>) semaphore(%arg11 : memref<!tpu.dma_semaphore, #tpu.memory_space<semaphore_mem>>)
      %gt3A = arith.constant 0 : i32
      %gt3A_156 = arith.cmpi sgt, %scan3A_117, %gt3A : i32
      %convert_element_type3A = arith.extui %gt3A_156 : i1 to i32
      %cond3A = arith.constant 0 : i32
      %cond3A_157 = arith.cmpi ne, %convert_element_type3A, %cond3A : i32
      scf.if %cond3A_157 {
        %sub3A = arith.constant 2 : i32
        %sub3A_214 = arith.subi %mul3A_119, %sub3A : i32
        %shift_right_arithmetic3A_215 = arith.constant 1 : i32
        %shift_right_arithmetic3A_216 = arith.shrsi %sub3A_214, %shift_right_arithmetic3A_215 : i32
        %and3A_217 = arith.constant 1 : i32
        %and3A_218 = arith.andi %sub3A_214, %and3A_217 : i32
        %mul3A_219 = arith.constant 2 : i32
        %mul3A_220 = arith.muli %mul3A_219, %and3A_218 : i32
        %add3A_221 = arith.addi %mul3A_2, %mul3A_220 : i32
        %dma_wait3A_222 = arith.constant 0 : i32
        %dma_wait3A_223 = arith.constant 0 : i32
        %dma_wait3A_224 = arith.constant 0 : i32
        %dma_wait3A_225 = tpu.memref_slice %arg4[%shift_right_arithmetic3A_216, %dma_wait3A_222, %add3A_221, %dma_wait3A_223, %dma_wait3A_224] : memref<50x4x128x8x128xf32, #tpu.memory_space<hbm>> -> memref<1x4x2x8x128xf32, #tpu.memory_space<hbm>>
        %dma_wait3A_226 = tpu.memref_squeeze %dma_wait3A_225 : memref<1x4x2x8x128xf32, #tpu.memory_space<hbm>> -> memref<4x2x8x128xf32, #tpu.memory_space<hbm>>
        %dma_wait3A_227 = arith.constant 0 : i32
        %dma_wait3A_228 = arith.constant 0 : i32
        %dma_wait3A_229 = arith.constant 0 : i32
        %dma_wait3A_230 = tpu.memref_slice %arg4[%shift_right_arithmetic3A_216, %dma_wait3A_227, %add3A_221, %dma_wait3A_228, %dma_wait3A_229] : memref<50x4x128x8x128xf32, #tpu.memory_space<hbm>> -> memref<1x4x2x8x128xf32, #tpu.memory_space<hbm>>
        %dma_wait3A_231 = tpu.memref_squeeze %dma_wait3A_230 : memref<1x4x2x8x128xf32, #tpu.memory_space<hbm>> -> memref<4x2x8x128xf32, #tpu.memory_space<hbm>>
        tpu.wait_dma2 semaphore(%arg12 : memref<!tpu.dma_semaphore, #tpu.memory_space<semaphore_mem>>) src(%arg8 : memref<4x2x8x128xf32, #tpu.memory_space<vmem>>) dst(%dma_wait3A_231 : memref<4x2x8x128xf32, #tpu.memory_space<hbm>>)
      } else {
      }
      %parallel_loop3A = arith.constant 0 : i32
      %parallel_loop3A_158 = arith.constant 16 : i32
      %parallel_loop3A_159 = arith.constant 1 : i32
      scf.for %parallel_loop3A_214 = %parallel_loop3A to %parallel_loop3A_158 step %parallel_loop3A_159  : i32 {
        %parallel_loop3A_215 = arith.constant 16 : i32
        %parallel_loop3A_216 = arith.muli %parallel_loop3A_214, %parallel_loop3A_215 : i32
        %parallel_loop3A_217 = vector.broadcast %parallel_loop3A_216 : i32 to vector<16xi32>
        %parallel_loop3A_218 = arith.addi %parallel_loop3A_217, %iota3A : vector<16xi32>
        %parallel_loop3A_219 = arith.constant 3 : i32
        %parallel_loop3A_220 = arith.shrsi %parallel_loop3A_214, %parallel_loop3A_219 : i32
        %parallel_loop3A_221 = arith.constant 7 : i32
        %parallel_loop3A_222 = arith.andi %parallel_loop3A_214, %parallel_loop3A_221 : i32
        %parallel_loop3A_223 = arith.constant 16 : i32
        %parallel_loop3A_224 = arith.muli %parallel_loop3A_222, %parallel_loop3A_223 : i32
        %parallel_loop3A_225 = tpu.vector_load_idx %arg6[%parallel_loop3A_218, %broadcast_in_dim3A_3] : memref<256x128xf32, #tpu.memory_space<vmem>>[vector<16xi32>, vector<16xi32>], vector<16xf32>,
        %parallel_loop3A_226 = arith.constant 5.65685415 : f32
        %parallel_loop3A_227 = vector.broadcast %parallel_loop3A_226 : f32 to vector<16xf32>
        %parallel_loop3A_228 = arith.mulf %parallel_loop3A_225, %parallel_loop3A_227 : vector<16xf32>
        %parallel_loop3A_229 = tpu.vector_load_idx %arg6[%parallel_loop3A_218, %broadcast_in_dim3A_5] : memref<256x128xf32, #tpu.memory_space<vmem>>[vector<16xi32>, vector<16xi32>], vector<16xf32>,
        %parallel_loop3A_230 = arith.constant 5.65685415 : f32
        %parallel_loop3A_231 = vector.broadcast %parallel_loop3A_230 : f32 to vector<16xf32>
        %parallel_loop3A_232 = arith.mulf %parallel_loop3A_229, %parallel_loop3A_231 : vector<16xf32>
        %parallel_loop3A_233 = tpu.vector_load_idx %arg6[%parallel_loop3A_218, %broadcast_in_dim3A_7] : memref<256x128xf32, #tpu.memory_space<vmem>>[vector<16xi32>, vector<16xi32>], vector<16xf32>,
        %parallel_loop3A_234 = arith.constant 5.65685415 : f32
        %parallel_loop3A_235 = vector.broadcast %parallel_loop3A_234 : f32 to vector<16xf32>
        %parallel_loop3A_236 = arith.mulf %parallel_loop3A_233, %parallel_loop3A_235 : vector<16xf32>
        %parallel_loop3A_237 = tpu.vector_load_idx %arg6[%parallel_loop3A_218, %broadcast_in_dim3A_9] : memref<256x128xf32, #tpu.memory_space<vmem>>[vector<16xi32>, vector<16xi32>], vector<16xf32>,
        %parallel_loop3A_238 = arith.constant 5.65685415 : f32
        %parallel_loop3A_239 = vector.broadcast %parallel_loop3A_238 : f32 to vector<16xf32>
        %parallel_loop3A_240 = arith.mulf %parallel_loop3A_237, %parallel_loop3A_239 : vector<16xf32>
        %parallel_loop3A_241 = tpu.vector_load_idx %arg6[%parallel_loop3A_218, %broadcast_in_dim3A_11] : memref<256x128xf32, #tpu.memory_space<vmem>>[vector<16xi32>, vector<16xi32>], vector<16xf32>,
        %parallel_loop3A_242 = arith.constant 5.65685415 : f32
        %parallel_loop3A_243 = vector.broadcast %parallel_loop3A_242 : f32 to vector<16xf32>
        %parallel_loop3A_244 = arith.mulf %parallel_loop3A_241, %parallel_loop3A_243 : vector<16xf32>
        %parallel_loop3A_245 = tpu.vector_load_idx %arg6[%parallel_loop3A_218, %broadcast_in_dim3A_13] : memref<256x128xf32, #tpu.memory_space<vmem>>[vector<16xi32>, vector<16xi32>], vector<16xf32>,
        %parallel_loop3A_246 = arith.constant 5.65685415 : f32
        %parallel_loop3A_247 = vector.broadcast %parallel_loop3A_246 : f32 to vector<16xf32>
        %parallel_loop3A_248 = arith.mulf %parallel_loop3A_245, %parallel_loop3A_247 : vector<16xf32>
        %parallel_loop3A_249 = tpu.vector_load_idx %arg6[%parallel_loop3A_218, %broadcast_in_dim3A_15] : memref<256x128xf32, #tpu.memory_space<vmem>>[vector<16xi32>, vector<16xi32>], vector<16xf32>,
        %parallel_loop3A_250 = arith.constant 5.65685415 : f32
        %parallel_loop3A_251 = vector.broadcast %parallel_loop3A_250 : f32 to vector<16xf32>
        %parallel_loop3A_252 = arith.mulf %parallel_loop3A_249, %parallel_loop3A_251 : vector<16xf32>
        %parallel_loop3A_253 = tpu.vector_load_idx %arg6[%parallel_loop3A_218, %broadcast_in_dim3A_17] : memref<256x128xf32, #tpu.memory_space<vmem>>[vector<16xi32>, vector<16xi32>], vector<16xf32>,
        %parallel_loop3A_254 = arith.constant 5.65685415 : f32
        %parallel_loop3A_255 = vector.broadcast %parallel_loop3A_254 : f32 to vector<16xf32>
        %parallel_loop3A_256 = arith.mulf %parallel_loop3A_253, %parallel_loop3A_255 : vector<16xf32>
        %parallel_loop3A_257 = arith.constant 0 : i32
        %parallel_loop3A_258 = arith.constant 0 : i32
        %parallel_loop3A_259 = arith.index_cast %parallel_loop3A_257 : i32 to index
        %parallel_loop3A_260 = arith.index_cast %parallel_loop3A_220 : i32 to index
        %parallel_loop3A_261 = arith.index_cast %parallel_loop3A_258 : i32 to index
        %parallel_loop3A_262 = arith.index_cast %parallel_loop3A_224 : i32 to index
        %parallel_loop3A_263 = tpu.vector_load %arg8[%parallel_loop3A_259, %parallel_loop3A_260, %parallel_loop3A_261, %parallel_loop3A_262] {strides = array<i32>} : memref<4x2x8x128xf32, #tpu.memory_space<vmem>>, vector<16xf32>,
        tpu.vector_store %arg8[%parallel_loop3A_259, %parallel_loop3A_260, %parallel_loop3A_261, %parallel_loop3A_262], %parallel_loop3A_228 {strides = array<i32>} : memref<4x2x8x128xf32, #tpu.memory_space<vmem>>, vector<16xf32>,
        %parallel_loop3A_264 = arith.constant 0 : i32
        %parallel_loop3A_265 = arith.constant 1 : i32
        %parallel_loop3A_266 = arith.index_cast %parallel_loop3A_264 : i32 to index
        %parallel_loop3A_267 = arith.index_cast %parallel_loop3A_220 : i32 to index
        %parallel_loop3A_268 = arith.index_cast %parallel_loop3A_265 : i32 to index
        %parallel_loop3A_269 = arith.index_cast %parallel_loop3A_224 : i32 to index
        %parallel_loop3A_270 = tpu.vector_load %arg8[%parallel_loop3A_266, %parallel_loop3A_267, %parallel_loop3A_268, %parallel_loop3A_269] {strides = array<i32>} : memref<4x2x8x128xf32, #tpu.memory_space<vmem>>, vector<16xf32>,
        tpu.vector_store %arg8[%parallel_loop3A_266, %parallel_loop3A_267, %parallel_loop3A_268, %parallel_loop3A_269], %parallel_loop3A_232 {strides = array<i32>} : memref<4x2x8x128xf32, #tpu.memory_space<vmem>>, vector<16xf32>,
        %parallel_loop3A_271 = arith.constant 0 : i32
        %parallel_loop3A_272 = arith.constant 2 : i32
        %parallel_loop3A_273 = arith.index_cast %parallel_loop3A_271 : i32 to index
        %parallel_loop3A_274 = arith.index_cast %parallel_loop3A_220 : i32 to index
        %parallel_loop3A_275 = arith.index_cast %parallel_loop3A_272 : i32 to index
        %parallel_loop3A_276 = arith.index_cast %parallel_loop3A_224 : i32 to index
        %parallel_loop3A_277 = tpu.vector_load %arg8[%parallel_loop3A_273, %parallel_loop3A_274, %parallel_loop3A_275, %parallel_loop3A_276] {strides = array<i32>} : memref<4x2x8x128xf32, #tpu.memory_space<vmem>>, vector<16xf32>,
        tpu.vector_store %arg8[%parallel_loop3A_273, %parallel_loop3A_274, %parallel_loop3A_275, %parallel_loop3A_276], %parallel_loop3A_236 {strides = array<i32>} : memref<4x2x8x128xf32, #tpu.memory_space<vmem>>, vector<16xf32>,
        %parallel_loop3A_278 = arith.constant 0 : i32
        %parallel_loop3A_279 = arith.constant 3 : i32
        %parallel_loop3A_280 = arith.index_cast %parallel_loop3A_278 : i32 to index
        %parallel_loop3A_281 = arith.index_cast %parallel_loop3A_220 : i32 to index
        %parallel_loop3A_282 = arith.index_cast %parallel_loop3A_279 : i32 to index
        %parallel_loop3A_283 = arith.index_cast %parallel_loop3A_224 : i32 to index
        %parallel_loop3A_284 = tpu.vector_load %arg8[%parallel_loop3A_280, %parallel_loop3A_281, %parallel_loop3A_282, %parallel_loop3A_283] {strides = array<i32>} : memref<4x2x8x128xf32, #tpu.memory_space<vmem>>, vector<16xf32>,
        tpu.vector_store %arg8[%parallel_loop3A_280, %parallel_loop3A_281, %parallel_loop3A_282, %parallel_loop3A_283], %parallel_loop3A_240 {strides = array<i32>} : memref<4x2x8x128xf32, #tpu.memory_space<vmem>>, vector<16xf32>,
        %parallel_loop3A_285 = arith.constant 0 : i32
        %parallel_loop3A_286 = arith.constant 4 : i32
        %parallel_loop3A_287 = arith.index_cast %parallel_loop3A_285 : i32 to index
        %parallel_loop3A_288 = arith.index_cast %parallel_loop3A_220 : i32 to index
        %parallel_loop3A_289 = arith.index_cast %parallel_loop3A_286 : i32 to index
        %parallel_loop3A_290 = arith.index_cast %parallel_loop3A_224 : i32 to index
        %parallel_loop3A_291 = tpu.vector_load %arg8[%parallel_loop3A_287, %parallel_loop3A_288, %parallel_loop3A_289, %parallel_loop3A_290] {strides = array<i32>} : memref<4x2x8x128xf32, #tpu.memory_space<vmem>>, vector<16xf32>,
        tpu.vector_store %arg8[%parallel_loop3A_287, %parallel_loop3A_288, %parallel_loop3A_289, %parallel_loop3A_290], %parallel_loop3A_244 {strides = array<i32>} : memref<4x2x8x128xf32, #tpu.memory_space<vmem>>, vector<16xf32>,
        %parallel_loop3A_292 = arith.constant 0 : i32
        %parallel_loop3A_293 = arith.constant 5 : i32
        %parallel_loop3A_294 = arith.index_cast %parallel_loop3A_292 : i32 to index
        %parallel_loop3A_295 = arith.index_cast %parallel_loop3A_220 : i32 to index
        %parallel_loop3A_296 = arith.index_cast %parallel_loop3A_293 : i32 to index
        %parallel_loop3A_297 = arith.index_cast %parallel_loop3A_224 : i32 to index
        %parallel_loop3A_298 = tpu.vector_load %arg8[%parallel_loop3A_294, %parallel_loop3A_295, %parallel_loop3A_296, %parallel_loop3A_297] {strides = array<i32>} : memref<4x2x8x128xf32, #tpu.memory_space<vmem>>, vector<16xf32>,
        tpu.vector_store %arg8[%parallel_loop3A_294, %parallel_loop3A_295, %parallel_loop3A_296, %parallel_loop3A_297], %parallel_loop3A_248 {strides = array<i32>} : memref<4x2x8x128xf32, #tpu.memory_space<vmem>>, vector<16xf32>,
        %parallel_loop3A_299 = arith.constant 0 : i32
        %parallel_loop3A_300 = arith.constant 6 : i32
        %parallel_loop3A_301 = arith.index_cast %parallel_loop3A_299 : i32 to index
        %parallel_loop3A_302 = arith.index_cast %parallel_loop3A_220 : i32 to index
        %parallel_loop3A_303 = arith.index_cast %parallel_loop3A_300 : i32 to index
        %parallel_loop3A_304 = arith.index_cast %parallel_loop3A_224 : i32 to index
        %parallel_loop3A_305 = tpu.vector_load %arg8[%parallel_loop3A_301, %parallel_loop3A_302, %parallel_loop3A_303, %parallel_loop3A_304] {strides = array<i32>} : memref<4x2x8x128xf32, #tpu.memory_space<vmem>>, vector<16xf32>,
        tpu.vector_store %arg8[%parallel_loop3A_301, %parallel_loop3A_302, %parallel_loop3A_303, %parallel_loop3A_304], %parallel_loop3A_252 {strides = array<i32>} : memref<4x2x8x128xf32, #tpu.memory_space<vmem>>, vector<16xf32>,
        %parallel_loop3A_306 = arith.constant 0 : i32
        %parallel_loop3A_307 = arith.constant 7 : i32
        %parallel_loop3A_308 = arith.index_cast %parallel_loop3A_306 : i32 to index
        %parallel_loop3A_309 = arith.index_cast %parallel_loop3A_220 : i32 to index
        %parallel_loop3A_310 = arith.index_cast %parallel_loop3A_307 : i32 to index
        %parallel_loop3A_311 = arith.index_cast %parallel_loop3A_224 : i32 to index
        %parallel_loop3A_312 = tpu.vector_load %arg8[%parallel_loop3A_308, %parallel_loop3A_309, %parallel_loop3A_310, %parallel_loop3A_311] {strides = array<i32>} : memref<4x2x8x128xf32, #tpu.memory_space<vmem>>, vector<16xf32>,
        tpu.vector_store %arg8[%parallel_loop3A_308, %parallel_loop3A_309, %parallel_loop3A_310, %parallel_loop3A_311], %parallel_loop3A_256 {strides = array<i32>} : memref<4x2x8x128xf32, #tpu.memory_space<vmem>>, vector<16xf32>,
        %parallel_loop3A_313 = tpu.vector_load_idx %arg6[%parallel_loop3A_218, %broadcast_in_dim3A_19] : memref<256x128xf32, #tpu.memory_space<vmem>>[vector<16xi32>, vector<16xi32>], vector<16xf32>,
        %parallel_loop3A_314 = arith.constant 5.65685415 : f32
        %parallel_loop3A_315 = vector.broadcast %parallel_loop3A_314 : f32 to vector<16xf32>
        %parallel_loop3A_316 = arith.mulf %parallel_loop3A_313, %parallel_loop3A_315 : vector<16xf32>
        %parallel_loop3A_317 = tpu.vector_load_idx %arg6[%parallel_loop3A_218, %broadcast_in_dim3A_21] : memref<256x128xf32, #tpu.memory_space<vmem>>[vector<16xi32>, vector<16xi32>], vector<16xf32>,
        %parallel_loop3A_318 = arith.constant 5.65685415 : f32
        %parallel_loop3A_319 = vector.broadcast %parallel_loop3A_318 : f32 to vector<16xf32>
        %parallel_loop3A_320 = arith.mulf %parallel_loop3A_317, %parallel_loop3A_319 : vector<16xf32>
        %parallel_loop3A_321 = tpu.vector_load_idx %arg6[%parallel_loop3A_218, %broadcast_in_dim3A_23] : memref<256x128xf32, #tpu.memory_space<vmem>>[vector<16xi32>, vector<16xi32>], vector<16xf32>,
        %parallel_loop3A_322 = arith.constant 5.65685415 : f32
        %parallel_loop3A_323 = vector.broadcast %parallel_loop3A_322 : f32 to vector<16xf32>
        %parallel_loop3A_324 = arith.mulf %parallel_loop3A_321, %parallel_loop3A_323 : vector<16xf32>
        %parallel_loop3A_325 = tpu.vector_load_idx %arg6[%parallel_loop3A_218, %broadcast_in_dim3A_25] : memref<256x128xf32, #tpu.memory_space<vmem>>[vector<16xi32>, vector<16xi32>], vector<16xf32>,
        %parallel_loop3A_326 = arith.constant 5.65685415 : f32
        %parallel_loop3A_327 = vector.broadcast %parallel_loop3A_326 : f32 to vector<16xf32>
        %parallel_loop3A_328 = arith.mulf %parallel_loop3A_325, %parallel_loop3A_327 : vector<16xf32>
        %parallel_loop3A_329 = tpu.vector_load_idx %arg6[%parallel_loop3A_218, %broadcast_in_dim3A_27] : memref<256x128xf32, #tpu.memory_space<vmem>>[vector<16xi32>, vector<16xi32>], vector<16xf32>,
        %parallel_loop3A_330 = arith.constant 5.65685415 : f32
        %parallel_loop3A_331 = vector.broadcast %parallel_loop3A_330 : f32 to vector<16xf32>
        %parallel_loop3A_332 = arith.mulf %parallel_loop3A_329, %parallel_loop3A_331 : vector<16xf32>
        %parallel_loop3A_333 = tpu.vector_load_idx %arg6[%parallel_loop3A_218, %broadcast_in_dim3A_29] : memref<256x128xf32, #tpu.memory_space<vmem>>[vector<16xi32>, vector<16xi32>], vector<16xf32>,
        %parallel_loop3A_334 = arith.constant 5.65685415 : f32
        %parallel_loop3A_335 = vector.broadcast %parallel_loop3A_334 : f32 to vector<16xf32>
        %parallel_loop3A_336 = arith.mulf %parallel_loop3A_333, %parallel_loop3A_335 : vector<16xf32>
        %parallel_loop3A_337 = tpu.vector_load_idx %arg6[%parallel_loop3A_218, %broadcast_in_dim3A_31] : memref<256x128xf32, #tpu.memory_space<vmem>>[vector<16xi32>, vector<16xi32>], vector<16xf32>,
        %parallel_loop3A_338 = arith.constant 5.65685415 : f32
        %parallel_loop3A_339 = vector.broadcast %parallel_loop3A_338 : f32 to vector<16xf32>
        %parallel_loop3A_340 = arith.mulf %parallel_loop3A_337, %parallel_loop3A_339 : vector<16xf32>
        %parallel_loop3A_341 = tpu.vector_load_idx %arg6[%parallel_loop3A_218, %broadcast_in_dim3A_33] : memref<256x128xf32, #tpu.memory_space<vmem>>[vector<16xi32>, vector<16xi32>], vector<16xf32>,
        %parallel_loop3A_342 = arith.constant 5.65685415 : f32
        %parallel_loop3A_343 = vector.broadcast %parallel_loop3A_342 : f32 to vector<16xf32>
        %parallel_loop3A_344 = arith.mulf %parallel_loop3A_341, %parallel_loop3A_343 : vector<16xf32>
        %parallel_loop3A_345 = arith.constant 1 : i32
        %parallel_loop3A_346 = arith.constant 0 : i32
        %parallel_loop3A_347 = arith.index_cast %parallel_loop3A_345 : i32 to index
        %parallel_loop3A_348 = arith.index_cast %parallel_loop3A_220 : i32 to index
        %parallel_loop3A_349 = arith.index_cast %parallel_loop3A_346 : i32 to index
        %parallel_loop3A_350 = arith.index_cast %parallel_loop3A_224 : i32 to index
        %parallel_loop3A_351 = tpu.vector_load %arg8[%parallel_loop3A_347, %parallel_loop3A_348, %parallel_loop3A_349, %parallel_loop3A_350] {strides = array<i32>} : memref<4x2x8x128xf32, #tpu.memory_space<vmem>>, vector<16xf32>,
        tpu.vector_store %arg8[%parallel_loop3A_347, %parallel_loop3A_348, %parallel_loop3A_349, %parallel_loop3A_350], %parallel_loop3A_316 {strides = array<i32>} : memref<4x2x8x128xf32, #tpu.memory_space<vmem>>, vector<16xf32>,
        %parallel_loop3A_352 = arith.constant 1 : i32
        %parallel_loop3A_353 = arith.constant 1 : i32
        %parallel_loop3A_354 = arith.index_cast %parallel_loop3A_352 : i32 to index
        %parallel_loop3A_355 = arith.index_cast %parallel_loop3A_220 : i32 to index
        %parallel_loop3A_356 = arith.index_cast %parallel_loop3A_353 : i32 to index
        %parallel_loop3A_357 = arith.index_cast %parallel_loop3A_224 : i32 to index
        %parallel_loop3A_358 = tpu.vector_load %arg8[%parallel_loop3A_354, %parallel_loop3A_355, %parallel_loop3A_356, %parallel_loop3A_357] {strides = array<i32>} : memref<4x2x8x128xf32, #tpu.memory_space<vmem>>, vector<16xf32>,
        tpu.vector_store %arg8[%parallel_loop3A_354, %parallel_loop3A_355, %parallel_loop3A_356, %parallel_loop3A_357], %parallel_loop3A_320 {strides = array<i32>} : memref<4x2x8x128xf32, #tpu.memory_space<vmem>>, vector<16xf32>,
        %parallel_loop3A_359 = arith.constant 1 : i32
        %parallel_loop3A_360 = arith.constant 2 : i32
        %parallel_loop3A_361 = arith.index_cast %parallel_loop3A_359 : i32 to index
        %parallel_loop3A_362 = arith.index_cast %parallel_loop3A_220 : i32 to index
        %parallel_loop3A_363 = arith.index_cast %parallel_loop3A_360 : i32 to index
        %parallel_loop3A_364 = arith.index_cast %parallel_loop3A_224 : i32 to index
        %parallel_loop3A_365 = tpu.vector_load %arg8[%parallel_loop3A_361, %parallel_loop3A_362, %parallel_loop3A_363, %parallel_loop3A_364] {strides = array<i32>} : memref<4x2x8x128xf32, #tpu.memory_space<vmem>>, vector<16xf32>,
        tpu.vector_store %arg8[%parallel_loop3A_361, %parallel_loop3A_362, %parallel_loop3A_363, %parallel_loop3A_364], %parallel_loop3A_324 {strides = array<i32>} : memref<4x2x8x128xf32, #tpu.memory_space<vmem>>, vector<16xf32>,
        %parallel_loop3A_366 = arith.constant 1 : i32
        %parallel_loop3A_367 = arith.constant 3 : i32
        %parallel_loop3A_368 = arith.index_cast %parallel_loop3A_366 : i32 to index
        %parallel_loop3A_369 = arith.index_cast %parallel_loop3A_220 : i32 to index
        %parallel_loop3A_370 = arith.index_cast %parallel_loop3A_367 : i32 to index
        %parallel_loop3A_371 = arith.index_cast %parallel_loop3A_224 : i32 to index
        %parallel_loop3A_372 = tpu.vector_load %arg8[%parallel_loop3A_368, %parallel_loop3A_369, %parallel_loop3A_370, %parallel_loop3A_371] {strides = array<i32>} : memref<4x2x8x128xf32, #tpu.memory_space<vmem>>, vector<16xf32>,
        tpu.vector_store %arg8[%parallel_loop3A_368, %parallel_loop3A_369, %parallel_loop3A_370, %parallel_loop3A_371], %parallel_loop3A_328 {strides = array<i32>} : memref<4x2x8x128xf32, #tpu.memory_space<vmem>>, vector<16xf32>,
        %parallel_loop3A_373 = arith.constant 1 : i32
        %parallel_loop3A_374 = arith.constant 4 : i32
        %parallel_loop3A_375 = arith.index_cast %parallel_loop3A_373 : i32 to index
        %parallel_loop3A_376 = arith.index_cast %parallel_loop3A_220 : i32 to index
        %parallel_loop3A_377 = arith.index_cast %parallel_loop3A_374 : i32 to index
        %parallel_loop3A_378 = arith.index_cast %parallel_loop3A_224 : i32 to index
        %parallel_loop3A_379 = tpu.vector_load %arg8[%parallel_loop3A_375, %parallel_loop3A_376, %parallel_loop3A_377, %parallel_loop3A_378] {strides = array<i32>} : memref<4x2x8x128xf32, #tpu.memory_space<vmem>>, vector<16xf32>,
        tpu.vector_store %arg8[%parallel_loop3A_375, %parallel_loop3A_376, %parallel_loop3A_377, %parallel_loop3A_378], %parallel_loop3A_332 {strides = array<i32>} : memref<4x2x8x128xf32, #tpu.memory_space<vmem>>, vector<16xf32>,
        %parallel_loop3A_380 = arith.constant 1 : i32
        %parallel_loop3A_381 = arith.constant 5 : i32
        %parallel_loop3A_382 = arith.index_cast %parallel_loop3A_380 : i32 to index
        %parallel_loop3A_383 = arith.index_cast %parallel_loop3A_220 : i32 to index
        %parallel_loop3A_384 = arith.index_cast %parallel_loop3A_381 : i32 to index
        %parallel_loop3A_385 = arith.index_cast %parallel_loop3A_224 : i32 to index
        %parallel_loop3A_386 = tpu.vector_load %arg8[%parallel_loop3A_382, %parallel_loop3A_383, %parallel_loop3A_384, %parallel_loop3A_385] {strides = array<i32>} : memref<4x2x8x128xf32, #tpu.memory_space<vmem>>, vector<16xf32>,
        tpu.vector_store %arg8[%parallel_loop3A_382, %parallel_loop3A_383, %parallel_loop3A_384, %parallel_loop3A_385], %parallel_loop3A_336 {strides = array<i32>} : memref<4x2x8x128xf32, #tpu.memory_space<vmem>>, vector<16xf32>,
        %parallel_loop3A_387 = arith.constant 1 : i32
        %parallel_loop3A_388 = arith.constant 6 : i32
        %parallel_loop3A_389 = arith.index_cast %parallel_loop3A_387 : i32 to index
        %parallel_loop3A_390 = arith.index_cast %parallel_loop3A_220 : i32 to index
        %parallel_loop3A_391 = arith.index_cast %parallel_loop3A_388 : i32 to index
        %parallel_loop3A_392 = arith.index_cast %parallel_loop3A_224 : i32 to index
        %parallel_loop3A_393 = tpu.vector_load %arg8[%parallel_loop3A_389, %parallel_loop3A_390, %parallel_loop3A_391, %parallel_loop3A_392] {strides = array<i32>} : memref<4x2x8x128xf32, #tpu.memory_space<vmem>>, vector<16xf32>,
        tpu.vector_store %arg8[%parallel_loop3A_389, %parallel_loop3A_390, %parallel_loop3A_391, %parallel_loop3A_392], %parallel_loop3A_340 {strides = array<i32>} : memref<4x2x8x128xf32, #tpu.memory_space<vmem>>, vector<16xf32>,
        %parallel_loop3A_394 = arith.constant 1 : i32
        %parallel_loop3A_395 = arith.constant 7 : i32
        %parallel_loop3A_396 = arith.index_cast %parallel_loop3A_394 : i32 to index
        %parallel_loop3A_397 = arith.index_cast %parallel_loop3A_220 : i32 to index
        %parallel_loop3A_398 = arith.index_cast %parallel_loop3A_395 : i32 to index
        %parallel_loop3A_399 = arith.index_cast %parallel_loop3A_224 : i32 to index
        %parallel_loop3A_400 = tpu.vector_load %arg8[%parallel_loop3A_396, %parallel_loop3A_397, %parallel_loop3A_398, %parallel_loop3A_399] {strides = array<i32>} : memref<4x2x8x128xf32, #tpu.memory_space<vmem>>, vector<16xf32>,
        tpu.vector_store %arg8[%parallel_loop3A_396, %parallel_loop3A_397, %parallel_loop3A_398, %parallel_loop3A_399], %parallel_loop3A_344 {strides = array<i32>} : memref<4x2x8x128xf32, #tpu.memory_space<vmem>>, vector<16xf32>,
        %parallel_loop3A_401 = tpu.vector_load_idx %arg6[%parallel_loop3A_218, %broadcast_in_dim3A_35] : memref<256x128xf32, #tpu.memory_space<vmem>>[vector<16xi32>, vector<16xi32>], vector<16xf32>,
        %parallel_loop3A_402 = arith.constant 5.65685415 : f32
        %parallel_loop3A_403 = vector.broadcast %parallel_loop3A_402 : f32 to vector<16xf32>
        %parallel_loop3A_404 = arith.mulf %parallel_loop3A_401, %parallel_loop3A_403 : vector<16xf32>
        %parallel_loop3A_405 = tpu.vector_load_idx %arg6[%parallel_loop3A_218, %broadcast_in_dim3A_37] : memref<256x128xf32, #tpu.memory_space<vmem>>[vector<16xi32>, vector<16xi32>], vector<16xf32>,
        %parallel_loop3A_406 = arith.constant 5.65685415 : f32
        %parallel_loop3A_407 = vector.broadcast %parallel_loop3A_406 : f32 to vector<16xf32>
        %parallel_loop3A_408 = arith.mulf %parallel_loop3A_405, %parallel_loop3A_407 : vector<16xf32>
        %parallel_loop3A_409 = tpu.vector_load_idx %arg6[%parallel_loop3A_218, %broadcast_in_dim3A_39] : memref<256x128xf32, #tpu.memory_space<vmem>>[vector<16xi32>, vector<16xi32>], vector<16xf32>,
        %parallel_loop3A_410 = arith.constant 5.65685415 : f32
        %parallel_loop3A_411 = vector.broadcast %parallel_loop3A_410 : f32 to vector<16xf32>
        %parallel_loop3A_412 = arith.mulf %parallel_loop3A_409, %parallel_loop3A_411 : vector<16xf32>
        %parallel_loop3A_413 = tpu.vector_load_idx %arg6[%parallel_loop3A_218, %broadcast_in_dim3A_41] : memref<256x128xf32, #tpu.memory_space<vmem>>[vector<16xi32>, vector<16xi32>], vector<16xf32>,
        %parallel_loop3A_414 = arith.constant 5.65685415 : f32
        %parallel_loop3A_415 = vector.broadcast %parallel_loop3A_414 : f32 to vector<16xf32>
        %parallel_loop3A_416 = arith.mulf %parallel_loop3A_413, %parallel_loop3A_415 : vector<16xf32>
        %parallel_loop3A_417 = tpu.vector_load_idx %arg6[%parallel_loop3A_218, %broadcast_in_dim3A_43] : memref<256x128xf32, #tpu.memory_space<vmem>>[vector<16xi32>, vector<16xi32>], vector<16xf32>,
        %parallel_loop3A_418 = arith.constant 5.65685415 : f32
        %parallel_loop3A_419 = vector.broadcast %parallel_loop3A_418 : f32 to vector<16xf32>
        %parallel_loop3A_420 = arith.mulf %parallel_loop3A_417, %parallel_loop3A_419 : vector<16xf32>
        %parallel_loop3A_421 = tpu.vector_load_idx %arg6[%parallel_loop3A_218, %broadcast_in_dim3A_45] : memref<256x128xf32, #tpu.memory_space<vmem>>[vector<16xi32>, vector<16xi32>], vector<16xf32>,
        %parallel_loop3A_422 = arith.constant 5.65685415 : f32
        %parallel_loop3A_423 = vector.broadcast %parallel_loop3A_422 : f32 to vector<16xf32>
        %parallel_loop3A_424 = arith.mulf %parallel_loop3A_421, %parallel_loop3A_423 : vector<16xf32>
        %parallel_loop3A_425 = tpu.vector_load_idx %arg6[%parallel_loop3A_218, %broadcast_in_dim3A_47] : memref<256x128xf32, #tpu.memory_space<vmem>>[vector<16xi32>, vector<16xi32>], vector<16xf32>,
        %parallel_loop3A_426 = arith.constant 5.65685415 : f32
        %parallel_loop3A_427 = vector.broadcast %parallel_loop3A_426 : f32 to vector<16xf32>
        %parallel_loop3A_428 = arith.mulf %parallel_loop3A_425, %parallel_loop3A_427 : vector<16xf32>
        %parallel_loop3A_429 = tpu.vector_load_idx %arg6[%parallel_loop3A_218, %broadcast_in_dim3A_49] : memref<256x128xf32, #tpu.memory_space<vmem>>[vector<16xi32>, vector<16xi32>], vector<16xf32>,
        %parallel_loop3A_430 = arith.constant 5.65685415 : f32
        %parallel_loop3A_431 = vector.broadcast %parallel_loop3A_430 : f32 to vector<16xf32>
        %parallel_loop3A_432 = arith.mulf %parallel_loop3A_429, %parallel_loop3A_431 : vector<16xf32>
        %parallel_loop3A_433 = arith.constant 2 : i32
        %parallel_loop3A_434 = arith.constant 0 : i32
        %parallel_loop3A_435 = arith.index_cast %parallel_loop3A_433 : i32 to index
        %parallel_loop3A_436 = arith.index_cast %parallel_loop3A_220 : i32 to index
        %parallel_loop3A_437 = arith.index_cast %parallel_loop3A_434 : i32 to index
        %parallel_loop3A_438 = arith.index_cast %parallel_loop3A_224 : i32 to index
        %parallel_loop3A_439 = tpu.vector_load %arg8[%parallel_loop3A_435, %parallel_loop3A_436, %parallel_loop3A_437, %parallel_loop3A_438] {strides = array<i32>} : memref<4x2x8x128xf32, #tpu.memory_space<vmem>>, vector<16xf32>,
        tpu.vector_store %arg8[%parallel_loop3A_435, %parallel_loop3A_436, %parallel_loop3A_437, %parallel_loop3A_438], %parallel_loop3A_404 {strides = array<i32>} : memref<4x2x8x128xf32, #tpu.memory_space<vmem>>, vector<16xf32>,
        %parallel_loop3A_440 = arith.constant 2 : i32
        %parallel_loop3A_441 = arith.constant 1 : i32
        %parallel_loop3A_442 = arith.index_cast %parallel_loop3A_440 : i32 to index
        %parallel_loop3A_443 = arith.index_cast %parallel_loop3A_220 : i32 to index
        %parallel_loop3A_444 = arith.index_cast %parallel_loop3A_441 : i32 to index
        %parallel_loop3A_445 = arith.index_cast %parallel_loop3A_224 : i32 to index
        %parallel_loop3A_446 = tpu.vector_load %arg8[%parallel_loop3A_442, %parallel_loop3A_443, %parallel_loop3A_444, %parallel_loop3A_445] {strides = array<i32>} : memref<4x2x8x128xf32, #tpu.memory_space<vmem>>, vector<16xf32>,
        tpu.vector_store %arg8[%parallel_loop3A_442, %parallel_loop3A_443, %parallel_loop3A_444, %parallel_loop3A_445], %parallel_loop3A_408 {strides = array<i32>} : memref<4x2x8x128xf32, #tpu.memory_space<vmem>>, vector<16xf32>,
        %parallel_loop3A_447 = arith.constant 2 : i32
        %parallel_loop3A_448 = arith.constant 2 : i32
        %parallel_loop3A_449 = arith.index_cast %parallel_loop3A_447 : i32 to index
        %parallel_loop3A_450 = arith.index_cast %parallel_loop3A_220 : i32 to index
        %parallel_loop3A_451 = arith.index_cast %parallel_loop3A_448 : i32 to index
        %parallel_loop3A_452 = arith.index_cast %parallel_loop3A_224 : i32 to index
        %parallel_loop3A_453 = tpu.vector_load %arg8[%parallel_loop3A_449, %parallel_loop3A_450, %parallel_loop3A_451, %parallel_loop3A_452] {strides = array<i32>} : memref<4x2x8x128xf32, #tpu.memory_space<vmem>>, vector<16xf32>,
        tpu.vector_store %arg8[%parallel_loop3A_449, %parallel_loop3A_450, %parallel_loop3A_451, %parallel_loop3A_452], %parallel_loop3A_412 {strides = array<i32>} : memref<4x2x8x128xf32, #tpu.memory_space<vmem>>, vector<16xf32>,
        %parallel_loop3A_454 = arith.constant 2 : i32
        %parallel_loop3A_455 = arith.constant 3 : i32
        %parallel_loop3A_456 = arith.index_cast %parallel_loop3A_454 : i32 to index
        %parallel_loop3A_457 = arith.index_cast %parallel_loop3A_220 : i32 to index
        %parallel_loop3A_458 = arith.index_cast %parallel_loop3A_455 : i32 to index
        %parallel_loop3A_459 = arith.index_cast %parallel_loop3A_224 : i32 to index
        %parallel_loop3A_460 = tpu.vector_load %arg8[%parallel_loop3A_456, %parallel_loop3A_457, %parallel_loop3A_458, %parallel_loop3A_459] {strides = array<i32>} : memref<4x2x8x128xf32, #tpu.memory_space<vmem>>, vector<16xf32>,
        tpu.vector_store %arg8[%parallel_loop3A_456, %parallel_loop3A_457, %parallel_loop3A_458, %parallel_loop3A_459], %parallel_loop3A_416 {strides = array<i32>} : memref<4x2x8x128xf32, #tpu.memory_space<vmem>>, vector<16xf32>,
        %parallel_loop3A_461 = arith.constant 2 : i32
        %parallel_loop3A_462 = arith.constant 4 : i32
        %parallel_loop3A_463 = arith.index_cast %parallel_loop3A_461 : i32 to index
        %parallel_loop3A_464 = arith.index_cast %parallel_loop3A_220 : i32 to index
        %parallel_loop3A_465 = arith.index_cast %parallel_loop3A_462 : i32 to index
        %parallel_loop3A_466 = arith.index_cast %parallel_loop3A_224 : i32 to index
        %parallel_loop3A_467 = tpu.vector_load %arg8[%parallel_loop3A_463, %parallel_loop3A_464, %parallel_loop3A_465, %parallel_loop3A_466] {strides = array<i32>} : memref<4x2x8x128xf32, #tpu.memory_space<vmem>>, vector<16xf32>,
        tpu.vector_store %arg8[%parallel_loop3A_463, %parallel_loop3A_464, %parallel_loop3A_465, %parallel_loop3A_466], %parallel_loop3A_420 {strides = array<i32>} : memref<4x2x8x128xf32, #tpu.memory_space<vmem>>, vector<16xf32>,
        %parallel_loop3A_468 = arith.constant 2 : i32
        %parallel_loop3A_469 = arith.constant 5 : i32
        %parallel_loop3A_470 = arith.index_cast %parallel_loop3A_468 : i32 to index
        %parallel_loop3A_471 = arith.index_cast %parallel_loop3A_220 : i32 to index
        %parallel_loop3A_472 = arith.index_cast %parallel_loop3A_469 : i32 to index
        %parallel_loop3A_473 = arith.index_cast %parallel_loop3A_224 : i32 to index
        %parallel_loop3A_474 = tpu.vector_load %arg8[%parallel_loop3A_470, %parallel_loop3A_471, %parallel_loop3A_472, %parallel_loop3A_473] {strides = array<i32>} : memref<4x2x8x128xf32, #tpu.memory_space<vmem>>, vector<16xf32>,
        tpu.vector_store %arg8[%parallel_loop3A_470, %parallel_loop3A_471, %parallel_loop3A_472, %parallel_loop3A_473], %parallel_loop3A_424 {strides = array<i32>} : memref<4x2x8x128xf32, #tpu.memory_space<vmem>>, vector<16xf32>,
        %parallel_loop3A_475 = arith.constant 2 : i32
        %parallel_loop3A_476 = arith.constant 6 : i32
        %parallel_loop3A_477 = arith.index_cast %parallel_loop3A_475 : i32 to index
        %parallel_loop3A_478 = arith.index_cast %parallel_loop3A_220 : i32 to index
        %parallel_loop3A_479 = arith.index_cast %parallel_loop3A_476 : i32 to index
        %parallel_loop3A_480 = arith.index_cast %parallel_loop3A_224 : i32 to index
        %parallel_loop3A_481 = tpu.vector_load %arg8[%parallel_loop3A_477, %parallel_loop3A_478, %parallel_loop3A_479, %parallel_loop3A_480] {strides = array<i32>} : memref<4x2x8x128xf32, #tpu.memory_space<vmem>>, vector<16xf32>,
        tpu.vector_store %arg8[%parallel_loop3A_477, %parallel_loop3A_478, %parallel_loop3A_479, %parallel_loop3A_480], %parallel_loop3A_428 {strides = array<i32>} : memref<4x2x8x128xf32, #tpu.memory_space<vmem>>, vector<16xf32>,
        %parallel_loop3A_482 = arith.constant 2 : i32
        %parallel_loop3A_483 = arith.constant 7 : i32
        %parallel_loop3A_484 = arith.index_cast %parallel_loop3A_482 : i32 to index
        %parallel_loop3A_485 = arith.index_cast %parallel_loop3A_220 : i32 to index
        %parallel_loop3A_486 = arith.index_cast %parallel_loop3A_483 : i32 to index
        %parallel_loop3A_487 = arith.index_cast %parallel_loop3A_224 : i32 to index
        %parallel_loop3A_488 = tpu.vector_load %arg8[%parallel_loop3A_484, %parallel_loop3A_485, %parallel_loop3A_486, %parallel_loop3A_487] {strides = array<i32>} : memref<4x2x8x128xf32, #tpu.memory_space<vmem>>, vector<16xf32>,
        tpu.vector_store %arg8[%parallel_loop3A_484, %parallel_loop3A_485, %parallel_loop3A_486, %parallel_loop3A_487], %parallel_loop3A_432 {strides = array<i32>} : memref<4x2x8x128xf32, #tpu.memory_space<vmem>>, vector<16xf32>,
        %parallel_loop3A_489 = tpu.vector_load_idx %arg6[%parallel_loop3A_218, %broadcast_in_dim3A_51] : memref<256x128xf32, #tpu.memory_space<vmem>>[vector<16xi32>, vector<16xi32>], vector<16xf32>,
        %parallel_loop3A_490 = arith.constant 5.65685415 : f32
        %parallel_loop3A_491 = vector.broadcast %parallel_loop3A_490 : f32 to vector<16xf32>
        %parallel_loop3A_492 = arith.mulf %parallel_loop3A_489, %parallel_loop3A_491 : vector<16xf32>
        %parallel_loop3A_493 = tpu.vector_load_idx %arg6[%parallel_loop3A_218, %broadcast_in_dim3A_53] : memref<256x128xf32, #tpu.memory_space<vmem>>[vector<16xi32>, vector<16xi32>], vector<16xf32>,
        %parallel_loop3A_494 = arith.constant 5.65685415 : f32
        %parallel_loop3A_495 = vector.broadcast %parallel_loop3A_494 : f32 to vector<16xf32>
        %parallel_loop3A_496 = arith.mulf %parallel_loop3A_493, %parallel_loop3A_495 : vector<16xf32>
        %parallel_loop3A_497 = tpu.vector_load_idx %arg6[%parallel_loop3A_218, %broadcast_in_dim3A_55] : memref<256x128xf32, #tpu.memory_space<vmem>>[vector<16xi32>, vector<16xi32>], vector<16xf32>,
        %parallel_loop3A_498 = arith.constant 5.65685415 : f32
        %parallel_loop3A_499 = vector.broadcast %parallel_loop3A_498 : f32 to vector<16xf32>
        %parallel_loop3A_500 = arith.mulf %parallel_loop3A_497, %parallel_loop3A_499 : vector<16xf32>
        %parallel_loop3A_501 = tpu.vector_load_idx %arg6[%parallel_loop3A_218, %broadcast_in_dim3A_57] : memref<256x128xf32, #tpu.memory_space<vmem>>[vector<16xi32>, vector<16xi32>], vector<16xf32>,
        %parallel_loop3A_502 = arith.constant 5.65685415 : f32
        %parallel_loop3A_503 = vector.broadcast %parallel_loop3A_502 : f32 to vector<16xf32>
        %parallel_loop3A_504 = arith.mulf %parallel_loop3A_501, %parallel_loop3A_503 : vector<16xf32>
        %parallel_loop3A_505 = tpu.vector_load_idx %arg6[%parallel_loop3A_218, %broadcast_in_dim3A_59] : memref<256x128xf32, #tpu.memory_space<vmem>>[vector<16xi32>, vector<16xi32>], vector<16xf32>,
        %parallel_loop3A_506 = arith.constant 5.65685415 : f32
        %parallel_loop3A_507 = vector.broadcast %parallel_loop3A_506 : f32 to vector<16xf32>
        %parallel_loop3A_508 = arith.mulf %parallel_loop3A_505, %parallel_loop3A_507 : vector<16xf32>
        %parallel_loop3A_509 = tpu.vector_load_idx %arg6[%parallel_loop3A_218, %broadcast_in_dim3A_61] : memref<256x128xf32, #tpu.memory_space<vmem>>[vector<16xi32>, vector<16xi32>], vector<16xf32>,
        %parallel_loop3A_510 = arith.constant 5.65685415 : f32
        %parallel_loop3A_511 = vector.broadcast %parallel_loop3A_510 : f32 to vector<16xf32>
        %parallel_loop3A_512 = arith.mulf %parallel_loop3A_509, %parallel_loop3A_511 : vector<16xf32>
        %parallel_loop3A_513 = tpu.vector_load_idx %arg6[%parallel_loop3A_218, %broadcast_in_dim3A_63] : memref<256x128xf32, #tpu.memory_space<vmem>>[vector<16xi32>, vector<16xi32>], vector<16xf32>,
        %parallel_loop3A_514 = arith.constant 5.65685415 : f32
        %parallel_loop3A_515 = vector.broadcast %parallel_loop3A_514 : f32 to vector<16xf32>
        %parallel_loop3A_516 = arith.mulf %parallel_loop3A_513, %parallel_loop3A_515 : vector<16xf32>
        %parallel_loop3A_517 = tpu.vector_load_idx %arg6[%parallel_loop3A_218, %broadcast_in_dim3A_65] : memref<256x128xf32, #tpu.memory_space<vmem>>[vector<16xi32>, vector<16xi32>], vector<16xf32>,
        %parallel_loop3A_518 = arith.constant 5.65685415 : f32
        %parallel_loop3A_519 = vector.broadcast %parallel_loop3A_518 : f32 to vector<16xf32>
        %parallel_loop3A_520 = arith.mulf %parallel_loop3A_517, %parallel_loop3A_519 : vector<16xf32>
        %parallel_loop3A_521 = arith.constant 3 : i32
        %parallel_loop3A_522 = arith.constant 0 : i32
        %parallel_loop3A_523 = arith.index_cast %parallel_loop3A_521 : i32 to index
        %parallel_loop3A_524 = arith.index_cast %parallel_loop3A_220 : i32 to index
        %parallel_loop3A_525 = arith.index_cast %parallel_loop3A_522 : i32 to index
        %parallel_loop3A_526 = arith.index_cast %parallel_loop3A_224 : i32 to index
        %parallel_loop3A_527 = tpu.vector_load %arg8[%parallel_loop3A_523, %parallel_loop3A_524, %parallel_loop3A_525, %parallel_loop3A_526] {strides = array<i32>} : memref<4x2x8x128xf32, #tpu.memory_space<vmem>>, vector<16xf32>,
        tpu.vector_store %arg8[%parallel_loop3A_523, %parallel_loop3A_524, %parallel_loop3A_525, %parallel_loop3A_526], %parallel_loop3A_492 {strides = array<i32>} : memref<4x2x8x128xf32, #tpu.memory_space<vmem>>, vector<16xf32>,
        %parallel_loop3A_528 = arith.constant 3 : i32
        %parallel_loop3A_529 = arith.constant 1 : i32
        %parallel_loop3A_530 = arith.index_cast %parallel_loop3A_528 : i32 to index
        %parallel_loop3A_531 = arith.index_cast %parallel_loop3A_220 : i32 to index
        %parallel_loop3A_532 = arith.index_cast %parallel_loop3A_529 : i32 to index
        %parallel_loop3A_533 = arith.index_cast %parallel_loop3A_224 : i32 to index
        %parallel_loop3A_534 = tpu.vector_load %arg8[%parallel_loop3A_530, %parallel_loop3A_531, %parallel_loop3A_532, %parallel_loop3A_533] {strides = array<i32>} : memref<4x2x8x128xf32, #tpu.memory_space<vmem>>, vector<16xf32>,
        tpu.vector_store %arg8[%parallel_loop3A_530, %parallel_loop3A_531, %parallel_loop3A_532, %parallel_loop3A_533], %parallel_loop3A_496 {strides = array<i32>} : memref<4x2x8x128xf32, #tpu.memory_space<vmem>>, vector<16xf32>,
        %parallel_loop3A_535 = arith.constant 3 : i32
        %parallel_loop3A_536 = arith.constant 2 : i32
        %parallel_loop3A_537 = arith.index_cast %parallel_loop3A_535 : i32 to index
        %parallel_loop3A_538 = arith.index_cast %parallel_loop3A_220 : i32 to index
        %parallel_loop3A_539 = arith.index_cast %parallel_loop3A_536 : i32 to index
        %parallel_loop3A_540 = arith.index_cast %parallel_loop3A_224 : i32 to index
        %parallel_loop3A_541 = tpu.vector_load %arg8[%parallel_loop3A_537, %parallel_loop3A_538, %parallel_loop3A_539, %parallel_loop3A_540] {strides = array<i32>} : memref<4x2x8x128xf32, #tpu.memory_space<vmem>>, vector<16xf32>,
        tpu.vector_store %arg8[%parallel_loop3A_537, %parallel_loop3A_538, %parallel_loop3A_539, %parallel_loop3A_540], %parallel_loop3A_500 {strides = array<i32>} : memref<4x2x8x128xf32, #tpu.memory_space<vmem>>, vector<16xf32>,
        %parallel_loop3A_542 = arith.constant 3 : i32
        %parallel_loop3A_543 = arith.constant 3 : i32
        %parallel_loop3A_544 = arith.index_cast %parallel_loop3A_542 : i32 to index
        %parallel_loop3A_545 = arith.index_cast %parallel_loop3A_220 : i32 to index
        %parallel_loop3A_546 = arith.index_cast %parallel_loop3A_543 : i32 to index
        %parallel_loop3A_547 = arith.index_cast %parallel_loop3A_224 : i32 to index
        %parallel_loop3A_548 = tpu.vector_load %arg8[%parallel_loop3A_544, %parallel_loop3A_545, %parallel_loop3A_546, %parallel_loop3A_547] {strides = array<i32>} : memref<4x2x8x128xf32, #tpu.memory_space<vmem>>, vector<16xf32>,
        tpu.vector_store %arg8[%parallel_loop3A_544, %parallel_loop3A_545, %parallel_loop3A_546, %parallel_loop3A_547], %parallel_loop3A_504 {strides = array<i32>} : memref<4x2x8x128xf32, #tpu.memory_space<vmem>>, vector<16xf32>,
        %parallel_loop3A_549 = arith.constant 3 : i32
        %parallel_loop3A_550 = arith.constant 4 : i32
        %parallel_loop3A_551 = arith.index_cast %parallel_loop3A_549 : i32 to index
        %parallel_loop3A_552 = arith.index_cast %parallel_loop3A_220 : i32 to index
        %parallel_loop3A_553 = arith.index_cast %parallel_loop3A_550 : i32 to index
        %parallel_loop3A_554 = arith.index_cast %parallel_loop3A_224 : i32 to index
        %parallel_loop3A_555 = tpu.vector_load %arg8[%parallel_loop3A_551, %parallel_loop3A_552, %parallel_loop3A_553, %parallel_loop3A_554] {strides = array<i32>} : memref<4x2x8x128xf32, #tpu.memory_space<vmem>>, vector<16xf32>,
        tpu.vector_store %arg8[%parallel_loop3A_551, %parallel_loop3A_552, %parallel_loop3A_553, %parallel_loop3A_554], %parallel_loop3A_508 {strides = array<i32>} : memref<4x2x8x128xf32, #tpu.memory_space<vmem>>, vector<16xf32>,
        %parallel_loop3A_556 = arith.constant 3 : i32
        %parallel_loop3A_557 = arith.constant 5 : i32
        %parallel_loop3A_558 = arith.index_cast %parallel_loop3A_556 : i32 to index
        %parallel_loop3A_559 = arith.index_cast %parallel_loop3A_220 : i32 to index
        %parallel_loop3A_560 = arith.index_cast %parallel_loop3A_557 : i32 to index
        %parallel_loop3A_561 = arith.index_cast %parallel_loop3A_224 : i32 to index
        %parallel_loop3A_562 = tpu.vector_load %arg8[%parallel_loop3A_558, %parallel_loop3A_559, %parallel_loop3A_560, %parallel_loop3A_561] {strides = array<i32>} : memref<4x2x8x128xf32, #tpu.memory_space<vmem>>, vector<16xf32>,
        tpu.vector_store %arg8[%parallel_loop3A_558, %parallel_loop3A_559, %parallel_loop3A_560, %parallel_loop3A_561], %parallel_loop3A_512 {strides = array<i32>} : memref<4x2x8x128xf32, #tpu.memory_space<vmem>>, vector<16xf32>,
        %parallel_loop3A_563 = arith.constant 3 : i32
        %parallel_loop3A_564 = arith.constant 6 : i32
        %parallel_loop3A_565 = arith.index_cast %parallel_loop3A_563 : i32 to index
        %parallel_loop3A_566 = arith.index_cast %parallel_loop3A_220 : i32 to index
        %parallel_loop3A_567 = arith.index_cast %parallel_loop3A_564 : i32 to index
        %parallel_loop3A_568 = arith.index_cast %parallel_loop3A_224 : i32 to index
        %parallel_loop3A_569 = tpu.vector_load %arg8[%parallel_loop3A_565, %parallel_loop3A_566, %parallel_loop3A_567, %parallel_loop3A_568] {strides = array<i32>} : memref<4x2x8x128xf32, #tpu.memory_space<vmem>>, vector<16xf32>,
        tpu.vector_store %arg8[%parallel_loop3A_565, %parallel_loop3A_566, %parallel_loop3A_567, %parallel_loop3A_568], %parallel_loop3A_516 {strides = array<i32>} : memref<4x2x8x128xf32, #tpu.memory_space<vmem>>, vector<16xf32>,
        %parallel_loop3A_570 = arith.constant 3 : i32
        %parallel_loop3A_571 = arith.constant 7 : i32
        %parallel_loop3A_572 = arith.index_cast %parallel_loop3A_570 : i32 to index
        %parallel_loop3A_573 = arith.index_cast %parallel_loop3A_220 : i32 to index
        %parallel_loop3A_574 = arith.index_cast %parallel_loop3A_571 : i32 to index
        %parallel_loop3A_575 = arith.index_cast %parallel_loop3A_224 : i32 to index
        %parallel_loop3A_576 = tpu.vector_load %arg8[%parallel_loop3A_572, %parallel_loop3A_573, %parallel_loop3A_574, %parallel_loop3A_575] {strides = array<i32>} : memref<4x2x8x128xf32, #tpu.memory_space<vmem>>, vector<16xf32>,
        tpu.vector_store %arg8[%parallel_loop3A_572, %parallel_loop3A_573, %parallel_loop3A_574, %parallel_loop3A_575], %parallel_loop3A_520 {strides = array<i32>} : memref<4x2x8x128xf32, #tpu.memory_space<vmem>>, vector<16xf32>,
      } {sc.loop_unroll_factor = 2 : i64, sc.parallel_access}
      %shift_right_arithmetic3A_160 = arith.constant 1 : i32
      %shift_right_arithmetic3A_161 = arith.shrsi %mul3A_119, %shift_right_arithmetic3A_160 : i32
      %and3A_162 = arith.constant 1 : i32
      %and3A_163 = arith.andi %mul3A_119, %and3A_162 : i32
      %mul3A_164 = arith.constant 2 : i32
      %mul3A_165 = arith.muli %mul3A_164, %and3A_163 : i32
      %add3A_166 = arith.addi %mul3A_2, %mul3A_165 : i32
      %dma_start3A_167 = arith.constant 0 : i32
      %dma_start3A_168 = arith.constant 0 : i32
      %dma_start3A_169 = arith.constant 0 : i32
      %dma_start3A_170 = tpu.memref_slice %arg4[%shift_right_arithmetic3A_161, %dma_start3A_167, %add3A_166, %dma_start3A_168, %dma_start3A_169] : memref<50x4x128x8x128xf32, #tpu.memory_space<hbm>> -> memref<1x4x2x8x128xf32, #tpu.memory_space<hbm>>
      %dma_start3A_171 = tpu.memref_squeeze %dma_start3A_170 : memref<1x4x2x8x128xf32, #tpu.memory_space<hbm>> -> memref<4x2x8x128xf32, #tpu.memory_space<hbm>>
      %dma_start3A_172 = arith.constant 0 : i32
      %dma_start3A_173 = arith.constant 0 : i32
      %dma_start3A_174 = arith.constant 0 : i32
      %dma_start3A_175 = tpu.memref_slice %arg4[%shift_right_arithmetic3A_161, %dma_start3A_172, %add3A_166, %dma_start3A_173, %dma_start3A_174] : memref<50x4x128x8x128xf32, #tpu.memory_space<hbm>> -> memref<1x4x2x8x128xf32, #tpu.memory_space<hbm>>
      %dma_start3A_176 = tpu.memref_squeeze %dma_start3A_175 : memref<1x4x2x8x128xf32, #tpu.memory_space<hbm>> -> memref<4x2x8x128xf32, #tpu.memory_space<hbm>>
      tpu.enqueue_dma source(%arg8 : memref<4x2x8x128xf32, #tpu.memory_space<vmem>>) target(%dma_start3A_176 : memref<4x2x8x128xf32, #tpu.memory_space<hbm>>) target_semaphore(%arg12 : memref<!tpu.dma_semaphore, #tpu.memory_space<semaphore_mem>>)
      %dma_wait3A_177 = arith.constant 0 : i32
      %dma_wait3A_178 = arith.constant 0 : i32
      %dma_wait3A_179 = tpu.memref_slice %arg3[%dma_wait3A_177, %dma_wait3A_178] : memref<1000000x128xf32, #tpu.memory_space<hbm>> -> memref<256x128xf32, #tpu.memory_space<hbm>>
      %dma_wait3A_180 = arith.constant 0 : i32
      %dma_wait3A_181 = arith.constant 0 : i32
      %dma_wait3A_182 = tpu.memref_slice %arg3[%dma_wait3A_180, %dma_wait3A_181] : memref<1000000x128xf32, #tpu.memory_space<hbm>> -> memref<256x128xf32, #tpu.memory_space<hbm>>
      tpu.wait_dma2 semaphore(%arg11 : memref<!tpu.dma_semaphore, #tpu.memory_space<semaphore_mem>>) src(%dma_wait3A_182 : memref<256x128xf32, #tpu.memory_space<hbm>>) dst(%arg7 : memref<256x128xf32, #tpu.memory_space<vmem>>)
      %lt3A = arith.constant 49 : i32
      %lt3A_183 = arith.cmpi slt, %scan3A_117, %lt3A : i32
      %convert_element_type3A_184 = arith.extui %lt3A_183 : i1 to i32
      %cond3A_185 = arith.constant 0 : i32
      %cond3A_186 = arith.cmpi ne, %convert_element_type3A_184, %cond3A_185 : i32
      scf.if %cond3A_186 {
        %add3A_214 = arith.constant 2 : i32
        %add3A_215 = arith.addi %mul3A_119, %add3A_214 : i32
        %shift_right_arithmetic3A_216 = arith.constant 1 : i32
        %shift_right_arithmetic3A_217 = arith.shrsi %add3A_215, %shift_right_arithmetic3A_216 : i32
        %and3A_218 = arith.constant 1 : i32
        %and3A_219 = arith.andi %add3A_215, %and3A_218 : i32
        %mul3A_220 = arith.constant 2 : i32
        %mul3A_221 = arith.muli %mul3A_220, %and3A_219 : i32
        %add3A_222 = arith.constant 0 : i32
        %add3A_223 = arith.addi %mul3A_221, %add3A_222 : i32
        %dma_start3A_224 = arith.constant 0 : i32
        %dma_start3A_225 = arith.constant 0 : i32
        %dma_start3A_226 = tpu.memref_slice %arg6[%dma_start3A_224, %dma_start3A_225] : memref<256x128xf32, #tpu.memory_space<vmem>> -> memref<128x128xf32, #tpu.memory_space<vmem>>
        %dma_start3A_227 = arith.constant 0 : i32
        %dma_start3A_228 = tpu.memref_slice %arg5[%shift_right_arithmetic3A_217, %add3A_223, %dma_start3A_227] : memref<50x4x128xi32, #tpu.memory_space<vmem>> -> memref<1x1x128xi32, #tpu.memory_space<vmem>>
        %dma_start3A_229 = tpu.memref_squeeze %dma_start3A_228 : memref<1x1x128xi32, #tpu.memory_space<vmem>> -> memref<128xi32, #tpu.memory_space<vmem>>
        %dma_start3A_230 = arith.constant 0 : i32
        %dma_start3A_231 = arith.constant 0 : i32
        %dma_start3A_232 = tpu.memref_slice %arg3[%dma_start3A_230, %dma_start3A_231] : memref<1000000x128xf32, #tpu.memory_space<hbm>> -> memref<1000000x128xf32, #tpu.memory_space<hbm>>
        tpu.enqueue_indirect_dma source(%dma_start3A_232 : memref<1000000x128xf32, #tpu.memory_space<hbm>>) target(%dma_start3A_226 : memref<128x128xf32, #tpu.memory_space<vmem>>) offsets(%dma_start3A_229 : memref<128xi32, #tpu.memory_space<vmem>>) semaphore(%arg10 : memref<!tpu.dma_semaphore, #tpu.memory_space<semaphore_mem>>)
        %mul3A_233 = arith.constant 2 : i32
        %mul3A_234 = arith.muli %mul3A_233, %and3A_219 : i32
        %add3A_235 = arith.constant 1 : i32
        %add3A_236 = arith.addi %mul3A_234, %add3A_235 : i32
        %dma_start3A_237 = arith.constant 128 : i32
        %dma_start3A_238 = arith.constant 0 : i32
        %dma_start3A_239 = tpu.memref_slice %arg6[%dma_start3A_237, %dma_start3A_238] : memref<256x128xf32, #tpu.memory_space<vmem>> -> memref<128x128xf32, #tpu.memory_space<vmem>>
        %dma_start3A_240 = arith.constant 0 : i32
        %dma_start3A_241 = tpu.memref_slice %arg5[%shift_right_arithmetic3A_217, %add3A_236, %dma_start3A_240] : memref<50x4x128xi32, #tpu.memory_space<vmem>> -> memref<1x1x128xi32, #tpu.memory_space<vmem>>
        %dma_start3A_242 = tpu.memref_squeeze %dma_start3A_241 : memref<1x1x128xi32, #tpu.memory_space<vmem>> -> memref<128xi32, #tpu.memory_space<vmem>>
        %dma_start3A_243 = arith.constant 0 : i32
        %dma_start3A_244 = arith.constant 0 : i32
        %dma_start3A_245 = tpu.memref_slice %arg3[%dma_start3A_243, %dma_start3A_244] : memref<1000000x128xf32, #tpu.memory_space<hbm>> -> memref<1000000x128xf32, #tpu.memory_space<hbm>>
        tpu.enqueue_indirect_dma source(%dma_start3A_245 : memref<1000000x128xf32, #tpu.memory_space<hbm>>) target(%dma_start3A_239 : memref<128x128xf32, #tpu.memory_space<vmem>>) offsets(%dma_start3A_242 : memref<128xi32, #tpu.memory_space<vmem>>) semaphore(%arg10 : memref<!tpu.dma_semaphore, #tpu.memory_space<semaphore_mem>>)
      } else {
      }
      %gt3A_187 = arith.constant 0 : i32
      %gt3A_188 = arith.cmpi sgt, %scan3A_117, %gt3A_187 : i32
      %convert_element_type3A_189 = arith.extui %gt3A_188 : i1 to i32
      %cond3A_190 = arith.constant 0 : i32
      %cond3A_191 = arith.cmpi ne, %convert_element_type3A_189, %cond3A_190 : i32
      scf.if %cond3A_191 {
        %sub3A = arith.constant 1 : i32
        %sub3A_214 = arith.subi %mul3A_119, %sub3A : i32
        %shift_right_arithmetic3A_215 = arith.constant 1 : i32
        %shift_right_arithmetic3A_216 = arith.shrsi %sub3A_214, %shift_right_arithmetic3A_215 : i32
        %and3A_217 = arith.constant 1 : i32
        %and3A_218 = arith.andi %sub3A_214, %and3A_217 : i32
        %mul3A_219 = arith.constant 2 : i32
        %mul3A_220 = arith.muli %mul3A_219, %and3A_218 : i32
        %add3A_221 = arith.addi %mul3A_2, %mul3A_220 : i32
        %dma_wait3A_222 = arith.constant 0 : i32
        %dma_wait3A_223 = arith.constant 0 : i32
        %dma_wait3A_224 = arith.constant 0 : i32
        %dma_wait3A_225 = tpu.memref_slice %arg4[%shift_right_arithmetic3A_216, %dma_wait3A_222, %add3A_221, %dma_wait3A_223, %dma_wait3A_224] : memref<50x4x128x8x128xf32, #tpu.memory_space<hbm>> -> memref<1x4x2x8x128xf32, #tpu.memory_space<hbm>>
        %dma_wait3A_226 = tpu.memref_squeeze %dma_wait3A_225 : memref<1x4x2x8x128xf32, #tpu.memory_space<hbm>> -> memref<4x2x8x128xf32, #tpu.memory_space<hbm>>
        %dma_wait3A_227 = arith.constant 0 : i32
        %dma_wait3A_228 = arith.constant 0 : i32
        %dma_wait3A_229 = arith.constant 0 : i32
        %dma_wait3A_230 = tpu.memref_slice %arg4[%shift_right_arithmetic3A_216, %dma_wait3A_227, %add3A_221, %dma_wait3A_228, %dma_wait3A_229] : memref<50x4x128x8x128xf32, #tpu.memory_space<hbm>> -> memref<1x4x2x8x128xf32, #tpu.memory_space<hbm>>
        %dma_wait3A_231 = tpu.memref_squeeze %dma_wait3A_230 : memref<1x4x2x8x128xf32, #tpu.memory_space<hbm>> -> memref<4x2x8x128xf32, #tpu.memory_space<hbm>>
        tpu.wait_dma2 semaphore(%arg13 : memref<!tpu.dma_semaphore, #tpu.memory_space<semaphore_mem>>) src(%arg9 : memref<4x2x8x128xf32, #tpu.memory_space<vmem>>) dst(%dma_wait3A_231 : memref<4x2x8x128xf32, #tpu.memory_space<hbm>>)
      } else {
      }
      %add3A_192 = arith.constant 1 : i32
      %add3A_193 = arith.addi %mul3A_119, %add3A_192 : i32
      %parallel_loop3A_194 = arith.constant 0 : i32
      %parallel_loop3A_195 = arith.constant 16 : i32
      %parallel_loop3A_196 = arith.constant 1 : i32
      scf.for %parallel_loop3A_214 = %parallel_loop3A_194 to %parallel_loop3A_195 step %parallel_loop3A_196  : i32 {
        %parallel_loop3A_215 = arith.constant 16 : i32
        %parallel_loop3A_216 = arith.muli %parallel_loop3A_214, %parallel_loop3A_215 : i32
        %parallel_loop3A_217 = vector.broadcast %parallel_loop3A_216 : i32 to vector<16xi32>
        %parallel_loop3A_218 = arith.addi %parallel_loop3A_217, %iota3A : vector<16xi32>
        %parallel_loop3A_219 = arith.constant 3 : i32
        %parallel_loop3A_220 = arith.shrsi %parallel_loop3A_214, %parallel_loop3A_219 : i32
        %parallel_loop3A_221 = arith.constant 7 : i32
        %parallel_loop3A_222 = arith.andi %parallel_loop3A_214, %parallel_loop3A_221 : i32
        %parallel_loop3A_223 = arith.constant 16 : i32
        %parallel_loop3A_224 = arith.muli %parallel_loop3A_222, %parallel_loop3A_223 : i32
        %parallel_loop3A_225 = tpu.vector_load_idx %arg7[%parallel_loop3A_218, %broadcast_in_dim3A_3] : memref<256x128xf32, #tpu.memory_space<vmem>>[vector<16xi32>, vector<16xi32>], vector<16xf32>,
        %parallel_loop3A_226 = arith.constant 5.65685415 : f32
        %parallel_loop3A_227 = vector.broadcast %parallel_loop3A_226 : f32 to vector<16xf32>
        %parallel_loop3A_228 = arith.mulf %parallel_loop3A_225, %parallel_loop3A_227 : vector<16xf32>
        %parallel_loop3A_229 = tpu.vector_load_idx %arg7[%parallel_loop3A_218, %broadcast_in_dim3A_5] : memref<256x128xf32, #tpu.memory_space<vmem>>[vector<16xi32>, vector<16xi32>], vector<16xf32>,
        %parallel_loop3A_230 = arith.constant 5.65685415 : f32
        %parallel_loop3A_231 = vector.broadcast %parallel_loop3A_230 : f32 to vector<16xf32>
        %parallel_loop3A_232 = arith.mulf %parallel_loop3A_229, %parallel_loop3A_231 : vector<16xf32>
        %parallel_loop3A_233 = tpu.vector_load_idx %arg7[%parallel_loop3A_218, %broadcast_in_dim3A_7] : memref<256x128xf32, #tpu.memory_space<vmem>>[vector<16xi32>, vector<16xi32>], vector<16xf32>,
        %parallel_loop3A_234 = arith.constant 5.65685415 : f32
        %parallel_loop3A_235 = vector.broadcast %parallel_loop3A_234 : f32 to vector<16xf32>
        %parallel_loop3A_236 = arith.mulf %parallel_loop3A_233, %parallel_loop3A_235 : vector<16xf32>
        %parallel_loop3A_237 = tpu.vector_load_idx %arg7[%parallel_loop3A_218, %broadcast_in_dim3A_9] : memref<256x128xf32, #tpu.memory_space<vmem>>[vector<16xi32>, vector<16xi32>], vector<16xf32>,
        %parallel_loop3A_238 = arith.constant 5.65685415 : f32
        %parallel_loop3A_239 = vector.broadcast %parallel_loop3A_238 : f32 to vector<16xf32>
        %parallel_loop3A_240 = arith.mulf %parallel_loop3A_237, %parallel_loop3A_239 : vector<16xf32>
        %parallel_loop3A_241 = tpu.vector_load_idx %arg7[%parallel_loop3A_218, %broadcast_in_dim3A_11] : memref<256x128xf32, #tpu.memory_space<vmem>>[vector<16xi32>, vector<16xi32>], vector<16xf32>,
        %parallel_loop3A_242 = arith.constant 5.65685415 : f32
        %parallel_loop3A_243 = vector.broadcast %parallel_loop3A_242 : f32 to vector<16xf32>
        %parallel_loop3A_244 = arith.mulf %parallel_loop3A_241, %parallel_loop3A_243 : vector<16xf32>
        %parallel_loop3A_245 = tpu.vector_load_idx %arg7[%parallel_loop3A_218, %broadcast_in_dim3A_13] : memref<256x128xf32, #tpu.memory_space<vmem>>[vector<16xi32>, vector<16xi32>], vector<16xf32>,
        %parallel_loop3A_246 = arith.constant 5.65685415 : f32
        %parallel_loop3A_247 = vector.broadcast %parallel_loop3A_246 : f32 to vector<16xf32>
        %parallel_loop3A_248 = arith.mulf %parallel_loop3A_245, %parallel_loop3A_247 : vector<16xf32>
        %parallel_loop3A_249 = tpu.vector_load_idx %arg7[%parallel_loop3A_218, %broadcast_in_dim3A_15] : memref<256x128xf32, #tpu.memory_space<vmem>>[vector<16xi32>, vector<16xi32>], vector<16xf32>,
        %parallel_loop3A_250 = arith.constant 5.65685415 : f32
        %parallel_loop3A_251 = vector.broadcast %parallel_loop3A_250 : f32 to vector<16xf32>
        %parallel_loop3A_252 = arith.mulf %parallel_loop3A_249, %parallel_loop3A_251 : vector<16xf32>
        %parallel_loop3A_253 = tpu.vector_load_idx %arg7[%parallel_loop3A_218, %broadcast_in_dim3A_17] : memref<256x128xf32, #tpu.memory_space<vmem>>[vector<16xi32>, vector<16xi32>], vector<16xf32>,
        %parallel_loop3A_254 = arith.constant 5.65685415 : f32
        %parallel_loop3A_255 = vector.broadcast %parallel_loop3A_254 : f32 to vector<16xf32>
        %parallel_loop3A_256 = arith.mulf %parallel_loop3A_253, %parallel_loop3A_255 : vector<16xf32>
        %parallel_loop3A_257 = arith.constant 0 : i32
        %parallel_loop3A_258 = arith.constant 0 : i32
        %parallel_loop3A_259 = arith.index_cast %parallel_loop3A_257 : i32 to index
        %parallel_loop3A_260 = arith.index_cast %parallel_loop3A_220 : i32 to index
        %parallel_loop3A_261 = arith.index_cast %parallel_loop3A_258 : i32 to index
        %parallel_loop3A_262 = arith.index_cast %parallel_loop3A_224 : i32 to index
        %parallel_loop3A_263 = tpu.vector_load %arg9[%parallel_loop3A_259, %parallel_loop3A_260, %parallel_loop3A_261, %parallel_loop3A_262] {strides = array<i32>} : memref<4x2x8x128xf32, #tpu.memory_space<vmem>>, vector<16xf32>,
        tpu.vector_store %arg9[%parallel_loop3A_259, %parallel_loop3A_260, %parallel_loop3A_261, %parallel_loop3A_262], %parallel_loop3A_228 {strides = array<i32>} : memref<4x2x8x128xf32, #tpu.memory_space<vmem>>, vector<16xf32>,
        %parallel_loop3A_264 = arith.constant 0 : i32
        %parallel_loop3A_265 = arith.constant 1 : i32
        %parallel_loop3A_266 = arith.index_cast %parallel_loop3A_264 : i32 to index
        %parallel_loop3A_267 = arith.index_cast %parallel_loop3A_220 : i32 to index
        %parallel_loop3A_268 = arith.index_cast %parallel_loop3A_265 : i32 to index
        %parallel_loop3A_269 = arith.index_cast %parallel_loop3A_224 : i32 to index
        %parallel_loop3A_270 = tpu.vector_load %arg9[%parallel_loop3A_266, %parallel_loop3A_267, %parallel_loop3A_268, %parallel_loop3A_269] {strides = array<i32>} : memref<4x2x8x128xf32, #tpu.memory_space<vmem>>, vector<16xf32>,
        tpu.vector_store %arg9[%parallel_loop3A_266, %parallel_loop3A_267, %parallel_loop3A_268, %parallel_loop3A_269], %parallel_loop3A_232 {strides = array<i32>} : memref<4x2x8x128xf32, #tpu.memory_space<vmem>>, vector<16xf32>,
        %parallel_loop3A_271 = arith.constant 0 : i32
        %parallel_loop3A_272 = arith.constant 2 : i32
        %parallel_loop3A_273 = arith.index_cast %parallel_loop3A_271 : i32 to index
        %parallel_loop3A_274 = arith.index_cast %parallel_loop3A_220 : i32 to index
        %parallel_loop3A_275 = arith.index_cast %parallel_loop3A_272 : i32 to index
        %parallel_loop3A_276 = arith.index_cast %parallel_loop3A_224 : i32 to index
        %parallel_loop3A_277 = tpu.vector_load %arg9[%parallel_loop3A_273, %parallel_loop3A_274, %parallel_loop3A_275, %parallel_loop3A_276] {strides = array<i32>} : memref<4x2x8x128xf32, #tpu.memory_space<vmem>>, vector<16xf32>,
        tpu.vector_store %arg9[%parallel_loop3A_273, %parallel_loop3A_274, %parallel_loop3A_275, %parallel_loop3A_276], %parallel_loop3A_236 {strides = array<i32>} : memref<4x2x8x128xf32, #tpu.memory_space<vmem>>, vector<16xf32>,
        %parallel_loop3A_278 = arith.constant 0 : i32
        %parallel_loop3A_279 = arith.constant 3 : i32
        %parallel_loop3A_280 = arith.index_cast %parallel_loop3A_278 : i32 to index
        %parallel_loop3A_281 = arith.index_cast %parallel_loop3A_220 : i32 to index
        %parallel_loop3A_282 = arith.index_cast %parallel_loop3A_279 : i32 to index
        %parallel_loop3A_283 = arith.index_cast %parallel_loop3A_224 : i32 to index
        %parallel_loop3A_284 = tpu.vector_load %arg9[%parallel_loop3A_280, %parallel_loop3A_281, %parallel_loop3A_282, %parallel_loop3A_283] {strides = array<i32>} : memref<4x2x8x128xf32, #tpu.memory_space<vmem>>, vector<16xf32>,
        tpu.vector_store %arg9[%parallel_loop3A_280, %parallel_loop3A_281, %parallel_loop3A_282, %parallel_loop3A_283], %parallel_loop3A_240 {strides = array<i32>} : memref<4x2x8x128xf32, #tpu.memory_space<vmem>>, vector<16xf32>,
        %parallel_loop3A_285 = arith.constant 0 : i32
        %parallel_loop3A_286 = arith.constant 4 : i32
        %parallel_loop3A_287 = arith.index_cast %parallel_loop3A_285 : i32 to index
        %parallel_loop3A_288 = arith.index_cast %parallel_loop3A_220 : i32 to index
        %parallel_loop3A_289 = arith.index_cast %parallel_loop3A_286 : i32 to index
        %parallel_loop3A_290 = arith.index_cast %parallel_loop3A_224 : i32 to index
        %parallel_loop3A_291 = tpu.vector_load %arg9[%parallel_loop3A_287, %parallel_loop3A_288, %parallel_loop3A_289, %parallel_loop3A_290] {strides = array<i32>} : memref<4x2x8x128xf32, #tpu.memory_space<vmem>>, vector<16xf32>,
        tpu.vector_store %arg9[%parallel_loop3A_287, %parallel_loop3A_288, %parallel_loop3A_289, %parallel_loop3A_290], %parallel_loop3A_244 {strides = array<i32>} : memref<4x2x8x128xf32, #tpu.memory_space<vmem>>, vector<16xf32>,
        %parallel_loop3A_292 = arith.constant 0 : i32
        %parallel_loop3A_293 = arith.constant 5 : i32
        %parallel_loop3A_294 = arith.index_cast %parallel_loop3A_292 : i32 to index
        %parallel_loop3A_295 = arith.index_cast %parallel_loop3A_220 : i32 to index
        %parallel_loop3A_296 = arith.index_cast %parallel_loop3A_293 : i32 to index
        %parallel_loop3A_297 = arith.index_cast %parallel_loop3A_224 : i32 to index
        %parallel_loop3A_298 = tpu.vector_load %arg9[%parallel_loop3A_294, %parallel_loop3A_295, %parallel_loop3A_296, %parallel_loop3A_297] {strides = array<i32>} : memref<4x2x8x128xf32, #tpu.memory_space<vmem>>, vector<16xf32>,
        tpu.vector_store %arg9[%parallel_loop3A_294, %parallel_loop3A_295, %parallel_loop3A_296, %parallel_loop3A_297], %parallel_loop3A_248 {strides = array<i32>} : memref<4x2x8x128xf32, #tpu.memory_space<vmem>>, vector<16xf32>,
        %parallel_loop3A_299 = arith.constant 0 : i32
        %parallel_loop3A_300 = arith.constant 6 : i32
        %parallel_loop3A_301 = arith.index_cast %parallel_loop3A_299 : i32 to index
        %parallel_loop3A_302 = arith.index_cast %parallel_loop3A_220 : i32 to index
        %parallel_loop3A_303 = arith.index_cast %parallel_loop3A_300 : i32 to index
        %parallel_loop3A_304 = arith.index_cast %parallel_loop3A_224 : i32 to index
        %parallel_loop3A_305 = tpu.vector_load %arg9[%parallel_loop3A_301, %parallel_loop3A_302, %parallel_loop3A_303, %parallel_loop3A_304] {strides = array<i32>} : memref<4x2x8x128xf32, #tpu.memory_space<vmem>>, vector<16xf32>,
        tpu.vector_store %arg9[%parallel_loop3A_301, %parallel_loop3A_302, %parallel_loop3A_303, %parallel_loop3A_304], %parallel_loop3A_252 {strides = array<i32>} : memref<4x2x8x128xf32, #tpu.memory_space<vmem>>, vector<16xf32>,
        %parallel_loop3A_306 = arith.constant 0 : i32
        %parallel_loop3A_307 = arith.constant 7 : i32
        %parallel_loop3A_308 = arith.index_cast %parallel_loop3A_306 : i32 to index
        %parallel_loop3A_309 = arith.index_cast %parallel_loop3A_220 : i32 to index
        %parallel_loop3A_310 = arith.index_cast %parallel_loop3A_307 : i32 to index
        %parallel_loop3A_311 = arith.index_cast %parallel_loop3A_224 : i32 to index
        %parallel_loop3A_312 = tpu.vector_load %arg9[%parallel_loop3A_308, %parallel_loop3A_309, %parallel_loop3A_310, %parallel_loop3A_311] {strides = array<i32>} : memref<4x2x8x128xf32, #tpu.memory_space<vmem>>, vector<16xf32>,
        tpu.vector_store %arg9[%parallel_loop3A_308, %parallel_loop3A_309, %parallel_loop3A_310, %parallel_loop3A_311], %parallel_loop3A_256 {strides = array<i32>} : memref<4x2x8x128xf32, #tpu.memory_space<vmem>>, vector<16xf32>,
        %parallel_loop3A_313 = tpu.vector_load_idx %arg7[%parallel_loop3A_218, %broadcast_in_dim3A_19] : memref<256x128xf32, #tpu.memory_space<vmem>>[vector<16xi32>, vector<16xi32>], vector<16xf32>,
        %parallel_loop3A_314 = arith.constant 5.65685415 : f32
        %parallel_loop3A_315 = vector.broadcast %parallel_loop3A_314 : f32 to vector<16xf32>
        %parallel_loop3A_316 = arith.mulf %parallel_loop3A_313, %parallel_loop3A_315 : vector<16xf32>
        %parallel_loop3A_317 = tpu.vector_load_idx %arg7[%parallel_loop3A_218, %broadcast_in_dim3A_21] : memref<256x128xf32, #tpu.memory_space<vmem>>[vector<16xi32>, vector<16xi32>], vector<16xf32>,
        %parallel_loop3A_318 = arith.constant 5.65685415 : f32
        %parallel_loop3A_319 = vector.broadcast %parallel_loop3A_318 : f32 to vector<16xf32>
        %parallel_loop3A_320 = arith.mulf %parallel_loop3A_317, %parallel_loop3A_319 : vector<16xf32>
        %parallel_loop3A_321 = tpu.vector_load_idx %arg7[%parallel_loop3A_218, %broadcast_in_dim3A_23] : memref<256x128xf32, #tpu.memory_space<vmem>>[vector<16xi32>, vector<16xi32>], vector<16xf32>,
        %parallel_loop3A_322 = arith.constant 5.65685415 : f32
        %parallel_loop3A_323 = vector.broadcast %parallel_loop3A_322 : f32 to vector<16xf32>
        %parallel_loop3A_324 = arith.mulf %parallel_loop3A_321, %parallel_loop3A_323 : vector<16xf32>
        %parallel_loop3A_325 = tpu.vector_load_idx %arg7[%parallel_loop3A_218, %broadcast_in_dim3A_25] : memref<256x128xf32, #tpu.memory_space<vmem>>[vector<16xi32>, vector<16xi32>], vector<16xf32>,
        %parallel_loop3A_326 = arith.constant 5.65685415 : f32
        %parallel_loop3A_327 = vector.broadcast %parallel_loop3A_326 : f32 to vector<16xf32>
        %parallel_loop3A_328 = arith.mulf %parallel_loop3A_325, %parallel_loop3A_327 : vector<16xf32>
        %parallel_loop3A_329 = tpu.vector_load_idx %arg7[%parallel_loop3A_218, %broadcast_in_dim3A_27] : memref<256x128xf32, #tpu.memory_space<vmem>>[vector<16xi32>, vector<16xi32>], vector<16xf32>,
        %parallel_loop3A_330 = arith.constant 5.65685415 : f32
        %parallel_loop3A_331 = vector.broadcast %parallel_loop3A_330 : f32 to vector<16xf32>
        %parallel_loop3A_332 = arith.mulf %parallel_loop3A_329, %parallel_loop3A_331 : vector<16xf32>
        %parallel_loop3A_333 = tpu.vector_load_idx %arg7[%parallel_loop3A_218, %broadcast_in_dim3A_29] : memref<256x128xf32, #tpu.memory_space<vmem>>[vector<16xi32>, vector<16xi32>], vector<16xf32>,
        %parallel_loop3A_334 = arith.constant 5.65685415 : f32
        %parallel_loop3A_335 = vector.broadcast %parallel_loop3A_334 : f32 to vector<16xf32>
        %parallel_loop3A_336 = arith.mulf %parallel_loop3A_333, %parallel_loop3A_335 : vector<16xf32>
        %parallel_loop3A_337 = tpu.vector_load_idx %arg7[%parallel_loop3A_218, %broadcast_in_dim3A_31] : memref<256x128xf32, #tpu.memory_space<vmem>>[vector<16xi32>, vector<16xi32>], vector<16xf32>,
        %parallel_loop3A_338 = arith.constant 5.65685415 : f32
        %parallel_loop3A_339 = vector.broadcast %parallel_loop3A_338 : f32 to vector<16xf32>
        %parallel_loop3A_340 = arith.mulf %parallel_loop3A_337, %parallel_loop3A_339 : vector<16xf32>
        %parallel_loop3A_341 = tpu.vector_load_idx %arg7[%parallel_loop3A_218, %broadcast_in_dim3A_33] : memref<256x128xf32, #tpu.memory_space<vmem>>[vector<16xi32>, vector<16xi32>], vector<16xf32>,
        %parallel_loop3A_342 = arith.constant 5.65685415 : f32
        %parallel_loop3A_343 = vector.broadcast %parallel_loop3A_342 : f32 to vector<16xf32>
        %parallel_loop3A_344 = arith.mulf %parallel_loop3A_341, %parallel_loop3A_343 : vector<16xf32>
        %parallel_loop3A_345 = arith.constant 1 : i32
        %parallel_loop3A_346 = arith.constant 0 : i32
        %parallel_loop3A_347 = arith.index_cast %parallel_loop3A_345 : i32 to index
        %parallel_loop3A_348 = arith.index_cast %parallel_loop3A_220 : i32 to index
        %parallel_loop3A_349 = arith.index_cast %parallel_loop3A_346 : i32 to index
        %parallel_loop3A_350 = arith.index_cast %parallel_loop3A_224 : i32 to index
        %parallel_loop3A_351 = tpu.vector_load %arg9[%parallel_loop3A_347, %parallel_loop3A_348, %parallel_loop3A_349, %parallel_loop3A_350] {strides = array<i32>} : memref<4x2x8x128xf32, #tpu.memory_space<vmem>>, vector<16xf32>,
        tpu.vector_store %arg9[%parallel_loop3A_347, %parallel_loop3A_348, %parallel_loop3A_349, %parallel_loop3A_350], %parallel_loop3A_316 {strides = array<i32>} : memref<4x2x8x128xf32, #tpu.memory_space<vmem>>, vector<16xf32>,
        %parallel_loop3A_352 = arith.constant 1 : i32
        %parallel_loop3A_353 = arith.constant 1 : i32
        %parallel_loop3A_354 = arith.index_cast %parallel_loop3A_352 : i32 to index
        %parallel_loop3A_355 = arith.index_cast %parallel_loop3A_220 : i32 to index
        %parallel_loop3A_356 = arith.index_cast %parallel_loop3A_353 : i32 to index
        %parallel_loop3A_357 = arith.index_cast %parallel_loop3A_224 : i32 to index
        %parallel_loop3A_358 = tpu.vector_load %arg9[%parallel_loop3A_354, %parallel_loop3A_355, %parallel_loop3A_356, %parallel_loop3A_357] {strides = array<i32>} : memref<4x2x8x128xf32, #tpu.memory_space<vmem>>, vector<16xf32>,
        tpu.vector_store %arg9[%parallel_loop3A_354, %parallel_loop3A_355, %parallel_loop3A_356, %parallel_loop3A_357], %parallel_loop3A_320 {strides = array<i32>} : memref<4x2x8x128xf32, #tpu.memory_space<vmem>>, vector<16xf32>,
        %parallel_loop3A_359 = arith.constant 1 : i32
        %parallel_loop3A_360 = arith.constant 2 : i32
        %parallel_loop3A_361 = arith.index_cast %parallel_loop3A_359 : i32 to index
        %parallel_loop3A_362 = arith.index_cast %parallel_loop3A_220 : i32 to index
        %parallel_loop3A_363 = arith.index_cast %parallel_loop3A_360 : i32 to index
        %parallel_loop3A_364 = arith.index_cast %parallel_loop3A_224 : i32 to index
        %parallel_loop3A_365 = tpu.vector_load %arg9[%parallel_loop3A_361, %parallel_loop3A_362, %parallel_loop3A_363, %parallel_loop3A_364] {strides = array<i32>} : memref<4x2x8x128xf32, #tpu.memory_space<vmem>>, vector<16xf32>,
        tpu.vector_store %arg9[%parallel_loop3A_361, %parallel_loop3A_362, %parallel_loop3A_363, %parallel_loop3A_364], %parallel_loop3A_324 {strides = array<i32>} : memref<4x2x8x128xf32, #tpu.memory_space<vmem>>, vector<16xf32>,
        %parallel_loop3A_366 = arith.constant 1 : i32
        %parallel_loop3A_367 = arith.constant 3 : i32
        %parallel_loop3A_368 = arith.index_cast %parallel_loop3A_366 : i32 to index
        %parallel_loop3A_369 = arith.index_cast %parallel_loop3A_220 : i32 to index
        %parallel_loop3A_370 = arith.index_cast %parallel_loop3A_367 : i32 to index
        %parallel_loop3A_371 = arith.index_cast %parallel_loop3A_224 : i32 to index
        %parallel_loop3A_372 = tpu.vector_load %arg9[%parallel_loop3A_368, %parallel_loop3A_369, %parallel_loop3A_370, %parallel_loop3A_371] {strides = array<i32>} : memref<4x2x8x128xf32, #tpu.memory_space<vmem>>, vector<16xf32>,
        tpu.vector_store %arg9[%parallel_loop3A_368, %parallel_loop3A_369, %parallel_loop3A_370, %parallel_loop3A_371], %parallel_loop3A_328 {strides = array<i32>} : memref<4x2x8x128xf32, #tpu.memory_space<vmem>>, vector<16xf32>,
        %parallel_loop3A_373 = arith.constant 1 : i32
        %parallel_loop3A_374 = arith.constant 4 : i32
        %parallel_loop3A_375 = arith.index_cast %parallel_loop3A_373 : i32 to index
        %parallel_loop3A_376 = arith.index_cast %parallel_loop3A_220 : i32 to index
        %parallel_loop3A_377 = arith.index_cast %parallel_loop3A_374 : i32 to index
        %parallel_loop3A_378 = arith.index_cast %parallel_loop3A_224 : i32 to index
        %parallel_loop3A_379 = tpu.vector_load %arg9[%parallel_loop3A_375, %parallel_loop3A_376, %parallel_loop3A_377, %parallel_loop3A_378] {strides = array<i32>} : memref<4x2x8x128xf32, #tpu.memory_space<vmem>>, vector<16xf32>,
        tpu.vector_store %arg9[%parallel_loop3A_375, %parallel_loop3A_376, %parallel_loop3A_377, %parallel_loop3A_378], %parallel_loop3A_332 {strides = array<i32>} : memref<4x2x8x128xf32, #tpu.memory_space<vmem>>, vector<16xf32>,
        %parallel_loop3A_380 = arith.constant 1 : i32
        %parallel_loop3A_381 = arith.constant 5 : i32
        %parallel_loop3A_382 = arith.index_cast %parallel_loop3A_380 : i32 to index
        %parallel_loop3A_383 = arith.index_cast %parallel_loop3A_220 : i32 to index
        %parallel_loop3A_384 = arith.index_cast %parallel_loop3A_381 : i32 to index
        %parallel_loop3A_385 = arith.index_cast %parallel_loop3A_224 : i32 to index
        %parallel_loop3A_386 = tpu.vector_load %arg9[%parallel_loop3A_382, %parallel_loop3A_383, %parallel_loop3A_384, %parallel_loop3A_385] {strides = array<i32>} : memref<4x2x8x128xf32, #tpu.memory_space<vmem>>, vector<16xf32>,
        tpu.vector_store %arg9[%parallel_loop3A_382, %parallel_loop3A_383, %parallel_loop3A_384, %parallel_loop3A_385], %parallel_loop3A_336 {strides = array<i32>} : memref<4x2x8x128xf32, #tpu.memory_space<vmem>>, vector<16xf32>,
        %parallel_loop3A_387 = arith.constant 1 : i32
        %parallel_loop3A_388 = arith.constant 6 : i32
        %parallel_loop3A_389 = arith.index_cast %parallel_loop3A_387 : i32 to index
        %parallel_loop3A_390 = arith.index_cast %parallel_loop3A_220 : i32 to index
        %parallel_loop3A_391 = arith.index_cast %parallel_loop3A_388 : i32 to index
        %parallel_loop3A_392 = arith.index_cast %parallel_loop3A_224 : i32 to index
        %parallel_loop3A_393 = tpu.vector_load %arg9[%parallel_loop3A_389, %parallel_loop3A_390, %parallel_loop3A_391, %parallel_loop3A_392] {strides = array<i32>} : memref<4x2x8x128xf32, #tpu.memory_space<vmem>>, vector<16xf32>,
        tpu.vector_store %arg9[%parallel_loop3A_389, %parallel_loop3A_390, %parallel_loop3A_391, %parallel_loop3A_392], %parallel_loop3A_340 {strides = array<i32>} : memref<4x2x8x128xf32, #tpu.memory_space<vmem>>, vector<16xf32>,
        %parallel_loop3A_394 = arith.constant 1 : i32
        %parallel_loop3A_395 = arith.constant 7 : i32
        %parallel_loop3A_396 = arith.index_cast %parallel_loop3A_394 : i32 to index
        %parallel_loop3A_397 = arith.index_cast %parallel_loop3A_220 : i32 to index
        %parallel_loop3A_398 = arith.index_cast %parallel_loop3A_395 : i32 to index
        %parallel_loop3A_399 = arith.index_cast %parallel_loop3A_224 : i32 to index
        %parallel_loop3A_400 = tpu.vector_load %arg9[%parallel_loop3A_396, %parallel_loop3A_397, %parallel_loop3A_398, %parallel_loop3A_399] {strides = array<i32>} : memref<4x2x8x128xf32, #tpu.memory_space<vmem>>, vector<16xf32>,
        tpu.vector_store %arg9[%parallel_loop3A_396, %parallel_loop3A_397, %parallel_loop3A_398, %parallel_loop3A_399], %parallel_loop3A_344 {strides = array<i32>} : memref<4x2x8x128xf32, #tpu.memory_space<vmem>>, vector<16xf32>,
        %parallel_loop3A_401 = tpu.vector_load_idx %arg7[%parallel_loop3A_218, %broadcast_in_dim3A_35] : memref<256x128xf32, #tpu.memory_space<vmem>>[vector<16xi32>, vector<16xi32>], vector<16xf32>,
        %parallel_loop3A_402 = arith.constant 5.65685415 : f32
        %parallel_loop3A_403 = vector.broadcast %parallel_loop3A_402 : f32 to vector<16xf32>
        %parallel_loop3A_404 = arith.mulf %parallel_loop3A_401, %parallel_loop3A_403 : vector<16xf32>
        %parallel_loop3A_405 = tpu.vector_load_idx %arg7[%parallel_loop3A_218, %broadcast_in_dim3A_37] : memref<256x128xf32, #tpu.memory_space<vmem>>[vector<16xi32>, vector<16xi32>], vector<16xf32>,
        %parallel_loop3A_406 = arith.constant 5.65685415 : f32
        %parallel_loop3A_407 = vector.broadcast %parallel_loop3A_406 : f32 to vector<16xf32>
        %parallel_loop3A_408 = arith.mulf %parallel_loop3A_405, %parallel_loop3A_407 : vector<16xf32>
        %parallel_loop3A_409 = tpu.vector_load_idx %arg7[%parallel_loop3A_218, %broadcast_in_dim3A_39] : memref<256x128xf32, #tpu.memory_space<vmem>>[vector<16xi32>, vector<16xi32>], vector<16xf32>,
        %parallel_loop3A_410 = arith.constant 5.65685415 : f32
        %parallel_loop3A_411 = vector.broadcast %parallel_loop3A_410 : f32 to vector<16xf32>
        %parallel_loop3A_412 = arith.mulf %parallel_loop3A_409, %parallel_loop3A_411 : vector<16xf32>
        %parallel_loop3A_413 = tpu.vector_load_idx %arg7[%parallel_loop3A_218, %broadcast_in_dim3A_41] : memref<256x128xf32, #tpu.memory_space<vmem>>[vector<16xi32>, vector<16xi32>], vector<16xf32>,
        %parallel_loop3A_414 = arith.constant 5.65685415 : f32
        %parallel_loop3A_415 = vector.broadcast %parallel_loop3A_414 : f32 to vector<16xf32>
        %parallel_loop3A_416 = arith.mulf %parallel_loop3A_413, %parallel_loop3A_415 : vector<16xf32>
        %parallel_loop3A_417 = tpu.vector_load_idx %arg7[%parallel_loop3A_218, %broadcast_in_dim3A_43] : memref<256x128xf32, #tpu.memory_space<vmem>>[vector<16xi32>, vector<16xi32>], vector<16xf32>,
        %parallel_loop3A_418 = arith.constant 5.65685415 : f32
        %parallel_loop3A_419 = vector.broadcast %parallel_loop3A_418 : f32 to vector<16xf32>
        %parallel_loop3A_420 = arith.mulf %parallel_loop3A_417, %parallel_loop3A_419 : vector<16xf32>
        %parallel_loop3A_421 = tpu.vector_load_idx %arg7[%parallel_loop3A_218, %broadcast_in_dim3A_45] : memref<256x128xf32, #tpu.memory_space<vmem>>[vector<16xi32>, vector<16xi32>], vector<16xf32>,
        %parallel_loop3A_422 = arith.constant 5.65685415 : f32
        %parallel_loop3A_423 = vector.broadcast %parallel_loop3A_422 : f32 to vector<16xf32>
        %parallel_loop3A_424 = arith.mulf %parallel_loop3A_421, %parallel_loop3A_423 : vector<16xf32>
        %parallel_loop3A_425 = tpu.vector_load_idx %arg7[%parallel_loop3A_218, %broadcast_in_dim3A_47] : memref<256x128xf32, #tpu.memory_space<vmem>>[vector<16xi32>, vector<16xi32>], vector<16xf32>,
        %parallel_loop3A_426 = arith.constant 5.65685415 : f32
        %parallel_loop3A_427 = vector.broadcast %parallel_loop3A_426 : f32 to vector<16xf32>
        %parallel_loop3A_428 = arith.mulf %parallel_loop3A_425, %parallel_loop3A_427 : vector<16xf32>
        %parallel_loop3A_429 = tpu.vector_load_idx %arg7[%parallel_loop3A_218, %broadcast_in_dim3A_49] : memref<256x128xf32, #tpu.memory_space<vmem>>[vector<16xi32>, vector<16xi32>], vector<16xf32>,
        %parallel_loop3A_430 = arith.constant 5.65685415 : f32
        %parallel_loop3A_431 = vector.broadcast %parallel_loop3A_430 : f32 to vector<16xf32>
        %parallel_loop3A_432 = arith.mulf %parallel_loop3A_429, %parallel_loop3A_431 : vector<16xf32>
        %parallel_loop3A_433 = arith.constant 2 : i32
        %parallel_loop3A_434 = arith.constant 0 : i32
        %parallel_loop3A_435 = arith.index_cast %parallel_loop3A_433 : i32 to index
        %parallel_loop3A_436 = arith.index_cast %parallel_loop3A_220 : i32 to index
        %parallel_loop3A_437 = arith.index_cast %parallel_loop3A_434 : i32 to index
        %parallel_loop3A_438 = arith.index_cast %parallel_loop3A_224 : i32 to index
        %parallel_loop3A_439 = tpu.vector_load %arg9[%parallel_loop3A_435, %parallel_loop3A_436, %parallel_loop3A_437, %parallel_loop3A_438] {strides = array<i32>} : memref<4x2x8x128xf32, #tpu.memory_space<vmem>>, vector<16xf32>,
        tpu.vector_store %arg9[%parallel_loop3A_435, %parallel_loop3A_436, %parallel_loop3A_437, %parallel_loop3A_438], %parallel_loop3A_404 {strides = array<i32>} : memref<4x2x8x128xf32, #tpu.memory_space<vmem>>, vector<16xf32>,
        %parallel_loop3A_440 = arith.constant 2 : i32
        %parallel_loop3A_441 = arith.constant 1 : i32
        %parallel_loop3A_442 = arith.index_cast %parallel_loop3A_440 : i32 to index
        %parallel_loop3A_443 = arith.index_cast %parallel_loop3A_220 : i32 to index
        %parallel_loop3A_444 = arith.index_cast %parallel_loop3A_441 : i32 to index
        %parallel_loop3A_445 = arith.index_cast %parallel_loop3A_224 : i32 to index
        %parallel_loop3A_446 = tpu.vector_load %arg9[%parallel_loop3A_442, %parallel_loop3A_443, %parallel_loop3A_444, %parallel_loop3A_445] {strides = array<i32>} : memref<4x2x8x128xf32, #tpu.memory_space<vmem>>, vector<16xf32>,
        tpu.vector_store %arg9[%parallel_loop3A_442, %parallel_loop3A_443, %parallel_loop3A_444, %parallel_loop3A_445], %parallel_loop3A_408 {strides = array<i32>} : memref<4x2x8x128xf32, #tpu.memory_space<vmem>>, vector<16xf32>,
        %parallel_loop3A_447 = arith.constant 2 : i32
        %parallel_loop3A_448 = arith.constant 2 : i32
        %parallel_loop3A_449 = arith.index_cast %parallel_loop3A_447 : i32 to index
        %parallel_loop3A_450 = arith.index_cast %parallel_loop3A_220 : i32 to index
        %parallel_loop3A_451 = arith.index_cast %parallel_loop3A_448 : i32 to index
        %parallel_loop3A_452 = arith.index_cast %parallel_loop3A_224 : i32 to index
        %parallel_loop3A_453 = tpu.vector_load %arg9[%parallel_loop3A_449, %parallel_loop3A_450, %parallel_loop3A_451, %parallel_loop3A_452] {strides = array<i32>} : memref<4x2x8x128xf32, #tpu.memory_space<vmem>>, vector<16xf32>,
        tpu.vector_store %arg9[%parallel_loop3A_449, %parallel_loop3A_450, %parallel_loop3A_451, %parallel_loop3A_452], %parallel_loop3A_412 {strides = array<i32>} : memref<4x2x8x128xf32, #tpu.memory_space<vmem>>, vector<16xf32>,
        %parallel_loop3A_454 = arith.constant 2 : i32
        %parallel_loop3A_455 = arith.constant 3 : i32
        %parallel_loop3A_456 = arith.index_cast %parallel_loop3A_454 : i32 to index
        %parallel_loop3A_457 = arith.index_cast %parallel_loop3A_220 : i32 to index
        %parallel_loop3A_458 = arith.index_cast %parallel_loop3A_455 : i32 to index
        %parallel_loop3A_459 = arith.index_cast %parallel_loop3A_224 : i32 to index
        %parallel_loop3A_460 = tpu.vector_load %arg9[%parallel_loop3A_456, %parallel_loop3A_457, %parallel_loop3A_458, %parallel_loop3A_459] {strides = array<i32>} : memref<4x2x8x128xf32, #tpu.memory_space<vmem>>, vector<16xf32>,
        tpu.vector_store %arg9[%parallel_loop3A_456, %parallel_loop3A_457, %parallel_loop3A_458, %parallel_loop3A_459], %parallel_loop3A_416 {strides = array<i32>} : memref<4x2x8x128xf32, #tpu.memory_space<vmem>>, vector<16xf32>,
        %parallel_loop3A_461 = arith.constant 2 : i32
        %parallel_loop3A_462 = arith.constant 4 : i32
        %parallel_loop3A_463 = arith.index_cast %parallel_loop3A_461 : i32 to index
        %parallel_loop3A_464 = arith.index_cast %parallel_loop3A_220 : i32 to index
        %parallel_loop3A_465 = arith.index_cast %parallel_loop3A_462 : i32 to index
        %parallel_loop3A_466 = arith.index_cast %parallel_loop3A_224 : i32 to index
        %parallel_loop3A_467 = tpu.vector_load %arg9[%parallel_loop3A_463, %parallel_loop3A_464, %parallel_loop3A_465, %parallel_loop3A_466] {strides = array<i32>} : memref<4x2x8x128xf32, #tpu.memory_space<vmem>>, vector<16xf32>,
        tpu.vector_store %arg9[%parallel_loop3A_463, %parallel_loop3A_464, %parallel_loop3A_465, %parallel_loop3A_466], %parallel_loop3A_420 {strides = array<i32>} : memref<4x2x8x128xf32, #tpu.memory_space<vmem>>, vector<16xf32>,
        %parallel_loop3A_468 = arith.constant 2 : i32
        %parallel_loop3A_469 = arith.constant 5 : i32
        %parallel_loop3A_470 = arith.index_cast %parallel_loop3A_468 : i32 to index
        %parallel_loop3A_471 = arith.index_cast %parallel_loop3A_220 : i32 to index
        %parallel_loop3A_472 = arith.index_cast %parallel_loop3A_469 : i32 to index
        %parallel_loop3A_473 = arith.index_cast %parallel_loop3A_224 : i32 to index
        %parallel_loop3A_474 = tpu.vector_load %arg9[%parallel_loop3A_470, %parallel_loop3A_471, %parallel_loop3A_472, %parallel_loop3A_473] {strides = array<i32>} : memref<4x2x8x128xf32, #tpu.memory_space<vmem>>, vector<16xf32>,
        tpu.vector_store %arg9[%parallel_loop3A_470, %parallel_loop3A_471, %parallel_loop3A_472, %parallel_loop3A_473], %parallel_loop3A_424 {strides = array<i32>} : memref<4x2x8x128xf32, #tpu.memory_space<vmem>>, vector<16xf32>,
        %parallel_loop3A_475 = arith.constant 2 : i32
        %parallel_loop3A_476 = arith.constant 6 : i32
        %parallel_loop3A_477 = arith.index_cast %parallel_loop3A_475 : i32 to index
        %parallel_loop3A_478 = arith.index_cast %parallel_loop3A_220 : i32 to index
        %parallel_loop3A_479 = arith.index_cast %parallel_loop3A_476 : i32 to index
        %parallel_loop3A_480 = arith.index_cast %parallel_loop3A_224 : i32 to index
        %parallel_loop3A_481 = tpu.vector_load %arg9[%parallel_loop3A_477, %parallel_loop3A_478, %parallel_loop3A_479, %parallel_loop3A_480] {strides = array<i32>} : memref<4x2x8x128xf32, #tpu.memory_space<vmem>>, vector<16xf32>,
        tpu.vector_store %arg9[%parallel_loop3A_477, %parallel_loop3A_478, %parallel_loop3A_479, %parallel_loop3A_480], %parallel_loop3A_428 {strides = array<i32>} : memref<4x2x8x128xf32, #tpu.memory_space<vmem>>, vector<16xf32>,
        %parallel_loop3A_482 = arith.constant 2 : i32
        %parallel_loop3A_483 = arith.constant 7 : i32
        %parallel_loop3A_484 = arith.index_cast %parallel_loop3A_482 : i32 to index
        %parallel_loop3A_485 = arith.index_cast %parallel_loop3A_220 : i32 to index
        %parallel_loop3A_486 = arith.index_cast %parallel_loop3A_483 : i32 to index
        %parallel_loop3A_487 = arith.index_cast %parallel_loop3A_224 : i32 to index
        %parallel_loop3A_488 = tpu.vector_load %arg9[%parallel_loop3A_484, %parallel_loop3A_485, %parallel_loop3A_486, %parallel_loop3A_487] {strides = array<i32>} : memref<4x2x8x128xf32, #tpu.memory_space<vmem>>, vector<16xf32>,
        tpu.vector_store %arg9[%parallel_loop3A_484, %parallel_loop3A_485, %parallel_loop3A_486, %parallel_loop3A_487], %parallel_loop3A_432 {strides = array<i32>} : memref<4x2x8x128xf32, #tpu.memory_space<vmem>>, vector<16xf32>,
        %parallel_loop3A_489 = tpu.vector_load_idx %arg7[%parallel_loop3A_218, %broadcast_in_dim3A_51] : memref<256x128xf32, #tpu.memory_space<vmem>>[vector<16xi32>, vector<16xi32>], vector<16xf32>,
        %parallel_loop3A_490 = arith.constant 5.65685415 : f32
        %parallel_loop3A_491 = vector.broadcast %parallel_loop3A_490 : f32 to vector<16xf32>
        %parallel_loop3A_492 = arith.mulf %parallel_loop3A_489, %parallel_loop3A_491 : vector<16xf32>
        %parallel_loop3A_493 = tpu.vector_load_idx %arg7[%parallel_loop3A_218, %broadcast_in_dim3A_53] : memref<256x128xf32, #tpu.memory_space<vmem>>[vector<16xi32>, vector<16xi32>], vector<16xf32>,
        %parallel_loop3A_494 = arith.constant 5.65685415 : f32
        %parallel_loop3A_495 = vector.broadcast %parallel_loop3A_494 : f32 to vector<16xf32>
        %parallel_loop3A_496 = arith.mulf %parallel_loop3A_493, %parallel_loop3A_495 : vector<16xf32>
        %parallel_loop3A_497 = tpu.vector_load_idx %arg7[%parallel_loop3A_218, %broadcast_in_dim3A_55] : memref<256x128xf32, #tpu.memory_space<vmem>>[vector<16xi32>, vector<16xi32>], vector<16xf32>,
        %parallel_loop3A_498 = arith.constant 5.65685415 : f32
        %parallel_loop3A_499 = vector.broadcast %parallel_loop3A_498 : f32 to vector<16xf32>
        %parallel_loop3A_500 = arith.mulf %parallel_loop3A_497, %parallel_loop3A_499 : vector<16xf32>
        %parallel_loop3A_501 = tpu.vector_load_idx %arg7[%parallel_loop3A_218, %broadcast_in_dim3A_57] : memref<256x128xf32, #tpu.memory_space<vmem>>[vector<16xi32>, vector<16xi32>], vector<16xf32>,
        %parallel_loop3A_502 = arith.constant 5.65685415 : f32
        %parallel_loop3A_503 = vector.broadcast %parallel_loop3A_502 : f32 to vector<16xf32>
        %parallel_loop3A_504 = arith.mulf %parallel_loop3A_501, %parallel_loop3A_503 : vector<16xf32>
        %parallel_loop3A_505 = tpu.vector_load_idx %arg7[%parallel_loop3A_218, %broadcast_in_dim3A_59] : memref<256x128xf32, #tpu.memory_space<vmem>>[vector<16xi32>, vector<16xi32>], vector<16xf32>,
        %parallel_loop3A_506 = arith.constant 5.65685415 : f32
        %parallel_loop3A_507 = vector.broadcast %parallel_loop3A_506 : f32 to vector<16xf32>
        %parallel_loop3A_508 = arith.mulf %parallel_loop3A_505, %parallel_loop3A_507 : vector<16xf32>
        %parallel_loop3A_509 = tpu.vector_load_idx %arg7[%parallel_loop3A_218, %broadcast_in_dim3A_61] : memref<256x128xf32, #tpu.memory_space<vmem>>[vector<16xi32>, vector<16xi32>], vector<16xf32>,
        %parallel_loop3A_510 = arith.constant 5.65685415 : f32
        %parallel_loop3A_511 = vector.broadcast %parallel_loop3A_510 : f32 to vector<16xf32>
        %parallel_loop3A_512 = arith.mulf %parallel_loop3A_509, %parallel_loop3A_511 : vector<16xf32>
        %parallel_loop3A_513 = tpu.vector_load_idx %arg7[%parallel_loop3A_218, %broadcast_in_dim3A_63] : memref<256x128xf32, #tpu.memory_space<vmem>>[vector<16xi32>, vector<16xi32>], vector<16xf32>,
        %parallel_loop3A_514 = arith.constant 5.65685415 : f32
        %parallel_loop3A_515 = vector.broadcast %parallel_loop3A_514 : f32 to vector<16xf32>
        %parallel_loop3A_516 = arith.mulf %parallel_loop3A_513, %parallel_loop3A_515 : vector<16xf32>
        %parallel_loop3A_517 = tpu.vector_load_idx %arg7[%parallel_loop3A_218, %broadcast_in_dim3A_65] : memref<256x128xf32, #tpu.memory_space<vmem>>[vector<16xi32>, vector<16xi32>], vector<16xf32>,
        %parallel_loop3A_518 = arith.constant 5.65685415 : f32
        %parallel_loop3A_519 = vector.broadcast %parallel_loop3A_518 : f32 to vector<16xf32>
        %parallel_loop3A_520 = arith.mulf %parallel_loop3A_517, %parallel_loop3A_519 : vector<16xf32>
        %parallel_loop3A_521 = arith.constant 3 : i32
        %parallel_loop3A_522 = arith.constant 0 : i32
        %parallel_loop3A_523 = arith.index_cast %parallel_loop3A_521 : i32 to index
        %parallel_loop3A_524 = arith.index_cast %parallel_loop3A_220 : i32 to index
        %parallel_loop3A_525 = arith.index_cast %parallel_loop3A_522 : i32 to index
        %parallel_loop3A_526 = arith.index_cast %parallel_loop3A_224 : i32 to index
        %parallel_loop3A_527 = tpu.vector_load %arg9[%parallel_loop3A_523, %parallel_loop3A_524, %parallel_loop3A_525, %parallel_loop3A_526] {strides = array<i32>} : memref<4x2x8x128xf32, #tpu.memory_space<vmem>>, vector<16xf32>,
        tpu.vector_store %arg9[%parallel_loop3A_523, %parallel_loop3A_524, %parallel_loop3A_525, %parallel_loop3A_526], %parallel_loop3A_492 {strides = array<i32>} : memref<4x2x8x128xf32, #tpu.memory_space<vmem>>, vector<16xf32>,
        %parallel_loop3A_528 = arith.constant 3 : i32
        %parallel_loop3A_529 = arith.constant 1 : i32
        %parallel_loop3A_530 = arith.index_cast %parallel_loop3A_528 : i32 to index
        %parallel_loop3A_531 = arith.index_cast %parallel_loop3A_220 : i32 to index
        %parallel_loop3A_532 = arith.index_cast %parallel_loop3A_529 : i32 to index
        %parallel_loop3A_533 = arith.index_cast %parallel_loop3A_224 : i32 to index
        %parallel_loop3A_534 = tpu.vector_load %arg9[%parallel_loop3A_530, %parallel_loop3A_531, %parallel_loop3A_532, %parallel_loop3A_533] {strides = array<i32>} : memref<4x2x8x128xf32, #tpu.memory_space<vmem>>, vector<16xf32>,
        tpu.vector_store %arg9[%parallel_loop3A_530, %parallel_loop3A_531, %parallel_loop3A_532, %parallel_loop3A_533], %parallel_loop3A_496 {strides = array<i32>} : memref<4x2x8x128xf32, #tpu.memory_space<vmem>>, vector<16xf32>,
        %parallel_loop3A_535 = arith.constant 3 : i32
        %parallel_loop3A_536 = arith.constant 2 : i32
        %parallel_loop3A_537 = arith.index_cast %parallel_loop3A_535 : i32 to index
        %parallel_loop3A_538 = arith.index_cast %parallel_loop3A_220 : i32 to index
        %parallel_loop3A_539 = arith.index_cast %parallel_loop3A_536 : i32 to index
        %parallel_loop3A_540 = arith.index_cast %parallel_loop3A_224 : i32 to index
        %parallel_loop3A_541 = tpu.vector_load %arg9[%parallel_loop3A_537, %parallel_loop3A_538, %parallel_loop3A_539, %parallel_loop3A_540] {strides = array<i32>} : memref<4x2x8x128xf32, #tpu.memory_space<vmem>>, vector<16xf32>,
        tpu.vector_store %arg9[%parallel_loop3A_537, %parallel_loop3A_538, %parallel_loop3A_539, %parallel_loop3A_540], %parallel_loop3A_500 {strides = array<i32>} : memref<4x2x8x128xf32, #tpu.memory_space<vmem>>, vector<16xf32>,
        %parallel_loop3A_542 = arith.constant 3 : i32
        %parallel_loop3A_543 = arith.constant 3 : i32
        %parallel_loop3A_544 = arith.index_cast %parallel_loop3A_542 : i32 to index
        %parallel_loop3A_545 = arith.index_cast %parallel_loop3A_220 : i32 to index
        %parallel_loop3A_546 = arith.index_cast %parallel_loop3A_543 : i32 to index
        %parallel_loop3A_547 = arith.index_cast %parallel_loop3A_224 : i32 to index
        %parallel_loop3A_548 = tpu.vector_load %arg9[%parallel_loop3A_544, %parallel_loop3A_545, %parallel_loop3A_546, %parallel_loop3A_547] {strides = array<i32>} : memref<4x2x8x128xf32, #tpu.memory_space<vmem>>, vector<16xf32>,
        tpu.vector_store %arg9[%parallel_loop3A_544, %parallel_loop3A_545, %parallel_loop3A_546, %parallel_loop3A_547], %parallel_loop3A_504 {strides = array<i32>} : memref<4x2x8x128xf32, #tpu.memory_space<vmem>>, vector<16xf32>,
        %parallel_loop3A_549 = arith.constant 3 : i32
        %parallel_loop3A_550 = arith.constant 4 : i32
        %parallel_loop3A_551 = arith.index_cast %parallel_loop3A_549 : i32 to index
        %parallel_loop3A_552 = arith.index_cast %parallel_loop3A_220 : i32 to index
        %parallel_loop3A_553 = arith.index_cast %parallel_loop3A_550 : i32 to index
        %parallel_loop3A_554 = arith.index_cast %parallel_loop3A_224 : i32 to index
        %parallel_loop3A_555 = tpu.vector_load %arg9[%parallel_loop3A_551, %parallel_loop3A_552, %parallel_loop3A_553, %parallel_loop3A_554] {strides = array<i32>} : memref<4x2x8x128xf32, #tpu.memory_space<vmem>>, vector<16xf32>,
        tpu.vector_store %arg9[%parallel_loop3A_551, %parallel_loop3A_552, %parallel_loop3A_553, %parallel_loop3A_554], %parallel_loop3A_508 {strides = array<i32>} : memref<4x2x8x128xf32, #tpu.memory_space<vmem>>, vector<16xf32>,
        %parallel_loop3A_556 = arith.constant 3 : i32
        %parallel_loop3A_557 = arith.constant 5 : i32
        %parallel_loop3A_558 = arith.index_cast %parallel_loop3A_556 : i32 to index
        %parallel_loop3A_559 = arith.index_cast %parallel_loop3A_220 : i32 to index
        %parallel_loop3A_560 = arith.index_cast %parallel_loop3A_557 : i32 to index
        %parallel_loop3A_561 = arith.index_cast %parallel_loop3A_224 : i32 to index
        %parallel_loop3A_562 = tpu.vector_load %arg9[%parallel_loop3A_558, %parallel_loop3A_559, %parallel_loop3A_560, %parallel_loop3A_561] {strides = array<i32>} : memref<4x2x8x128xf32, #tpu.memory_space<vmem>>, vector<16xf32>,
        tpu.vector_store %arg9[%parallel_loop3A_558, %parallel_loop3A_559, %parallel_loop3A_560, %parallel_loop3A_561], %parallel_loop3A_512 {strides = array<i32>} : memref<4x2x8x128xf32, #tpu.memory_space<vmem>>, vector<16xf32>,
        %parallel_loop3A_563 = arith.constant 3 : i32
        %parallel_loop3A_564 = arith.constant 6 : i32
        %parallel_loop3A_565 = arith.index_cast %parallel_loop3A_563 : i32 to index
        %parallel_loop3A_566 = arith.index_cast %parallel_loop3A_220 : i32 to index
        %parallel_loop3A_567 = arith.index_cast %parallel_loop3A_564 : i32 to index
        %parallel_loop3A_568 = arith.index_cast %parallel_loop3A_224 : i32 to index
        %parallel_loop3A_569 = tpu.vector_load %arg9[%parallel_loop3A_565, %parallel_loop3A_566, %parallel_loop3A_567, %parallel_loop3A_568] {strides = array<i32>} : memref<4x2x8x128xf32, #tpu.memory_space<vmem>>, vector<16xf32>,
        tpu.vector_store %arg9[%parallel_loop3A_565, %parallel_loop3A_566, %parallel_loop3A_567, %parallel_loop3A_568], %parallel_loop3A_516 {strides = array<i32>} : memref<4x2x8x128xf32, #tpu.memory_space<vmem>>, vector<16xf32>,
        %parallel_loop3A_570 = arith.constant 3 : i32
        %parallel_loop3A_571 = arith.constant 7 : i32
        %parallel_loop3A_572 = arith.index_cast %parallel_loop3A_570 : i32 to index
        %parallel_loop3A_573 = arith.index_cast %parallel_loop3A_220 : i32 to index
        %parallel_loop3A_574 = arith.index_cast %parallel_loop3A_571 : i32 to index
        %parallel_loop3A_575 = arith.index_cast %parallel_loop3A_224 : i32 to index
        %parallel_loop3A_576 = tpu.vector_load %arg9[%parallel_loop3A_572, %parallel_loop3A_573, %parallel_loop3A_574, %parallel_loop3A_575] {strides = array<i32>} : memref<4x2x8x128xf32, #tpu.memory_space<vmem>>, vector<16xf32>,
        tpu.vector_store %arg9[%parallel_loop3A_572, %parallel_loop3A_573, %parallel_loop3A_574, %parallel_loop3A_575], %parallel_loop3A_520 {strides = array<i32>} : memref<4x2x8x128xf32, #tpu.memory_space<vmem>>, vector<16xf32>,
      } {sc.loop_unroll_factor = 2 : i64, sc.parallel_access}
      %shift_right_arithmetic3A_197 = arith.constant 1 : i32
      %shift_right_arithmetic3A_198 = arith.shrsi %add3A_193, %shift_right_arithmetic3A_197 : i32
      %and3A_199 = arith.constant 1 : i32
      %and3A_200 = arith.andi %add3A_193, %and3A_199 : i32
      %mul3A_201 = arith.constant 2 : i32
      %mul3A_202 = arith.muli %mul3A_201, %and3A_200 : i32
      %add3A_203 = arith.addi %mul3A_2, %mul3A_202 : i32
      %dma_start3A_204 = arith.constant 0 : i32
      %dma_start3A_205 = arith.constant 0 : i32
      %dma_start3A_206 = arith.constant 0 : i32
      %dma_start3A_207 = tpu.memref_slice %arg4[%shift_right_arithmetic3A_198, %dma_start3A_204, %add3A_203, %dma_start3A_205, %dma_start3A_206] : memref<50x4x128x8x128xf32, #tpu.memory_space<hbm>> -> memref<1x4x2x8x128xf32, #tpu.memory_space<hbm>>
      %dma_start3A_208 = tpu.memref_squeeze %dma_start3A_207 : memref<1x4x2x8x128xf32, #tpu.memory_space<hbm>> -> memref<4x2x8x128xf32, #tpu.memory_space<hbm>>
      %dma_start3A_209 = arith.constant 0 : i32
      %dma_start3A_210 = arith.constant 0 : i32
      %dma_start3A_211 = arith.constant 0 : i32
      %dma_start3A_212 = tpu.memref_slice %arg4[%shift_right_arithmetic3A_198, %dma_start3A_209, %add3A_203, %dma_start3A_210, %dma_start3A_211] : memref<50x4x128x8x128xf32, #tpu.memory_space<hbm>> -> memref<1x4x2x8x128xf32, #tpu.memory_space<hbm>>
      %dma_start3A_213 = tpu.memref_squeeze %dma_start3A_212 : memref<1x4x2x8x128xf32, #tpu.memory_space<hbm>> -> memref<4x2x8x128xf32, #tpu.memory_space<hbm>>
      tpu.enqueue_dma source(%arg9 : memref<4x2x8x128xf32, #tpu.memory_space<vmem>>) target(%dma_start3A_213 : memref<4x2x8x128xf32, #tpu.memory_space<hbm>>) target_semaphore(%arg13 : memref<!tpu.dma_semaphore, #tpu.memory_space<semaphore_mem>>)
    }
    %scan3A_91 = arith.constant 50 : i32
    %add3A_92 = arith.constant 0 : i32
    %add3A_93 = arith.addi %mul3A_2, %add3A_92 : i32
    %dma_wait3A = arith.constant 49 : i32
    %dma_wait3A_94 = arith.constant 0 : i32
    %dma_wait3A_95 = arith.constant 0 : i32
    %dma_wait3A_96 = arith.constant 0 : i32
    %dma_wait3A_97 = tpu.memref_slice %arg4[%dma_wait3A, %dma_wait3A_94, %add3A_93, %dma_wait3A_95, %dma_wait3A_96] : memref<50x4x128x8x128xf32, #tpu.memory_space<hbm>> -> memref<1x4x2x8x128xf32, #tpu.memory_space<hbm>>
    %dma_wait3A_98 = tpu.memref_squeeze %dma_wait3A_97 : memref<1x4x2x8x128xf32, #tpu.memory_space<hbm>> -> memref<4x2x8x128xf32, #tpu.memory_space<hbm>>
    %dma_wait3A_99 = arith.constant 0 : i32
    %dma_wait3A_100 = arith.constant 0 : i32
    %dma_wait3A_101 = arith.constant 0 : i32
    %dma_wait3A_102 = tpu.memref_slice %arg4[%dma_wait3A, %dma_wait3A_99, %add3A_93, %dma_wait3A_100, %dma_wait3A_101] : memref<50x4x128x8x128xf32, #tpu.memory_space<hbm>> -> memref<1x4x2x8x128xf32, #tpu.memory_space<hbm>>
    %dma_wait3A_103 = tpu.memref_squeeze %dma_wait3A_102 : memref<1x4x2x8x128xf32, #tpu.memory_space<hbm>> -> memref<4x2x8x128xf32, #tpu.memory_space<hbm>>
    tpu.wait_dma2 semaphore(%arg12 : memref<!tpu.dma_semaphore, #tpu.memory_space<semaphore_mem>>) src(%arg8 : memref<4x2x8x128xf32, #tpu.memory_space<vmem>>) dst(%dma_wait3A_103 : memref<4x2x8x128xf32, #tpu.memory_space<hbm>>)
    %add3A_104 = arith.constant 2 : i32
    %add3A_105 = arith.addi %mul3A_2, %add3A_104 : i32
    %dma_wait3A_106 = arith.constant 49 : i32
    %dma_wait3A_107 = arith.constant 0 : i32
    %dma_wait3A_108 = arith.constant 0 : i32
    %dma_wait3A_109 = arith.constant 0 : i32
    %dma_wait3A_110 = tpu.memref_slice %arg4[%dma_wait3A_106, %dma_wait3A_107, %add3A_105, %dma_wait3A_108, %dma_wait3A_109] : memref<50x4x128x8x128xf32, #tpu.memory_space<hbm>> -> memref<1x4x2x8x128xf32, #tpu.memory_space<hbm>>
    %dma_wait3A_111 = tpu.memref_squeeze %dma_wait3A_110 : memref<1x4x2x8x128xf32, #tpu.memory_space<hbm>> -> memref<4x2x8x128xf32, #tpu.memory_space<hbm>>
    %dma_wait3A_112 = arith.constant 0 : i32
    %dma_wait3A_113 = arith.constant 0 : i32
    %dma_wait3A_114 = arith.constant 0 : i32
    %dma_wait3A_115 = tpu.memref_slice %arg4[%dma_wait3A_106, %dma_wait3A_112, %add3A_105, %dma_wait3A_113, %dma_wait3A_114] : memref<50x4x128x8x128xf32, #tpu.memory_space<hbm>> -> memref<1x4x2x8x128xf32, #tpu.memory_space<hbm>>
    %dma_wait3A_116 = tpu.memref_squeeze %dma_wait3A_115 : memref<1x4x2x8x128xf32, #tpu.memory_space<hbm>> -> memref<4x2x8x128xf32, #tpu.memory_space<hbm>>
    tpu.wait_dma2 semaphore(%arg13 : memref<!tpu.dma_semaphore, #tpu.memory_space<semaphore_mem>>) src(%arg9 : memref<4x2x8x128xf32, #tpu.memory_space<vmem>>) dst(%dma_wait3A_116 : memref<4x2x8x128xf32, #tpu.memory_space<hbm>>)
    return
  }
}

</mosaic_0001>

<sc_bundles>
// kernel: kernel.3.cloned.1.call-start
scs
__scs_entry_jumppad:
0x0: {  	(pc) =	sbr.rel $0x88, $3  }
0x1: {  	(tag) =	ssettag $0x0;
	lr =	simm.s32 $0x1  }
0x2: {  	[smem:$0x3F9F] =	sst lr;
	_ =	strace $0xD0000000  }
0x3: {  	_ = 	snop  }
0x4: {  	_ = 	snop  }
0x5: {  	_ = 	snop  }
0x6: {  	_ = 	snop  }
0x7: {  	_ = 	snop  }
__scs_overlays_trampoline_lowered:
0x8: {  	[smem:$0x3FAE] =	sst s0  }
0x9: {  	[smem:$0x3FAF] =	sst s1  }
0xa: {  	[smem:$0x3FB0] =	sst s2  }
0xb: {  	[smem:$0x3FB1] =	sst s3  }
0xc: {  	[smem:$0x3FB2] =	sst s4  }
0xd: {  	[smem:$0x3FB3] =	sst s5  }
0xe: {  	[smem:$0x3FB4] =	sst s6  }
0xf: {  	[smem:$0x3FB5] =	sst s7  }
0x10: {  	[smem:$0x3FB6] =	sst s8  }
0x11: {  	[smem:$0x3FB7] =	sst s9;
	s0 =	simm.s32 @!p0 $0x0  }
0x12: {  	s1 =	sld [smem:$0x3F9D];
	s0 =	simm.s32 @p0 $0x1  }
0x13: {  	[smem:$0x3FB8] =	sst s0;
	s0 =	simm.s32 @!p1 $0x0  }
0x14: {  	s2 =	sld [smem:$0x3F9C];
	s0 =	simm.s32 @p1 $0x1  }
0x15: {  	[smem:$0x3FB9] =	sst s0;
	s0 =	simm.s32 @!p2 $0x0  }
0x16: {  	s3 =	sld [smem:$0x3FDB];
	s0 =	simm.s32 @p2 $0x1  }
0x17: {  	s4 =	simm.s32 $0x1BF5;
	[smem:$0x3FBB] =	sst s0  }
0x18: {  	s0 =	sld [smem:$0x3F9E];
	_ =	swait.ge [sflag:s4], $0x0  }
0x19: {  	s7 =	sld [smem:$0x3F9F]  }
0x1a: {  	s8 =	sadd.s32 $0xFFFFE003, lr  }
0x1b: {  	s9 =	sadd.s32 $0xFFFFFEF7, lr;
	s5 =	simm.s32 $0xFFFFFFFF;
	p2 =	slt.u32 s8, $0xFFFFF086  }
0x1c: {  	p1 =	slt.u32 s9, $0xF7A;
	s5 =	simm.s32 @!p2 $0x0  }
0x1d: {  	s5 =	simm.s32 @p1 $0x1;
	p0 =	seq.s32 s7, s2  }
0x1e: {  	s7 =	smul.u32 @!p0 $0xF7A, s2;
	p2 =	seq.s32 @!p0 s5, $0x0  }
0x1f: {  	s9 =	smul.u32 $0xF7A, s1;
	s8 =	simm.s32 @!p0 $0x1BF5;
	p2 =	por !p2, p0  }
0x20: {  	[sflag:s8] =	ssyncset.s32 @!p0 $0xFFFFF086;
	s6 =	sadd.s32 @!p0 s3, s7;
	s7 =	simm.s32 @!p0 $0x108  }
0x21: {  	s3 =	sadd.s32 s3, s9;
	s6 =	sadd.s32 @!p0 $0x88, s6;
	s7 =	simm.s32 @p2 $0x1082  }
0x22: {  	[simem:s7], [sflag:s8] =	dma.local @!p0 [hbm:s6], $0xF7A  }
0x23: {  	s9 =	sor.u32 $0xD0000000, s2;
	s6 =	simm.s32 $0x108;
	_ =	swait.ge @!p0 [sflag:s8], $0x0  }
0x24: {  	s3 =	sadd.s32 $0x88, s3;
	s6 =	simm.s32 @!p1 $0x1082;
	[sflag:s4] =	ssyncset.s32 $0xFFFFF086  }
0x25: {  	[simem:s6], [sflag:s4] =	dma.local [hbm:s3], $0xF7A  }
0x26: {  	[smem:$0x3F9F] =	sst s1;
	(tag) =	ssettag s2;
	_ =	strace s9  }
0x27: {  	s1 =	sld [smem:$0x3FAF]  }
0x28: {  	s2 =	sld [smem:$0x3FB0]  }
0x29: {  	s4 =	sld [smem:$0x3FB2]  }
0x2a: {  	p0 =	seq.s32 s5, $0x0;
	s5 =	sld [smem:$0x3FB3]  }
0x2b: {  	s6 =	sld [smem:$0x3FB4]  }
0x2c: {  	s7 =	sld [smem:$0x3FB5]  }
0x2d: {  	s3 =	simm.s32 $0x108;
	s8 =	sld [smem:$0x3FB6]  }
0x2e: {  	s3 =	simm.s32 @!p0 $0x1082;
	s9 =	sld [smem:$0x3FB7]  }
0x2f: {  	lr =	sadd.s32 s0, s3;
	s0 =	sld [smem:$0x3FAE]  }
0x30: {  	s3 =	sld [smem:$0x3FB1]  }
0x31: {  	[smem:$0x3FBA] =	sst s10  }
0x32: {  	s10 =	sld [smem:$0x3FB8];
	_ =	sdelay $0x3  }
0x33: {  	p0 =	seq.s32 s10, $0x1;
	s10 =	sld [smem:$0x3FBA];
	_ =	sdelay $0x3  }
0x34: {  	[smem:$0x3FBA] =	sst s10  }
0x35: {  	s10 =	sld [smem:$0x3FB9];
	_ =	sdelay $0x3  }
0x36: {  	p1 =	seq.s32 s10, $0x1;
	s10 =	sld [smem:$0x3FBA];
	_ =	sdelay $0x3  }
0x37: {  	[smem:$0x3FBA] =	sst s10  }
0x38: {  	s10 =	sld [smem:$0x3FBB]  }
0x39: {  	_ = 	snop;
	(pc) =	sbr.ind lr, $3  }
0x3a: {  	_ = 	snop  }
0x3b: {  	_ = 	snop  }
0x3c: {  	p2 =	seq.s32 s10, $0x1;
	s10 =	sld [smem:$0x3FBA]  }
0x3d: {  	_ =	shalt  }
0x3e: {  	_ =	shalt  }
0x3f: {  	_ =	shalt  }
0x40: {  	_ =	shalt  }
0x41: {  	_ =	shalt  }
0x42: {  	_ =	shalt  }
0x43: {  	_ =	shalt  }
0x44: {  	_ =	shalt  }
0x45: {  	_ =	shalt  }
0x46: {  	_ =	shalt  }
0x47: {  	_ =	shalt  }
0x48: {  	_ =	shalt  }
0x49: {  	_ =	shalt  }
0x4a: {  	_ =	shalt  }
0x4b: {  	_ =	shalt  }
0x4c: {  	_ =	shalt  }
0x4d: {  	_ =	shalt  }
0x4e: {  	_ =	shalt  }
0x4f: {  	_ =	shalt  }
0x50: {  	_ =	shalt  }
0x51: {  	_ =	shalt  }
0x52: {  	_ =	shalt  }
0x53: {  	_ =	shalt  }
0x54: {  	_ =	shalt  }
0x55: {  	_ =	shalt  }
0x56: {  	_ =	shalt  }
0x57: {  	_ =	shalt  }
0x58: {  	_ =	shalt  }
0x59: {  	_ =	shalt  }
0x5a: {  	_ =	shalt  }
0x5b: {  	_ =	shalt  }
0x5c: {  	_ =	shalt  }
0x5d: {  	_ =	shalt  }
0x5e: {  	_ =	shalt  }
0x5f: {  	_ =	shalt  }
0x60: {  	_ =	shalt  }
0x61: {  	_ =	shalt  }
0x62: {  	_ =	shalt  }
0x63: {  	_ =	shalt  }
0x64: {  	_ =	shalt  }
0x65: {  	_ =	shalt  }
0x66: {  	_ =	shalt  }
0x67: {  	_ =	shalt  }
0x68: {  	_ =	shalt  }
0x69: {  	_ =	shalt  }
0x6a: {  	_ =	shalt  }
0x6b: {  	_ =	shalt  }
0x6c: {  	_ =	shalt  }
0x6d: {  	_ =	shalt  }
0x6e: {  	_ =	shalt  }
0x6f: {  	_ =	shalt  }
0x70: {  	_ =	shalt  }
0x71: {  	_ =	shalt  }
0x72: {  	_ =	shalt  }
0x73: {  	_ =	shalt  }
0x74: {  	_ =	shalt  }
0x75: {  	_ =	shalt  }
0x76: {  	_ =	shalt  }
0x77: {  	_ =	shalt  }
0x78: {  	_ =	shalt  }
0x79: {  	_ =	shalt  }
0x7a: {  	_ =	shalt  }
0x7b: {  	_ =	shalt  }
0x7c: {  	_ =	shalt  }
0x7d: {  	_ =	shalt  }
0x7e: {  	_ =	shalt  }
0x7f: {  	_ =	shalt  }
0x80: {  	_ =	shalt  }
0x81: {  	_ =	shalt  }
0x82: {  	_ =	shalt  }
0x83: {  	_ =	shalt  }
0x84: {  	_ =	shalt  }
0x85: {  	_ =	shalt  }
0x86: {  	_ =	shalt  }
0x87: {  	_ =	shalt  }
.Lfunc_end0:
.L_simem_size_0:
called_computation_lowered:
.L_overlay_start_0:
0x88: {  	s2 =	sld [smem:$0x3FD9]  }
0x89: {  	s3 =	sld [smem:$0x3FFE];
	_ =	sdelay $0x1  }
0x8a: {  	s1 =	srdreg.scid  }
0x8b: {  	s0 =	sand.u32 $0x1, s1  }
0x8c: {  	s17 =	sshll.u32 s0, $0xA;
	s2 =	sadd.s32 s3, s2  }
0x8d: {  	s2 =	sadd.s32 s2, s17  }
0x8e: {  	[smem:$0x3FC6] =	sst s2  }
0x8f: {  	_ = 	snop  }
0x90: {  	s2 =	sld [smem:$0x3FD0];
	(tm) =	ssettm $0x1  }
0x91: {  	s18 =	sld [smem:$0x3FFB];
	_ =	sdelay $0x3  }
0x92: {  	_ =	strace s18  }
0x93: {  	s3 =	sld [smem:$0x3FFC];
	_ =	sdelay $0x3  }
0x94: {  	_ =	strace s3  }
0x95: {  	s3 =	sld [smem:$0x3FFD];
	_ =	sdelay $0x3  }
0x96: {  	_ =	strace s3  }
0x97: {  	_ =	strace $0x8FFFFFFF  }
0x98: {  	s19 =	sld [smem:$0x3FDB];
	_ =	sdelay $0x1  }
0x99: {  	s4 =	simm.s32 $_scs_section_size  }
0x9a: {  	s5 =	simm.s32 $_size__tile_overlayer_lowered;
	s6 =	simm.s32 $_tile_overlayer_lowered  }
0x9b: {  	s22 =	simm.s32 $0x1BFF;
	s21 =	sshll.u32 s6, $0x1;
	s3 =	sadd.s32 s4, s19  }
0x9c: {  	s7 =	simm.s32 $0x0;
	s20 =	sshll.u32 s5, $0x1;
	s5 =	sadd.s32 s21, s3  }
0x9d: {  	[timem:s7], [sflag:s22] =	dma.local [hbm:s5], s20  }
0x9e: {  	_ =	swait.ge [sflag:s22], s20  }
0x9f: {  	s4 =	ssub.s32 $0x0, s20;
	[sflag:s22] =	ssyncset.done $0x0  }
0xa0: {  	[sflag:s22] =	ssyncadd.s32 s4;
	_ =	sdelay $0x1  }
0xa1: {  	s23 =	simm.s32 $0x1B8B  }
0xa2: {  	_ =	swait.ge [sflag:s23], $0x1  }
0xa3: {  	[sflag:s23] =	ssyncset.done $0x0  }
0xa4: {  	s25 =	simm.s32 $0x1B8E;
	s24 =	sld [smem:$0x3FFE];
	[sflag:s23] =	ssyncadd.s32 $0xFFFFFFFF  }
0xa5: {  	s26 =	simm.s32 $execute0_lowered;
	[smem:$0x3FD2] =	sst s25  }
0xa6: {  	s5 =	sshll.u32 s26, $0x1;
	_ =	strace $0x80000046;
	[dreg:$0x1] =	wrdreg $0xFFFFFFFF  }
0xa7: {  	s28 =	simm.s32 $_size_execute0_lowered;
	s3 =	sadd.s32 s3, s5;
	[dreg:$0x0] =	wrdreg $0x0  }
0xa8: {  	s5 =	sshll.u32 s28, $0x1;
	[dreg:$0x2] =	wrdreg s3  }
0xa9: {  	[dreg:$0x3] =	wrdreg s5  }
0xaa: {  	[dreg:$0x4] =	wrdreg $0xC0  }
0xab: {  	_ =	task [dreg:s7], $0x5FFFF  }
0xac: {  	[dreg:$0x1] =	wrdreg $0xFFFFFFFF  }
0xad: {  	[dreg:$0x0] =	wrdreg $0x60  }
0xae: {  	[dreg:$0x2] =	wrdreg s24  }
0xaf: {  	[dreg:$0x3] =	wrdreg s2  }
0xb0: {  	[dreg:$0x4] =	wrdreg $0x9  }
0xb1: {  	_ =	task.clear_ibuf [dreg:s7], $0x5FFFF;
	_ =	strace $0x90000046  }
0xb2: {  	s29 =	simm.s32 $0x9;
	_ =	strace $0x80000048  }
0xb3: {  	_ =	swait.ge [sflag:s29], $0x1  }
0xb4: {  	[sflag:s29] =	ssyncadd.s32 $0xFFFFFFFF  }
0xb5: {  	_ =	strace $0x90000048  }
0xb6: {  	_ =	sfence  }
0xb7: {  	s30 =	sld [smem:$0x0];
	_ =	sdelay $0x2  }
0xb8: {  	s31 =	sshll.u32 s1, $0xD;
	s1 =	sshrl.u32 s1, $0x2  }
0xb9: {  	s3 =	sand.u32 $0x4000, s31;
	s1 =	sadd.s32 s1, s30  }
0xba: {  	s0 =	sor.u32 s3, s0;
	s1 =	sshll.u32 s1, $0x11  }
0xbb: {  	s0 =	sor.u32 s1, s0  }
0xbc: {  	s0 =	sadd.s32 $0x8F2B, s0  }
0xbd: {  	[sflag:s0] =	ssyncadd.remote.s32 $0x1  }
0xbe: {  	_ =	sfence.sel $0xFFFF  }
0xbf: {  	[dreg:$0x0] =	wrdreg $0xFFFFFFFF;
	(pc) =	sbr.abs _section_cstart, $3  }
0xc0: {  	[dreg:$0x1] =	wrdreg $0xFFFFFFFF  }
0xc1: {  	_ =	task.clear_ibuf [dreg:s7], $0x2FFFF;
	_ =	strace $0x9FFFFFFF  }
0xc2: {  	(tm) =	ssettm $0x7FFFFFFF  }
0xc3: {  	_ =	shalt  }
tec
execute0_lowered:
.L_overlay_start_1:
0x0: {  	(tag) =	ssettag $0x1  }
0x1: {  	s2 =	srdreg.scid  }
0x2: {  	s0 =	rddreg [dreg:$0x0];
	s3 =	stileid.u32;
	s2 =	sand.u32 $0x1, s2  }
0x3: {  	s5 =	simm.s32 $0x0;
	s3 =	sshll.u32 s3, $0x3;
	s4 =	sshll.u32 s2, $0x2  }
0x4: {  	[smem:$0x7FF] =	sst s5;
	s3 =	sor.u32 s4, s3  }
0x5: {  	s1 =	rddreg [dreg:$0x1];
	_ =	strace $0x80000047;
	s4 =	sshll.u32 s3, $0x4  }
0x6: {  	s29 =	sshll.u32 s3, $0x7;
	s4 =	sadd.s32 s4, s0;
	s0 =	sadd.s32 $0xF5BA00, s0  }
0x7: {  	s2 =	ssub.s32 $0x2, s2;
	s1 =	sadd.s32 s1, s29;
	[dreg:$0x3] =	wrdreg s0  }
0x8: {  	s30 =	sshrl.u32 s2, $0x1;
	s31 =	sadd.s32 $0xF42A00, s4;
	[dreg:$0x4] =	wrdreg s1  }
0x9: {  	s0 =	ssub.s32 s2, s30;
	s1 =	sadd.s32 $0x100, s1;
	[dreg:$0x5] =	wrdreg s31  }
0xa: {  	s12 =	simm.s32 $0x6400;
	v0 =	vlaneseq.u32;
	[dreg:$0x6] =	wrdreg s1;
	s0 =	smax.u32 s0, $0x1  }
0xb: {  	s15 =	simm.s32 $0xE400;
	v0 =	vmul.u32 $0x80, v0;
	s2 =	simm.s32 $0x0;
	[dreg:$0x7] =	wrdreg s0  }
.LBB2_1:
0xc: {  	[dreg:$0x8] =	wrdreg s2  }
0xd: {  	s0 =	simm.s32 $0x0;
	s1 =	rddreg [dreg:$0x5]  }
0xe: {  	s26 =	simm.s32 $0x200;
	s3 =	simm.s32 $0x4000;
	s28 =	simm.s32 $0x5  }
0xf: {  	[tilespmem:s0], [sflag:$0x5] =	stream.strided.gather [hbm4b:s1+s26], $0x6400, s3, s26, $0x38;
	[tilespmem:$0x1A400] =	vst v63  }
0x10: {  	_ =	swait.ge [sflag:s28], $0x6400  }
0x11: {  	[sflag:s28] =	ssyncset.done $0x0  }
0x12: {  	s30 =	simm.s32 $0x80;
	s29 =	rddreg [dreg:$0x3];
	[sflag:s28] =	ssyncadd.s32 $0xFFFF9C00  }
0x13: {  	[tilespmem:s12], [sflag:$0x1] =	stream.indirect.gather [hbm4b:s29+s30], $0x80, s0, s30, $0xb8;
	[tilespmem:$0x1A400] =	vst v63  }
0x14: {  	s31 =	simm.s32 $0xA400;
	s25 =	simm.s32 $0x0  }
0x15: {  	[tilespmem:s31], [sflag:$0x1] =	stream.indirect.gather [hbm4b:s29+s30], $0x80, s30, s30, $0xb8;
	[tilespmem:$0x1A400] =	vst v63  }
.LBB2_2:
0x16: {  	s1 =	simm.s32 $0x1;
	s0 =	sshll.u32 s25, $0x9;
	s2 =	simm.s32 $0x80  }
0x17: {  	s5 =	simm.s32 $0x0;
	s8 =	simm.s32 $0x12400;
	_ =	swait.ge [sflag:s1], $0x8000  }
0x18: {  	p0 =	seq.s32 s25, $0x0;
	s3 =	sand.u32 $0x3FFFFE00, s0;
	[sflag:s1] =	ssyncset.done $0x0  }
0x19: {  	v1 =	vmov s5;
	s0 =	sor.u32 $0x100, s3;
	s6 =	rddreg [dreg:$0x3];
	[sflag:s1] =	ssyncadd.s32 $0xFFFF8000  }
0x1a: {  	v1 =	vshll.u32 v1, $0x7;
	[tilespmem:s15], [sflag:$0x2] =	stream.indirect.gather [hbm4b:s6+s2], $0x80, s0, s2, $0xb8;
	[tilespmem:$0x1A400] =	vst v63  }
0x1b: {  	[dreg:$0x9] =	wrdreg s3;
	s7 =	sor.u32 $0x180, s3;
	v2 =	vor.u32 v0, v1;
	s0 =	simm.s32 @!p0 $0x3  }
0x1c: {  	v1 =	vor.u32 $0x1, v2;
	[tilespmem:s8], [sflag:$0x2] =	stream.indirect.gather [hbm4b:s6+s2], $0x80, s7, s2, $0xb8;
	[tilespmem:$0x1A400] =	vst v63  }
0x1d: {  	v3 =	vor.u32 $0x2, v2;
	_ =	swait.ge @!p0 [sflag:s0], $0x2000  }
0x1e: {  	v4 =	vor.u32 $0x3, v2;
	[sflag:s0] =	ssyncset.done @!p0 $0x0  }
0x1f: {  	v5 =	vor.u32 $0x4, v2;
	[sflag:s0] =	ssyncadd.s32 @!p0 $0xFFFFE000  }
0x20: {  	s9 =	simm.s32 $0x10;
	v7 =	vor.u32 $0x5, v2;
	v6 =	vld.idx.msk [tilespmem:v2+s12+$0x0], $0xffff  }
0x21: {  	v8 =	vmov s9;
	v10 =	vor.u32 $0x6, v2;
	v9 =	vld.idx.msk [tilespmem:v1+s12+$0x0], $0xffff  }
0x22: {  	v1 =	vshll.u32 v8, $0x7;
	v3 =	vld.idx.msk [tilespmem:v3+s12+$0x0], $0xffff;
	v8 =	vor.u32 $0x7, v2  }
0x23: {  	v4 =	vld.idx.msk [tilespmem:v4+s12+$0x0], $0xffff;
	v1 =	vor.u32 v0, v1  }
0x24: {  	s4 =	simm.s32 $0x0;
	v5 =	vld.idx.msk [tilespmem:v5+s12+$0x0], $0xffff;
	v11 =	vor.u32 $0x1, v1  }
0x25: {  	s1 =	sand.u32 $0x400, s4;
	v7 =	vld.idx.msk [tilespmem:v7+s12+$0x0], $0xffff;
	v12 =	vor.u32 $0x2, v1  }
0x26: {  	s6 =	sadd.s32 $0x16400, s1;
	s0 =	sand.u32 $0x60, s5;
	v10 =	vld.idx.msk [tilespmem:v10+s12+$0x0], $0xffff;
	v13 =	vor.u32 $0x3, v1;
	v6 =	vmul.f32 $5.656854150e+00, v6  }
0x27: {  	s7 =	sor.u32 s0, s6;
	v14 =	vor.u32 $0x4, v1;
	v9 =	vmul.f32 $5.656854150e+00, v9;
	v8 =	vld.idx.msk [tilespmem:v8+s12+$0x0], $0xffff  }
0x28: {  	v15 =	vor.u32 $0x5, v1;
	v3 =	vmul.f32 $5.656854150e+00, v3;
	v16 =	vld.idx.msk [tilespmem:v1+s12+$0x0], $0xffff;
	[tilespmem:s7+$0x0] =	vst v6  }
0x29: {  	v4 =	vmul.f32 $5.656854150e+00, v4;
	v6 =	vor.u32 $0x6, v1;
	v11 =	vld.idx.msk [tilespmem:v11+s12+$0x0], $0xffff;
	[tilespmem:s7+$0x80] =	vst v9  }
0x2a: {  	s8 =	sand.u32 $0x3, s4;
	v5 =	vmul.f32 $5.656854150e+00, v5;
	v9 =	vor.u32 $0x7, v1;
	v12 =	vld.idx.msk [tilespmem:v12+s12+$0x0], $0xffff;
	[tilespmem:s7+$0x100] =	vst v3  }
0x2b: {  	s8 =	sshll.u32 s8, $0x5;
	v7 =	vmul.f32 $5.656854150e+00, v7;
	v3 =	vld.idx.msk [tilespmem:v13+s12+$0x0], $0xffff;
	[tilespmem:s7+$0x180] =	vst v4;
	v4 =	vor.u32 $0x8, v2  }
0x2c: {  	s8 =	sadd.s32 $0x0, s8;
	v10 =	vmul.f32 $5.656854150e+00, v10;
	v13 =	vld.idx.msk [tilespmem:v14+s12+$0x0], $0xffff;
	[tilespmem:s7+$0x200] =	vst v5;
	v5 =	vor.u32 $0x9, v2  }
0x2d: {  	s10 =	sor.u32 $0x300, s8;
	s5 =	sor.u32 s5, s4;
	v14 =	vld.idx.msk [tilespmem:v15+s12+$0x0], $0xffff;
	[tilespmem:s7+$0x280] =	vst v7;
	v7 =	vor.u32 $0xA, v2;
	v8 =	vmul.f32 $5.656854150e+00, v8  }
0x2e: {  	s8 =	sand.u32 $0x70, s9;
	s5 =	sor.u32 $0x380, s5;
	[tilespmem:s10+$0x16400] =	vst v10;
	v10 =	vor.u32 $0xB, v2;
	v16 =	vmul.f32 $5.656854150e+00, v16;
	v6 =	vld.idx.msk [tilespmem:v6+s12+$0x0], $0xffff  }
0x2f: {  	s6 =	sor.u32 s8, s6;
	v15 =	vor.u32 $0xD, v2;
	v11 =	vmul.f32 $5.656854150e+00, v11;
	v9 =	vld.idx.msk [tilespmem:v9+s12+$0x0], $0xffff;
	[tilespmem:s5+$0x16400] =	vst v8  }
0x30: {  	v8 =	vor.u32 $0xC, v2;
	v12 =	vmul.f32 $5.656854150e+00, v12;
	v4 =	vld.idx.msk [tilespmem:v4+s12+$0x0], $0xffff;
	[tilespmem:s6+$0x0] =	vst v16  }
0x31: {  	s11 =	sand.u32 $0x7, s4;
	v3 =	vmul.f32 $5.656854150e+00, v3;
	v5 =	vld.idx.msk [tilespmem:v5+s12+$0x0], $0xffff;
	[tilespmem:s6+$0x80] =	vst v11;
	v11 =	vor.u32 $0xE, v2  }
0x32: {  	v13 =	vmul.f32 $5.656854150e+00, v13;
	s5 =	sshll.u32 s11, $0x4;
	v7 =	vld.idx.msk [tilespmem:v7+s12+$0x0], $0xffff;
	[tilespmem:s6+$0x100] =	vst v12;
	v12 =	vor.u32 $0xF, v2  }
0x33: {  	v14 =	vmul.f32 $5.656854150e+00, v14;
	s5 =	sadd.s32 $0x0, s5;
	v10 =	vld.idx.msk [tilespmem:v10+s12+$0x0], $0xffff;
	[tilespmem:s6+$0x180] =	vst v3;
	v3 =	vor.u32 $0x8, v1  }
0x34: {  	v15 =	vld.idx.msk [tilespmem:v15+s12+$0x0], $0xffff;
	[tilespmem:s6+$0x200] =	vst v13;
	v13 =	vor.u32 $0x9, v1;
	s5 =	sadd.s32 $0x10, s5;
	v6 =	vmul.f32 $5.656854150e+00, v6  }
0x35: {  	s2 =	sor.u32 s9, s4;
	[tilespmem:s6+$0x280] =	vst v14;
	v14 =	vor.u32 $0xA, v1;
	s13 =	sor.u32 $0x300, s5;
	v8 =	vld.idx.msk [tilespmem:v8+s12+$0x0], $0xffff;
	v9 =	vmul.f32 $5.656854150e+00, v9  }
0x36: {  	s14 =	sadd.s32 $0x16C00, s1;
	s2 =	sor.u32 $0x380, s2;
	v16 =	vor.u32 $0xB, v1;
	v4 =	vmul.f32 $5.656854150e+00, v4;
	v11 =	vld.idx.msk [tilespmem:v11+s12+$0x0], $0xffff;
	[tilespmem:s13+$0x16400] =	vst v6  }
0x37: {  	s18 =	sadd.s32 $0x16C80, s1;
	s17 =	sor.u32 s0, s14;
	v5 =	vmul.f32 $5.656854150e+00, v5;
	v6 =	vor.u32 $0xC, v1;
	v12 =	vld.idx.msk [tilespmem:v12+s12+$0x0], $0xffff;
	[tilespmem:s2+$0x16400] =	vst v9  }
0x38: {  	s20 =	sadd.s32 $0x16D00, s1;
	s19 =	sor.u32 s0, s18;
	v7 =	vmul.f32 $5.656854150e+00, v7;
	v9 =	vor.u32 $0xD, v1;
	[tilespmem:s17+$0x0] =	vst v4;
	v3 =	vld.idx.msk [tilespmem:v3+s12+$0x0], $0xffff  }
0x39: {  	s22 =	sadd.s32 $0x16D80, s1;
	s21 =	sor.u32 s0, s20;
	v10 =	vmul.f32 $5.656854150e+00, v10;
	v4 =	vor.u32 $0xE, v1;
	[tilespmem:s19+$0x0] =	vst v5;
	v5 =	vld.idx.msk [tilespmem:v13+s12+$0x0], $0xffff  }
0x3a: {  	s9 =	sadd.s32 $0x16E00, s1;
	s23 =	sor.u32 s0, s22;
	v13 =	vor.u32 $0xF, v1;
	v8 =	vmul.f32 $5.656854150e+00, v8;
	[tilespmem:s21+$0x0] =	vst v7;
	v7 =	vld.idx.msk [tilespmem:v14+s12+$0x0], $0xffff  }
0x3b: {  	s24 =	sor.u32 s0, s9;
	s10 =	sadd.s32 $0x16E80, s1;
	v14 =	vmul.f32 $5.656854150e+00, v15;
	v15 =	vld.idx.msk [tilespmem:v16+s12+$0x0], $0xffff;
	[tilespmem:s23+$0x0] =	vst v10;
	v10 =	vor.u32 $0x10, v2  }
0x3c: {  	s26 =	sor.u32 s0, s10;
	s13 =	sadd.s32 $0x16F00, s1;
	v11 =	vmul.f32 $5.656854150e+00, v11;
	[tilespmem:s24+$0x0] =	vst v8;
	v8 =	vor.u32 $0x11, v2;
	v6 =	vld.idx.msk [tilespmem:v6+s12+$0x0], $0xffff  }
0x3d: {  	s16 =	sadd.s32 $0x16F80, s1;
	s28 =	sor.u32 s0, s13;
	v12 =	vmul.f32 $5.656854150e+00, v12;
	[tilespmem:s26+$0x0] =	vst v14;
	v14 =	vor.u32 $0x12, v2;
	v9 =	vld.idx.msk [tilespmem:v9+s12+$0x0], $0xffff  }
0x3e: {  	s3 =	sor.u32 s0, s16;
	v16 =	vor.u32 $0x15, v2;
	v4 =	vld.idx.msk [tilespmem:v4+s12+$0x0], $0xffff;
	[tilespmem:s28+$0x0] =	vst v11;
	v3 =	vmul.f32 $5.656854150e+00, v3  }
0x3f: {  	s5 =	sor.u32 s8, s14;
	v11 =	vor.u32 $0x13, v2;
	v5 =	vmul.f32 $5.656854150e+00, v5;
	v13 =	vld.idx.msk [tilespmem:v13+s12+$0x0], $0xffff;
	[tilespmem:s3+$0x0] =	vst v12  }
0x40: {  	s6 =	sor.u32 s8, s18;
	v12 =	vor.u32 $0x14, v2;
	v7 =	vmul.f32 $5.656854150e+00, v7;
	v10 =	vld.idx.msk [tilespmem:v10+s12+$0x0], $0xffff;
	[tilespmem:s5+$0x0] =	vst v3  }
0x41: {  	s4 =	sor.u32 s8, s20;
	v15 =	vmul.f32 $5.656854150e+00, v15;
	v3 =	vld.idx.msk [tilespmem:v8+s12+$0x0], $0xffff;
	v8 =	vor.u32 $0x16, v2;
	[tilespmem:s6+$0x0] =	vst v5  }
0x42: {  	s7 =	sor.u32 s8, s22;
	v6 =	vmul.f32 $5.656854150e+00, v6;
	v5 =	vld.idx.msk [tilespmem:v14+s12+$0x0], $0xffff;
	v14 =	vor.u32 $0x17, v2;
	[tilespmem:s4+$0x0] =	vst v7  }
0x43: {  	s11 =	sor.u32 s8, s9;
	v16 =	vld.idx.msk [tilespmem:v16+s12+$0x0], $0xffff;
	v7 =	vor.u32 $0x10, v1;
	v9 =	vmul.f32 $5.656854150e+00, v9;
	[tilespmem:s7+$0x0] =	vst v15  }
0x44: {  	s14 =	sor.u32 s8, s10;
	v4 =	vmul.f32 $5.656854150e+00, v4;
	v11 =	vld.idx.msk [tilespmem:v11+s12+$0x0], $0xffff;
	v15 =	vor.u32 $0x11, v1;
	[tilespmem:s11+$0x0] =	vst v6  }
0x45: {  	s17 =	sor.u32 s8, s13;
	v13 =	vmul.f32 $5.656854150e+00, v13;
	v12 =	vld.idx.msk [tilespmem:v12+s12+$0x0], $0xffff;
	v6 =	vor.u32 $0x12, v1;
	[tilespmem:s14+$0x0] =	vst v9  }
0x46: {  	s18 =	sor.u32 s8, s16;
	s19 =	sadd.s32 $0x17400, s1;
	v9 =	vor.u32 $0x13, v1;
	v10 =	vmul.f32 $5.656854150e+00, v10;
	v8 =	vld.idx.msk [tilespmem:v8+s12+$0x0], $0xffff;
	[tilespmem:s17+$0x0] =	vst v4  }
0x47: {  	s20 =	sor.u32 s0, s19;
	s21 =	sadd.s32 $0x17480, s1;
	v4 =	vor.u32 $0x14, v1;
	v3 =	vmul.f32 $5.656854150e+00, v3;
	v14 =	vld.idx.msk [tilespmem:v14+s12+$0x0], $0xffff;
	[tilespmem:s18+$0x0] =	vst v13  }
0x48: {  	s22 =	sor.u32 s0, s21;
	s23 =	sadd.s32 $0x17500, s1;
	v13 =	vor.u32 $0x15, v1;
	v5 =	vmul.f32 $5.656854150e+00, v5;
	[tilespmem:s20+$0x0] =	vst v10;
	v7 =	vld.idx.msk [tilespmem:v7+s12+$0x0], $0xffff  }
0x49: {  	s24 =	sor.u32 s0, s23;
	s26 =	sadd.s32 $0x17580, s1;
	v10 =	vor.u32 $0x16, v1;
	v11 =	vmul.f32 $5.656854150e+00, v11;
	[tilespmem:s22+$0x0] =	vst v3;
	v3 =	vld.idx.msk [tilespmem:v15+s12+$0x0], $0xffff  }
0x4a: {  	s28 =	sor.u32 s0, s26;
	s3 =	sadd.s32 $0x17600, s1;
	v15 =	vor.u32 $0x17, v1;
	v12 =	vmul.f32 $5.656854150e+00, v12;
	[tilespmem:s24+$0x0] =	vst v5;
	v5 =	vld.idx.msk [tilespmem:v6+s12+$0x0], $0xffff  }
0x4b: {  	s10 =	sor.u32 s0, s3;
	s11 =	sadd.s32 $0x17680, s1;
	v6 =	vmul.f32 $5.656854150e+00, v16;
	[tilespmem:s28+$0x0] =	vst v11;
	v11 =	vor.u32 $0x18, v2;
	v9 =	vld.idx.msk [tilespmem:v9+s12+$0x0], $0xffff  }
0x4c: {  	s13 =	sor.u32 s0, s11;
	s14 =	sadd.s32 $0x17700, s1;
	v8 =	vmul.f32 $5.656854150e+00, v8;
	[tilespmem:s10+$0x0] =	vst v12;
	v12 =	vor.u32 $0x19, v2;
	v4 =	vld.idx.msk [tilespmem:v4+s12+$0x0], $0xffff  }
0x4d: {  	s16 =	sor.u32 s0, s14;
	s17 =	sadd.s32 $0x17780, s1;
	v16 =	vor.u32 $0x1D, v2;
	v14 =	vmul.f32 $5.656854150e+00, v14;
	[tilespmem:s13+$0x0] =	vst v6;
	v13 =	vld.idx.msk [tilespmem:v13+s12+$0x0], $0xffff  }
0x4e: {  	s18 =	sor.u32 s0, s17;
	v10 =	vld.idx.msk [tilespmem:v10+s12+$0x0], $0xffff;
	[tilespmem:s16+$0x0] =	vst v8;
	v8 =	vor.u32 $0x1B, v2;
	v7 =	vmul.f32 $5.656854150e+00, v7  }
0x4f: {  	s5 =	sor.u32 s8, s19;
	v6 =	vor.u32 $0x1A, v2;
	v3 =	vmul.f32 $5.656854150e+00, v3;
	v15 =	vld.idx.msk [tilespmem:v15+s12+$0x0], $0xffff;
	[tilespmem:s18+$0x0] =	vst v14  }
0x50: {  	s19 =	sor.u32 s8, s21;
	v14 =	vor.u32 $0x1C, v2;
	v5 =	vmul.f32 $5.656854150e+00, v5;
	v11 =	vld.idx.msk [tilespmem:v11+s12+$0x0], $0xffff;
	[tilespmem:s5+$0x0] =	vst v7  }
0x51: {  	s4 =	sor.u32 s8, s23;
	v9 =	vmul.f32 $5.656854150e+00, v9;
	v7 =	vld.idx.msk [tilespmem:v12+s12+$0x0], $0xffff;
	v12 =	vor.u32 $0x1E, v2;
	[tilespmem:s19+$0x0] =	vst v3  }
0x52: {  	s20 =	sor.u32 s8, s26;
	v16 =	vld.idx.msk [tilespmem:v16+s12+$0x0], $0xffff;
	v2 =	vor.u32 $0x1F, v2;
	v3 =	vmul.f32 $5.656854150e+00, v4;
	[tilespmem:s4+$0x0] =	vst v5  }
0x53: {  	s21 =	sor.u32 s8, s3;
	v4 =	vor.u32 $0x18, v1;
	v5 =	vld.idx.msk [tilespmem:v8+s12+$0x0], $0xffff;
	v8 =	vmul.f32 $5.656854150e+00, v13;
	[tilespmem:s20+$0x0] =	vst v9  }
0x54: {  	s22 =	sor.u32 s8, s11;
	v6 =	vld.idx.msk [tilespmem:v6+s12+$0x0], $0xffff;
	v10 =	vmul.f32 $5.656854150e+00, v10;
	v9 =	vor.u32 $0x19, v1;
	[tilespmem:s21+$0x0] =	vst v3  }
0x55: {  	s23 =	sor.u32 s8, s14;
	v13 =	vld.idx.msk [tilespmem:v14+s12+$0x0], $0xffff;
	v14 =	vor.u32 $0x1A, v1;
	v3 =	vmul.f32 $5.656854150e+00, v15;
	[tilespmem:s22+$0x0] =	vst v8  }
0x56: {  	s24 =	sor.u32 s8, s17;
	v8 =	vor.u32 $0x1B, v1;
	v15 =	vld.idx.msk [tilespmem:v12+s12+$0x0], $0xffff;
	[tilespmem:s23+$0x0] =	vst v10  }
0x57: {  	s9 =	simm.s32 $0x30;
	v10 =	vor.u32 $0x1C, v1;
	v18 =	vld.idx.msk [tilespmem:v2+s12+$0x0], $0xffff;
	[tilespmem:s24+$0x0] =	vst v3  }
0x58: {  	v19 =	vor.u32 $0x1D, v1;
	s26 =	simm.s32 $0x20;
	v3 =	vmov s9;
	v2 =	vld.idx.msk [tilespmem:v4+s12+$0x0], $0xffff  }
0x59: {  	v20 =	vor.u32 $0x1E, v1;
	v4 =	vmov s26;
	v12 =	vshll.u32 v3, $0x7;
	v3 =	vld.idx.msk [tilespmem:v9+s12+$0x0], $0xffff  }
0x5a: {  	v1 =	vor.u32 $0x1F, v1;
	v9 =	vshll.u32 v4, $0x7;
	v4 =	vld.idx.msk [tilespmem:v14+s12+$0x0], $0xffff  }
0x5b: {  	v17 =	vor.u32 v0, v12;
	v8 =	vld.idx.msk [tilespmem:v8+s12+$0x0], $0xffff  }
0x5c: {  	v12 =	vor.u32 v0, v9;
	v9 =	vld.idx.msk [tilespmem:v10+s12+$0x0], $0xffff  }
0x5d: {  	v14 =	vor.u32 $0x1, v12;
	v10 =	vld.idx.msk [tilespmem:v19+s12+$0x0], $0xffff  }
0x5e: {  	s2 =	sadd.s32 $0x17C00, s1;
	v21 =	vor.u32 $0x2, v12;
	v19 =	vmul.f32 $5.656854150e+00, v11;
	v11 =	vld.idx.msk [tilespmem:v20+s12+$0x0], $0xffff  }
0x5f: {  	s7 =	sadd.s32 $0x17C80, s1;
	s14 =	sor.u32 s0, s2;
	v7 =	vmul.f32 $5.656854150e+00, v7;
	v22 =	vor.u32 $0x3, v12;
	v1 =	vld.idx.msk [tilespmem:v1+s12+$0x0], $0xffff  }
0x60: {  	s16 =	sor.u32 s0, s7;
	s5 =	sadd.s32 $0x17D00, s1;
	v6 =	vmul.f32 $5.656854150e+00, v6;
	v20 =	vor.u32 $0x4, v12;
	[tilespmem:s14+$0x0] =	vst v19;
	v23 =	vld.idx.msk [tilespmem:v17+s12+$0x0], $0xffff  }
0x61: {  	s10 =	sadd.s32 $0x17D80, s1;
	s17 =	sor.u32 s0, s5;
	v5 =	vmul.f32 $5.656854150e+00, v5;
	v24 =	vor.u32 $0x5, v12;
	[tilespmem:s16+$0x0] =	vst v7;
	v19 =	vld.idx.msk [tilespmem:v12+s12+$0x0], $0xffff  }
0x62: {  	s18 =	sor.u32 s0, s10;
	v13 =	vmul.f32 $5.656854150e+00, v13;
	s16 =	sadd.s32 $0x17E00, s1;
	[tilespmem:s17+$0x0] =	vst v6;
	v7 =	vld.idx.msk [tilespmem:v14+s12+$0x0], $0xffff;
	v14 =	vor.u32 $0x6, v12  }
0x63: {  	v16 =	vmul.f32 $5.656854150e+00, v16;
	s22 =	sadd.s32 $0x17E80, s1;
	s19 =	sor.u32 s0, s16;
	v6 =	vld.idx.msk [tilespmem:v21+s12+$0x0], $0xffff;
	v21 =	vor.u32 $0x7, v12;
	[tilespmem:s18+$0x0] =	vst v5  }
0x64: {  	s29 =	simm.s32 $0x100;
	s20 =	sor.u32 s0, s22;
	s24 =	sadd.s32 $0x17F00, s1;
	v25 =	vor.u32 $0x1, v17;
	v15 =	vmul.f32 $5.656854150e+00, v15;
	v5 =	vld.idx.msk [tilespmem:v22+s12+$0x0], $0xffff;
	[tilespmem:s19+$0x0] =	vst v13  }
0x65: {  	s31 =	sand.u32 $0x400, s29;
	s21 =	sor.u32 s0, s24;
	v18 =	vmul.f32 $5.656854150e+00, v18;
	v22 =	vor.u32 $0x2, v17;
	v13 =	vld.idx.msk [tilespmem:v20+s12+$0x0], $0xffff;
	s19 =	sadd.s32 $0x17F80, s1;
	[tilespmem:s20+$0x0] =	vst v16  }
0x66: {  	s23 =	sadd.s32 $0x16400, s31;
	v20 =	vor.u32 $0x3, v17;
	v16 =	vld.idx.msk [tilespmem:v24+s12+$0x0], $0xffff;
	s1 =	sor.u32 s0, s19;
	s0 =	sand.u32 $0x60, s26;
	[tilespmem:s21+$0x0] =	vst v15;
	v15 =	vmul.f32 $5.656854150e+00, v19  }
0x67: {  	v24 =	vor.u32 $0x4, v17;
	s28 =	sor.u32 s0, s23;
	[tilespmem:s1+$0x0] =	vst v18;
	v14 =	vld.idx.msk [tilespmem:v14+s12+$0x0], $0xffff;
	v7 =	vmul.f32 $5.656854150e+00, v7  }
0x68: {  	v19 =	vor.u32 $0x5, v17;
	v18 =	vld.idx.msk [tilespmem:v21+s12+$0x0], $0xffff;
	v6 =	vmul.f32 $5.656854150e+00, v6;
	[tilespmem:s28+$0x0] =	vst v15  }
0x69: {  	s30 =	simm.s32 $0x1;
	v21 =	vor.u32 $0x6, v17;
	v5 =	vmul.f32 $5.656854150e+00, v5;
	v15 =	vld.idx.msk [tilespmem:v25+s12+$0x0], $0xffff;
	[tilespmem:s28+$0x80] =	vst v7  }
0x6a: {  	s3 =	sand.u32 $0x3, s30;
	v25 =	vor.u32 $0x7, v17;
	v13 =	vmul.f32 $5.656854150e+00, v13;
	v7 =	vld.idx.msk [tilespmem:v22+s12+$0x0], $0xffff;
	[tilespmem:s28+$0x100] =	vst v6  }
0x6b: {  	s6 =	sshll.u32 s3, $0x5;
	v6 =	vld.idx.msk [tilespmem:v20+s12+$0x0], $0xffff;
	v16 =	vmul.f32 $5.656854150e+00, v16;
	[tilespmem:s28+$0x180] =	vst v5;
	v5 =	vor.u32 $0x8, v12  }
0x6c: {  	s6 =	sadd.s32 $0x100, s6;
	v20 =	vld.idx.msk [tilespmem:v24+s12+$0x0], $0xffff;
	[tilespmem:s28+$0x200] =	vst v13;
	v13 =	vor.u32 $0x9, v12;
	v14 =	vmul.f32 $5.656854150e+00, v14  }
0x6d: {  	s11 =	sor.u32 $0x300, s6;
	s14 =	sor.u32 s26, s29;
	v19 =	vld.idx.msk [tilespmem:v19+s12+$0x0], $0xffff;
	[tilespmem:s28+$0x280] =	vst v16;
	v16 =	vor.u32 $0xA, v12;
	v18 =	vmul.f32 $5.656854150e+00, v18  }
0x6e: {  	s17 =	sor.u32 $0x380, s14;
	s26 =	sand.u32 $0x70, s9;
	v23 =	vmul.f32 $5.656854150e+00, v23;
	v24 =	vor.u32 $0xD, v12;
	v21 =	vld.idx.msk [tilespmem:v21+s12+$0x0], $0xffff;
	[tilespmem:s11+$0x16400] =	vst v14  }
0x6f: {  	s4 =	sor.u32 s26, s23;
	v15 =	vmul.f32 $5.656854150e+00, v15;
	v22 =	vld.idx.msk [tilespmem:v25+s12+$0x0], $0xffff;
	v14 =	vor.u32 $0xB, v12;
	[tilespmem:s17+$0x16400] =	vst v18  }
0x70: {  	s1 =	simm.s32 $0x2;
	[tilespmem:s4+$0x0] =	vst v23;
	v7 =	vmul.f32 $5.656854150e+00, v7;
	v18 =	vor.u32 $0xC, v12;
	v5 =	vld.idx.msk [tilespmem:v5+s12+$0x0], $0xffff  }
0x71: {  	s18 =	sand.u32 $0x7, s1;
	v6 =	vmul.f32 $5.656854150e+00, v6;
	[tilespmem:s4+$0x80] =	vst v15;
	v15 =	vor.u32 $0xE, v12;
	v13 =	vld.idx.msk [tilespmem:v13+s12+$0x0], $0xffff  }
0x72: {  	s6 =	sshll.u32 s18, $0x4;
	v20 =	vmul.f32 $5.656854150e+00, v20;
	[tilespmem:s4+$0x100] =	vst v7;
	v7 =	vld.idx.msk [tilespmem:v16+s12+$0x0], $0xffff;
	v16 =	vor.u32 $0xF, v12  }
0x73: {  	s6 =	sadd.s32 $0x100, s6;
	v23 =	vor.u32 $0xB, v17;
	v19 =	vmul.f32 $5.656854150e+00, v19;
	[tilespmem:s4+$0x180] =	vst v6;
	v24 =	vld.idx.msk [tilespmem:v24+s12+$0x0], $0xffff  }
0x74: {  	s6 =	sadd.s32 $0x10, s6;
	v6 =	vor.u32 $0x8, v17;
	[tilespmem:s4+$0x200] =	vst v20;
	v21 =	vmul.f32 $5.656854150e+00, v21;
	v14 =	vld.idx.msk [tilespmem:v14+s12+$0x0], $0xffff  }
0x75: {  	s9 =	sor.u32 s9, s29;
	s6 =	sor.u32 $0x300, s6;
	v20 =	vor.u32 $0x9, v17;
	[tilespmem:s4+$0x280] =	vst v19;
	v22 =	vmul.f32 $5.656854150e+00, v22;
	v18 =	vld.idx.msk [tilespmem:v18+s12+$0x0], $0xffff  }
0x76: {  	s20 =	sor.u32 $0x380, s9;
	s9 =	sadd.s32 $0x16C00, s31;
	v19 =	vor.u32 $0xA, v17;
	[tilespmem:s6+$0x16400] =	vst v21;
	v15 =	vld.idx.msk [tilespmem:v15+s12+$0x0], $0xffff;
	v5 =	vmul.f32 $5.656854150e+00, v5  }
0x77: {  	s13 =	sadd.s32 $0x16C80, s31;
	s21 =	sor.u32 s0, s9;
	v21 =	vor.u32 $0xC, v17;
	[tilespmem:s20+$0x16400] =	vst v22;
	v13 =	vmul.f32 $5.656854150e+00, v13;
	v16 =	vld.idx.msk [tilespmem:v16+s12+$0x0], $0xffff  }
0x78: {  	s23 =	sor.u32 s0, s13;
	s6 =	sadd.s32 $0x16D00, s31;
	v22 =	vor.u32 $0xD, v17;
	v7 =	vmul.f32 $5.656854150e+00, v7;
	v23 =	vld.idx.msk [tilespmem:v23+s12+$0x0], $0xffff;
	[tilespmem:s21+$0x0] =	vst v5  }
0x79: {  	s17 =	sadd.s32 $0x16D80, s31;
	s28 =	sor.u32 s0, s6;
	v5 =	vld.idx.msk [tilespmem:v6+s12+$0x0], $0xffff;
	v6 =	vor.u32 $0xE, v17;
	v14 =	vmul.f32 $5.656854150e+00, v14;
	[tilespmem:s23+$0x0] =	vst v13  }
0x7a: {  	s18 =	sadd.s32 $0x16E00, s31;
	s3 =	sor.u32 s0, s17;
	v13 =	vld.idx.msk [tilespmem:v20+s12+$0x0], $0xffff;
	v20 =	vor.u32 $0xF, v17;
	v18 =	vmul.f32 $5.656854150e+00, v18;
	[tilespmem:s28+$0x0] =	vst v7  }
0x7b: {  	s11 =	sor.u32 s0, s18;
	s21 =	sadd.s32 $0x16E80, s31;
	v7 =	vld.idx.msk [tilespmem:v19+s12+$0x0], $0xffff;
	v19 =	vmul.f32 $5.656854150e+00, v24;
	[tilespmem:s3+$0x0] =	vst v14;
	v14 =	vor.u32 $0x10, v12  }
0x7c: {  	s14 =	sor.u32 s0, s21;
	s23 =	sadd.s32 $0x16F00, s31;
	v21 =	vld.idx.msk [tilespmem:v21+s12+$0x0], $0xffff;
	v15 =	vmul.f32 $5.656854150e+00, v15;
	[tilespmem:s11+$0x0] =	vst v18;
	v18 =	vor.u32 $0x11, v12  }
0x7d: {  	s20 =	sor.u32 s0, s23;
	v22 =	vld.idx.msk [tilespmem:v22+s12+$0x0], $0xffff;
	v16 =	vmul.f32 $5.656854150e+00, v16;
	s11 =	sadd.s32 $0x16F80, s31;
	[tilespmem:s14+$0x0] =	vst v19;
	v19 =	vor.u32 $0x12, v12  }
0x7e: {  	v24 =	vor.u32 $0x15, v12;
	s28 =	sor.u32 s0, s11;
	v5 =	vmul.f32 $5.656854150e+00, v5;
	v6 =	vld.idx.msk [tilespmem:v6+s12+$0x0], $0xffff;
	[tilespmem:s20+$0x0] =	vst v15  }
0x7f: {  	s9 =	sor.u32 s26, s9;
	v15 =	vor.u32 $0x13, v12;
	v13 =	vmul.f32 $5.656854150e+00, v13;
	v20 =	vld.idx.msk [tilespmem:v20+s12+$0x0], $0xffff;
	[tilespmem:s28+$0x0] =	vst v16  }
0x80: {  	s3 =	sor.u32 s26, s13;
	v16 =	vor.u32 $0x14, v12;
	v7 =	vmul.f32 $5.656854150e+00, v7;
	[tilespmem:s9+$0x0] =	vst v5;
	v14 =	vld.idx.msk [tilespmem:v14+s12+$0x0], $0xffff  }
0x81: {  	s6 =	sor.u32 s26, s6;
	v23 =	vmul.f32 $5.656854150e+00, v23;
	[tilespmem:s3+$0x0] =	vst v13;
	v5 =	vld.idx.msk [tilespmem:v18+s12+$0x0], $0xffff;
	v18 =	vor.u32 $0x16, v12  }
0x82: {  	s13 =	sor.u32 s26, s17;
	v21 =	vmul.f32 $5.656854150e+00, v21;
	[tilespmem:s6+$0x0] =	vst v7;
	v13 =	vld.idx.msk [tilespmem:v19+s12+$0x0], $0xffff;
	v19 =	vor.u32 $0x17, v12  }
0x83: {  	s14 =	sor.u32 s26, s18;
	v22 =	vmul.f32 $5.656854150e+00, v22;
	v24 =	vld.idx.msk [tilespmem:v24+s12+$0x0], $0xffff;
	v7 =	vor.u32 $0x10, v17;
	[tilespmem:s13+$0x0] =	vst v23  }
0x84: {  	s17 =	sor.u32 s26, s21;
	v23 =	vor.u32 $0x11, v17;
	v6 =	vmul.f32 $5.656854150e+00, v6;
	v15 =	vld.idx.msk [tilespmem:v15+s12+$0x0], $0xffff;
	[tilespmem:s14+$0x0] =	vst v21  }
0x85: {  	v25 =	vor.u32 $0x17, v17;
	s18 =	sor.u32 s26, s23;
	v20 =	vmul.f32 $5.656854150e+00, v20;
	v16 =	vld.idx.msk [tilespmem:v16+s12+$0x0], $0xffff;
	[tilespmem:s17+$0x0] =	vst v22  }
0x86: {  	s20 =	sor.u32 s26, s11;
	s9 =	sadd.s32 $0x17400, s31;
	v21 =	vor.u32 $0x12, v17;
	v14 =	vmul.f32 $5.656854150e+00, v14;
	[tilespmem:s18+$0x0] =	vst v6;
	v18 =	vld.idx.msk [tilespmem:v18+s12+$0x0], $0xffff  }
0x87: {  	s11 =	sadd.s32 $0x17480, s31;
	s21 =	sor.u32 s0, s9;
	v22 =	vor.u32 $0x13, v17;
	v5 =	vmul.f32 $5.656854150e+00, v5;
	[tilespmem:s20+$0x0] =	vst v20;
	v19 =	vld.idx.msk [tilespmem:v19+s12+$0x0], $0xffff  }
0x88: {  	s23 =	sor.u32 s0, s11;
	s6 =	sadd.s32 $0x17500, s31;
	v6 =	vor.u32 $0x14, v17;
	v13 =	vmul.f32 $5.656854150e+00, v13;
	[tilespmem:s21+$0x0] =	vst v14;
	v7 =	vld.idx.msk [tilespmem:v7+s12+$0x0], $0xffff  }
0x89: {  	s28 =	sor.u32 s0, s6;
	s17 =	sadd.s32 $0x17580, s31;
	v20 =	vor.u32 $0x15, v17;
	v23 =	vld.idx.msk [tilespmem:v23+s12+$0x0], $0xffff;
	v15 =	vmul.f32 $5.656854150e+00, v15;
	[tilespmem:s23+$0x0] =	vst v5  }
0x8a: {  	s3 =	sor.u32 s0, s17;
	s18 =	sadd.s32 $0x17600, s31;
	v14 =	vor.u32 $0x16, v17;
	v25 =	vld.idx.msk [tilespmem:v25+s12+$0x0], $0xffff;
	v5 =	vmul.f32 $5.656854150e+00, v16;
	[tilespmem:s28+$0x0] =	vst v13  }
0x8b: {  	s13 =	sor.u32 s0, s18;
	s21 =	sadd.s32 $0x17680, s31;
	v13 =	vld.idx.msk [tilespmem:v21+s12+$0x0], $0xffff;
	v16 =	vmul.f32 $5.656854150e+00, v24;
	[tilespmem:s3+$0x0] =	vst v15;
	v15 =	vor.u32 $0x18, v12  }
0x8c: {  	s14 =	sor.u32 s0, s21;
	s23 =	sadd.s32 $0x17700, s31;
	v21 =	vld.idx.msk [tilespmem:v22+s12+$0x0], $0xffff;
	v22 =	vor.u32 $0x19, v12;
	v18 =	vmul.f32 $5.656854150e+00, v18;
	[tilespmem:s13+$0x0] =	vst v5  }
0x8d: {  	v2 =	vmul.f32 $5.656854150e+00, v2;
	s20 =	sor.u32 s0, s23;
	s28 =	sadd.s32 $0x17780, s31;
	v24 =	vld.idx.msk [tilespmem:v6+s12+$0x0], $0xffff;
	v19 =	vmul.f32 $5.656854150e+00, v19;
	[tilespmem:s14+$0x0] =	vst v16;
	v16 =	vor.u32 $0x1A, v12  }
0x8e: {  	v29 =	vor.u32 $0x1E, v12;
	v3 =	vmul.f32 $5.656854150e+00, v3;
	s3 =	sor.u32 s0, s28;
	v20 =	vld.idx.msk [tilespmem:v20+s12+$0x0], $0xffff;
	v26 =	vmul.f32 $5.656854150e+00, v7;
	[tilespmem:s20+$0x0] =	vst v18  }
0x8f: {  	v4 =	vmul.f32 $5.656854150e+00, v4;
	s9 =	sor.u32 s26, s9;
	v14 =	vld.idx.msk [tilespmem:v14+s12+$0x0], $0xffff;
	v23 =	vmul.f32 $5.656854150e+00, v23;
	v18 =	vor.u32 $0x1B, v12;
	[tilespmem:s3+$0x0] =	vst v19  }
0x90: {  	v8 =	vmul.f32 $5.656854150e+00, v8;
	s14 =	sor.u32 s26, s11;
	v19 =	vor.u32 $0x1C, v12;
	[tilespmem:s9+$0x0] =	vst v26;
	v13 =	vmul.f32 $5.656854150e+00, v13;
	v26 =	vld.idx.msk [tilespmem:v15+s12+$0x0], $0xffff  }
0x91: {  	v27 =	vor.u32 $0x1D, v12;
	v9 =	vmul.f32 $5.656854150e+00, v9;
	s6 =	sor.u32 s26, s6;
	[tilespmem:s14+$0x0] =	vst v23;
	v28 =	vld.idx.msk [tilespmem:v22+s12+$0x0], $0xffff;
	v15 =	vmul.f32 $5.656854150e+00, v21  }
0x92: {  	s5 =	sor.u32 s8, s5;
	s22 =	sor.u32 s8, s22;
	v30 =	vor.u32 $0x1F, v12;
	v10 =	vmul.f32 $5.656854150e+00, v10;
	s17 =	sor.u32 s26, s17;
	v12 =	vmul.f32 $5.656854150e+00, v24;
	[tilespmem:s6+$0x0] =	vst v13;
	v21 =	vld.idx.msk [tilespmem:v16+s12+$0x0], $0xffff  }
0x93: {  	v11 =	vmul.f32 $5.656854150e+00, v11;
	s4 =	sadd.s32 $0x17C80, s31;
	s21 =	sor.u32 s26, s21;
	v6 =	vor.u32 $0x18, v17;
	s20 =	sor.u32 s26, s18;
	[tilespmem:s17+$0x0] =	vst v15;
	v16 =	vmul.f32 $5.656854150e+00, v20;
	v20 =	vld.idx.msk [tilespmem:v29+s12+$0x0], $0xffff  }
0x94: {  	s23 =	sor.u32 s26, s23;
	s28 =	sor.u32 s26, s28;
	v5 =	vor.u32 $0x19, v17;
	s13 =	sor.u32 s8, s2;
	v7 =	vor.u32 $0x1A, v17;
	v23 =	vld.idx.msk [tilespmem:v18+s12+$0x0], $0xffff;
	v18 =	vmul.f32 $5.656854150e+00, v14;
	[tilespmem:s20+$0x0] =	vst v12  }
0x95: {  	s2 =	sor.u32 s8, s10;
	s10 =	sor.u32 s8, s24;
	s24 =	simm.s32 $0x2;
	v25 =	vmul.f32 $5.656854150e+00, v25;
	v13 =	vor.u32 $0x1B, v17;
	v15 =	vor.u32 $0x1C, v17;
	v22 =	vld.idx.msk [tilespmem:v19+s12+$0x0], $0xffff;
	[tilespmem:s21+$0x0] =	vst v16  }
0x96: {  	s9 =	sor.u32 s8, s7;
	s7 =	sor.u32 s8, s16;
	v14 =	vor.u32 $0x1D, v17;
	v12 =	vmul.f32 $5.656854150e+00, v1;
	v19 =	vld.idx.msk [tilespmem:v27+s12+$0x0], $0xffff;
	s21 =	sadd.s32 $0x17C00, s31;
	[tilespmem:s23+$0x0] =	vst v18;
	v24 =	vmul.f32 $5.656854150e+00, v26  }
0x97: {  	s8 =	sor.u32 s8, s19;
	s16 =	simm.s32 $0x50;
	v1 =	vor.u32 $0x1F, v17;
	v16 =	vor.u32 $0x1E, v17;
	v17 =	vmul.f32 $5.656854150e+00, v28;
	v18 =	vld.idx.msk [tilespmem:v30+s12+$0x0], $0xffff;
	s6 =	sor.u32 s0, s21;
	[tilespmem:s28+$0x0] =	vst v25  }
.LBB2_3:
0x98: {  	s19 =	sadd.s32 $0xFFFFFFF0, s16;
	v25 =	vmov s16;
	v21 =	vmul.f32 $5.656854150e+00, v21;
	[tilespmem:s6+$0x0] =	vst v24;
	s6 =	sor.u32 s0, s4;
	s11 =	sadd.s32 $0x17D00, s31;
	v34 =	vld.idx.msk [tilespmem:v6+s12+$0x0], $0xffff  }
0x99: {  	s23 =	sand.u32 $0x70, s16;
	v23 =	vmul.f32 $5.656854150e+00, v23;
	s17 =	sadd.s32 $0x17D80, s31;
	v6 =	vmov s19;
	v24 =	vshll.u32 v25, $0x7;
	[tilespmem:s6+$0x0] =	vst v17;
	s6 =	sor.u32 s0, s11;
	v35 =	vld.idx.msk [tilespmem:v5+s12+$0x0], $0xffff  }
0x9a: {  	s18 =	sadd.s32 $0x17E00, s31;
	s21 =	sor.u32 s26, s21;
	v5 =	vshll.u32 v6, $0x7;
	v41 =	vor.u32 v0, v24;
	v6 =	vmul.f32 $5.656854150e+00, v22;
	[tilespmem:s6+$0x0] =	vst v21;
	s6 =	sor.u32 s0, s17;
	v36 =	vld.idx.msk [tilespmem:v7+s12+$0x0], $0xffff  }
0x9b: {  	s14 =	sadd.s32 $0x17E80, s31;
	s4 =	sor.u32 s26, s4;
	v17 =	vor.u32 v0, v5;
	v7 =	vor.u32 $0x1, v41;
	v5 =	vmul.f32 $5.656854150e+00, v19;
	[tilespmem:s6+$0x0] =	vst v23;
	s6 =	sor.u32 s0, s18;
	v37 =	vld.idx.msk [tilespmem:v13+s12+$0x0], $0xffff  }
0x9c: {  	s20 =	sadd.s32 $0x17F00, s31;
	s11 =	sor.u32 s26, s11;
	v42 =	vor.u32 $0x2, v41;
	v19 =	vmul.f32 $5.656854150e+00, v20;
	v13 =	vor.u32 $0x1, v17;
	[tilespmem:s6+$0x0] =	vst v6;
	s6 =	sor.u32 s0, s14;
	v38 =	vld.idx.msk [tilespmem:v15+s12+$0x0], $0xffff  }
0x9d: {  	s31 =	sadd.s32 $0x17F80, s31;
	s3 =	sor.u32 s26, s17;
	v43 =	vor.u32 $0x3, v41;
	v6 =	vor.u32 $0x2, v17;
	v15 =	vmul.f32 $5.656854150e+00, v18;
	[tilespmem:s6+$0x0] =	vst v5;
	s6 =	sor.u32 s0, s20;
	v39 =	vld.idx.msk [tilespmem:v14+s12+$0x0], $0xffff  }
0x9e: {  	s28 =	sor.u32 s26, s18;
	s17 =	sor.u32 s26, s14;
	v44 =	vor.u32 $0x4, v41;
	v45 =	vor.u32 $0x5, v41;
	v5 =	vor.u32 $0x3, v17;
	s0 =	sor.u32 s0, s31;
	[tilespmem:s6+$0x0] =	vst v19;
	v40 =	vld.idx.msk [tilespmem:v16+s12+$0x0], $0xffff  }
0x9f: {  	v46 =	vor.u32 $0x6, v41;
	v47 =	vor.u32 $0x7, v41;
	s18 =	sor.u32 s26, s20;
	v14 =	vor.u32 $0x4, v17;
	s6 =	sor.u32 s26, s31;
	s26 =	smov.u32 s23;
	v16 =	vld.idx.msk [tilespmem:v41+s12+$0x0], $0xffff;
	[tilespmem:s0+$0x0] =	vst v15  }
0xa0: {  	v33 =	vor.u32 $0x8, v41;
	v32 =	vor.u32 $0x9, v41;
	v18 =	vor.u32 $0x5, v17;
	v15 =	vld.idx.msk [tilespmem:v17+s12+$0x0], $0xffff;
	[tilespmem:s13+$0x0] =	vst v2;
	s13 =	smov.u32 s21  }
0xa1: {  	v31 =	vor.u32 $0xA, v41;
	v30 =	vor.u32 $0xB, v41;
	v2 =	vld.idx.msk [tilespmem:v13+s12+$0x0], $0xffff;
	v13 =	vor.u32 $0x6, v17;
	[tilespmem:s9+$0x0] =	vst v3;
	s9 =	smov.u32 s4  }
0xa2: {  	s1 =	sadd.s32 $0x2, s1;
	v29 =	vor.u32 $0xC, v41;
	v27 =	vor.u32 $0xD, v41;
	v3 =	vld.idx.msk [tilespmem:v6+s12+$0x0], $0xffff;
	v6 =	vor.u32 $0x7, v17;
	[tilespmem:s5+$0x0] =	vst v4;
	s5 =	smov.u32 s11  }
0xa3: {  	v28 =	vor.u32 $0xE, v41;
	v26 =	vor.u32 $0xF, v41;
	v25 =	vor.u32 $0x10, v41;
	s0 =	sand.u32 $0x7, s1;
	v4 =	vld.idx.msk [tilespmem:v5+s12+$0x0], $0xffff;
	[tilespmem:s2+$0x0] =	vst v8;
	s2 =	smov.u32 s3  }
0xa4: {  	s29 =	sadd.s32 $0x100, s29;
	v24 =	vor.u32 $0x11, v41;
	v23 =	vor.u32 $0x12, v41;
	v21 =	vor.u32 $0x13, v41;
	s0 =	sshll.u32 s0, $0x4;
	v8 =	vld.idx.msk [tilespmem:v14+s12+$0x0], $0xffff;
	[tilespmem:s7+$0x0] =	vst v9;
	s7 =	smov.u32 s28  }
0xa5: {  	v22 =	vor.u32 $0x14, v41;
	s31 =	sand.u32 $0x400, s29;
	v19 =	vor.u32 $0x15, v41;
	s11 =	sor.u32 s16, s29;
	s3 =	sadd.s32 s29, s0;
	v48 =	vmul.f32 $5.656854150e+00, v16;
	v9 =	vld.idx.msk [tilespmem:v18+s12+$0x0], $0xffff;
	[tilespmem:s22+$0x0] =	vst v10  }
0xa6: {  	v20 =	vor.u32 $0x16, v41;
	s4 =	sadd.s32 $0x16400, s31;
	s0 =	sand.u32 $0x60, s19;
	s3 =	sadd.s32 $0x10, s3;
	v10 =	vmul.f32 $5.656854150e+00, v15;
	v18 =	vor.u32 $0x17, v41;
	v49 =	vld.idx.msk [tilespmem:v13+s12+$0x0], $0xffff;
	[tilespmem:s10+$0x0] =	vst v11  }
0xa7: {  	v5 =	vor.u32 $0x19, v41;
	s14 =	sor.u32 s0, s4;
	s4 =	sor.u32 s26, s4;
	s21 =	sor.u32 $0x300, s3;
	v2 =	vmul.f32 $5.656854150e+00, v2;
	v11 =	vld.idx.msk [tilespmem:v6+s12+$0x0], $0xffff;
	v6 =	vor.u32 $0x18, v41;
	[tilespmem:s8+$0x0] =	vst v12  }
0xa8: {  	s23 =	sor.u32 $0x380, s11;
	s22 =	smov.u32 s17;
	v13 =	vor.u32 $0x1B, v41;
	s10 =	smov.u32 s18;
	v3 =	vmul.f32 $5.656854150e+00, v3;
	[tilespmem:s14+$0x0] =	vst v10;
	v10 =	vld.idx.msk [tilespmem:v7+s12+$0x0], $0xffff;
	v7 =	vor.u32 $0x1A, v41  }
0xa9: {  	s30 =	sadd.s32 $0x1, s30;
	v14 =	vor.u32 $0x1D, v41;
	v15 =	vor.u32 $0x1C, v41;
	s8 =	smov.u32 s6;
	v4 =	vmul.f32 $5.656854150e+00, v4;
	[tilespmem:s14+$0x80] =	vst v2;
	v12 =	vld.idx.msk [tilespmem:v42+s12+$0x0], $0xffff  }
0xaa: {  	v16 =	vor.u32 $0x1E, v41;
	s3 =	sand.u32 $0x3, s30;
	v41 =	vor.u32 $0x1F, v41;
	v8 =	vmul.f32 $5.656854150e+00, v8;
	[tilespmem:s14+$0x100] =	vst v3;
	v42 =	vld.idx.msk [tilespmem:v43+s12+$0x0], $0xffff  }
0xab: {  	s3 =	sshll.u32 s3, $0x5;
	v2 =	vmul.f32 $5.656854150e+00, v34;
	v9 =	vmul.f32 $5.656854150e+00, v9;
	v43 =	vor.u32 $0x8, v17;
	[tilespmem:s14+$0x180] =	vst v4;
	v44 =	vld.idx.msk [tilespmem:v44+s12+$0x0], $0xffff  }
0xac: {  	s3 =	sadd.s32 s3, s29;
	v3 =	vmul.f32 $5.656854150e+00, v35;
	v34 =	vmul.f32 $5.656854150e+00, v49;
	v49 =	vor.u32 $0x9, v17;
	[tilespmem:s14+$0x200] =	vst v8;
	v45 =	vld.idx.msk [tilespmem:v45+s12+$0x0], $0xffff  }
0xad: {  	s6 =	sor.u32 s19, s29;
	s3 =	sor.u32 $0x300, s3;
	v35 =	vor.u32 $0xA, v17;
	v4 =	vmul.f32 $5.656854150e+00, v36;
	v11 =	vmul.f32 $5.656854150e+00, v11;
	[tilespmem:s14+$0x280] =	vst v9;
	v46 =	vld.idx.msk [tilespmem:v46+s12+$0x0], $0xffff  }
0xae: {  	v8 =	vmul.f32 $5.656854150e+00, v37;
	v10 =	vmul.f32 $5.656854150e+00, v10;
	[tilespmem:s3+$0x16400] =	vst v34;
	s3 =	sor.u32 $0x380, s6;
	v34 =	vor.u32 $0xB, v17;
	v36 =	vld.idx.msk [tilespmem:v47+s12+$0x0], $0xffff  }
0xaf: {  	v37 =	vor.u32 $0xC, v17;
	v9 =	vmul.f32 $5.656854150e+00, v38;
	[tilespmem:s3+$0x16400] =	vst v11;
	v11 =	vmul.f32 $5.656854150e+00, v12;
	v12 =	vld.idx.msk [tilespmem:v1+s12+$0x0], $0xffff;
	v1 =	vmovc v41  }
0xb0: {  	v41 =	vor.u32 $0xD, v17;
	v42 =	vmul.f32 $5.656854150e+00, v42;
	v38 =	vld.idx.msk [tilespmem:v43+s12+$0x0], $0xffff;
	[tilespmem:s4+$0x80] =	vst v10;
	v10 =	vmul.f32 $5.656854150e+00, v39  }
0xb1: {  	v43 =	vor.u32 $0xE, v17;
	v44 =	vmul.f32 $5.656854150e+00, v44;
	v39 =	vld.idx.msk [tilespmem:v49+s12+$0x0], $0xffff;
	[tilespmem:s4+$0x100] =	vst v11;
	v11 =	vmul.f32 $5.656854150e+00, v40  }
0xb2: {  	v40 =	vor.u32 $0xF, v17;
	v45 =	vmul.f32 $5.656854150e+00, v45;
	v35 =	vld.idx.msk [tilespmem:v35+s12+$0x0], $0xffff;
	[tilespmem:s4+$0x180] =	vst v42  }
0xb3: {  	s24 =	sadd.s32 $0x2, s24;
	v42 =	vmul.f32 $5.656854150e+00, v46;
	v34 =	vld.idx.msk [tilespmem:v34+s12+$0x0], $0xffff;
	[tilespmem:s4+$0x200] =	vst v44  }
0xb4: {  	p0 =	slt.u32 s24, $0xE;
	v36 =	vmul.f32 $5.656854150e+00, v36;
	v37 =	vld.idx.msk [tilespmem:v37+s12+$0x0], $0xffff;
	[tilespmem:s4+$0x280] =	vst v45  }
0xb5: {  	v12 =	vmul.f32 $5.656854150e+00, v12;
	v41 =	vld.idx.msk [tilespmem:v41+s12+$0x0], $0xffff;
	[tilespmem:s4+$0x0] =	vst v48  }
0xb6: {  	s3 =	sadd.s32 $0x16C00, s31;
	v38 =	vmul.f32 $5.656854150e+00, v38;
	v43 =	vld.idx.msk [tilespmem:v43+s12+$0x0], $0xffff;
	[tilespmem:s21+$0x16400] =	vst v42  }
0xb7: {  	s6 =	sadd.s32 $0x16C80, s31;
	s4 =	sor.u32 s0, s3;
	s3 =	sor.u32 s26, s3;
	v39 =	vmul.f32 $5.656854150e+00, v39;
	v40 =	vld.idx.msk [tilespmem:v40+s12+$0x0], $0xffff;
	[tilespmem:s23+$0x16400] =	vst v36  }
0xb8: {  	s11 =	sadd.s32 $0x16D00, s31;
	v35 =	vmul.f32 $5.656854150e+00, v35;
	[tilespmem:s4+$0x0] =	vst v38;
	s4 =	sor.u32 s0, s6;
	v33 =	vld.idx.msk [tilespmem:v33+s12+$0x0], $0xffff;
	s6 =	sor.u32 s26, s6  }
0xb9: {  	s14 =	sadd.s32 $0x16D80, s31;
	v34 =	vmul.f32 $5.656854150e+00, v34;
	[tilespmem:s4+$0x0] =	vst v39;
	s4 =	sor.u32 s0, s11;
	v32 =	vld.idx.msk [tilespmem:v32+s12+$0x0], $0xffff;
	s11 =	sor.u32 s26, s11  }
0xba: {  	s17 =	sadd.s32 $0x16E00, s31;
	v36 =	vmul.f32 $5.656854150e+00, v37;
	[tilespmem:s4+$0x0] =	vst v35;
	s4 =	sor.u32 s0, s14;
	v31 =	vld.idx.msk [tilespmem:v31+s12+$0x0], $0xffff;
	s14 =	sor.u32 s26, s14  }
0xbb: {  	s18 =	sadd.s32 $0x16E80, s31;
	v35 =	vmul.f32 $5.656854150e+00, v41;
	[tilespmem:s4+$0x0] =	vst v34;
	s4 =	sor.u32 s0, s17;
	v34 =	vor.u32 $0x10, v17;
	v30 =	vld.idx.msk [tilespmem:v30+s12+$0x0], $0xffff;
	s17 =	sor.u32 s26, s17  }
0xbc: {  	s19 =	sadd.s32 $0x16F00, s31;
	v37 =	vmul.f32 $5.656854150e+00, v43;
	[tilespmem:s4+$0x0] =	vst v36;
	s4 =	sor.u32 s0, s18;
	v36 =	vor.u32 $0x11, v17;
	v29 =	vld.idx.msk [tilespmem:v29+s12+$0x0], $0xffff;
	s18 =	sor.u32 s26, s18  }
0xbd: {  	s20 =	sadd.s32 $0x16F80, s31;
	v38 =	vmul.f32 $5.656854150e+00, v40;
	[tilespmem:s4+$0x0] =	vst v35;
	s4 =	sor.u32 s0, s19;
	v35 =	vor.u32 $0x12, v17;
	v27 =	vld.idx.msk [tilespmem:v27+s12+$0x0], $0xffff;
	s19 =	sor.u32 s26, s19  }
0xbe: {  	v33 =	vmul.f32 $5.656854150e+00, v33;
	[tilespmem:s4+$0x0] =	vst v37;
	s4 =	sor.u32 s0, s20;
	v37 =	vor.u32 $0x13, v17;
	v28 =	vld.idx.msk [tilespmem:v28+s12+$0x0], $0xffff;
	s20 =	sor.u32 s26, s20  }
0xbf: {  	v32 =	vmul.f32 $5.656854150e+00, v32;
	[tilespmem:s4+$0x0] =	vst v38;
	v38 =	vor.u32 $0x14, v17;
	v26 =	vld.idx.msk [tilespmem:v26+s12+$0x0], $0xffff  }
0xc0: {  	v39 =	vor.u32 $0x15, v17;
	v31 =	vmul.f32 $5.656854150e+00, v31;
	v34 =	vld.idx.msk [tilespmem:v34+s12+$0x0], $0xffff;
	[tilespmem:s3+$0x0] =	vst v33  }
0xc1: {  	v30 =	vmul.f32 $5.656854150e+00, v30;
	v33 =	vld.idx.msk [tilespmem:v36+s12+$0x0], $0xffff;
	v36 =	vor.u32 $0x16, v17;
	[tilespmem:s6+$0x0] =	vst v32  }
0xc2: {  	v29 =	vmul.f32 $5.656854150e+00, v29;
	v32 =	vld.idx.msk [tilespmem:v35+s12+$0x0], $0xffff;
	v35 =	vor.u32 $0x17, v17;
	[tilespmem:s11+$0x0] =	vst v31  }
0xc3: {  	v27 =	vmul.f32 $5.656854150e+00, v27;
	v31 =	vld.idx.msk [tilespmem:v37+s12+$0x0], $0xffff;
	[tilespmem:s14+$0x0] =	vst v30  }
0xc4: {  	v28 =	vmul.f32 $5.656854150e+00, v28;
	v30 =	vld.idx.msk [tilespmem:v38+s12+$0x0], $0xffff;
	[tilespmem:s17+$0x0] =	vst v29  }
0xc5: {  	v26 =	vmul.f32 $5.656854150e+00, v26;
	v29 =	vld.idx.msk [tilespmem:v39+s12+$0x0], $0xffff;
	[tilespmem:s18+$0x0] =	vst v27  }
0xc6: {  	s3 =	sadd.s32 $0x17400, s31;
	v27 =	vmul.f32 $5.656854150e+00, v34;
	v34 =	vld.idx.msk [tilespmem:v36+s12+$0x0], $0xffff;
	[tilespmem:s19+$0x0] =	vst v28  }
0xc7: {  	s4 =	sor.u32 s0, s3;
	s6 =	sadd.s32 $0x17480, s31;
	s3 =	sor.u32 s26, s3;
	v28 =	vmul.f32 $5.656854150e+00, v33;
	v33 =	vld.idx.msk [tilespmem:v35+s12+$0x0], $0xffff;
	[tilespmem:s20+$0x0] =	vst v26  }
0xc8: {  	s11 =	sadd.s32 $0x17500, s31;
	v26 =	vmul.f32 $5.656854150e+00, v32;
	[tilespmem:s4+$0x0] =	vst v27;
	s4 =	sor.u32 s0, s6;
	v25 =	vld.idx.msk [tilespmem:v25+s12+$0x0], $0xffff;
	s6 =	sor.u32 s26, s6  }
0xc9: {  	s14 =	sadd.s32 $0x17580, s31;
	v27 =	vmul.f32 $5.656854150e+00, v31;
	[tilespmem:s4+$0x0] =	vst v28;
	s4 =	sor.u32 s0, s11;
	v24 =	vld.idx.msk [tilespmem:v24+s12+$0x0], $0xffff;
	s11 =	sor.u32 s26, s11  }
0xca: {  	s17 =	sadd.s32 $0x17600, s31;
	v28 =	vmul.f32 $5.656854150e+00, v30;
	[tilespmem:s4+$0x0] =	vst v26;
	s4 =	sor.u32 s0, s14;
	v23 =	vld.idx.msk [tilespmem:v23+s12+$0x0], $0xffff;
	s14 =	sor.u32 s26, s14  }
0xcb: {  	s18 =	sadd.s32 $0x17680, s31;
	v26 =	vmul.f32 $5.656854150e+00, v29;
	[tilespmem:s4+$0x0] =	vst v27;
	s4 =	sor.u32 s0, s17;
	v27 =	vor.u32 $0x18, v17;
	v21 =	vld.idx.msk [tilespmem:v21+s12+$0x0], $0xffff;
	s17 =	sor.u32 s26, s17  }
0xcc: {  	s19 =	sadd.s32 $0x17700, s31;
	v29 =	vmul.f32 $5.656854150e+00, v34;
	[tilespmem:s4+$0x0] =	vst v28;
	s4 =	sor.u32 s0, s18;
	v28 =	vor.u32 $0x19, v17;
	v22 =	vld.idx.msk [tilespmem:v22+s12+$0x0], $0xffff;
	s18 =	sor.u32 s26, s18  }
0xcd: {  	s20 =	sadd.s32 $0x17780, s31;
	v30 =	vmul.f32 $5.656854150e+00, v33;
	[tilespmem:s4+$0x0] =	vst v26;
	s4 =	sor.u32 s0, s19;
	v26 =	vor.u32 $0x1A, v17;
	v19 =	vld.idx.msk [tilespmem:v19+s12+$0x0], $0xffff;
	s19 =	sor.u32 s26, s19  }
0xce: {  	v25 =	vmul.f32 $5.656854150e+00, v25;
	[tilespmem:s4+$0x0] =	vst v29;
	s4 =	sor.u32 s0, s20;
	v29 =	vor.u32 $0x1B, v17;
	v20 =	vld.idx.msk [tilespmem:v20+s12+$0x0], $0xffff;
	s20 =	sor.u32 s26, s20  }
0xcf: {  	v24 =	vmul.f32 $5.656854150e+00, v24;
	[tilespmem:s4+$0x0] =	vst v30;
	v30 =	vor.u32 $0x1C, v17;
	v18 =	vld.idx.msk [tilespmem:v18+s12+$0x0], $0xffff  }
0xd0: {  	v31 =	vor.u32 $0x1D, v17;
	v23 =	vmul.f32 $5.656854150e+00, v23;
	v27 =	vld.idx.msk [tilespmem:v27+s12+$0x0], $0xffff;
	[tilespmem:s3+$0x0] =	vst v25  }
0xd1: {  	v32 =	vmul.f32 $5.656854150e+00, v21;
	v25 =	vld.idx.msk [tilespmem:v28+s12+$0x0], $0xffff;
	v28 =	vor.u32 $0x1E, v17;
	[tilespmem:s6+$0x0] =	vst v24  }
0xd2: {  	v21 =	vld.idx.msk [tilespmem:v26+s12+$0x0], $0xffff;
	v26 =	vor.u32 $0x1F, v17;
	v17 =	vmul.f32 $5.656854150e+00, v22;
	[tilespmem:s11+$0x0] =	vst v23  }
.Ltmp0:
0xd3: {  	v24 =	vmul.f32 $5.656854150e+00, v19;
	v23 =	vld.idx.msk [tilespmem:v29+s12+$0x0], $0xffff;
	[tilespmem:s14+$0x0] =	vst v32;
	(pc) =	sbr.rel @p0 .LBB2_3-.Ltmp0, $4  }
0xd4: {  	v29 =	vmul.f32 $5.656854150e+00, v20;
	v22 =	vld.idx.msk [tilespmem:v30+s12+$0x0], $0xffff;
	[tilespmem:s17+$0x0] =	vst v17  }
0xd5: {  	v30 =	vmul.f32 $5.656854150e+00, v18;
	v19 =	vld.idx.msk [tilespmem:v31+s12+$0x0], $0xffff;
	[tilespmem:s18+$0x0] =	vst v24  }
0xd6: {  	s21 =	sadd.s32 $0x17C00, s31;
	v24 =	vmul.f32 $5.656854150e+00, v27;
	v20 =	vld.idx.msk [tilespmem:v28+s12+$0x0], $0xffff;
	[tilespmem:s19+$0x0] =	vst v29  }
0xd7: {  	s16 =	sadd.s32 $0x20, s16;
	s4 =	sadd.s32 $0x17C80, s31;
	s6 =	sor.u32 s0, s21;
	v17 =	vmul.f32 $5.656854150e+00, v25;
	v18 =	vld.idx.msk [tilespmem:v26+s12+$0x0], $0xffff;
	[tilespmem:s20+$0x0] =	vst v30  }
0xd8: {  	[tilespmem:s6+$0x0] =	vst v24  }
0xd9: {  	s1 =	sor.u32 s0, s4;
	[tilespmem:s13+$0x0] =	vst v2  }
0xda: {  	v21 =	vmul.f32 $5.656854150e+00, v21;
	s3 =	sadd.s32 $0x17D00, s31;
	[tilespmem:s1+$0x0] =	vst v17  }
0xdb: {  	s16 =	sor.u32 s0, s3;
	[tilespmem:s9+$0x0] =	vst v3  }
0xdc: {  	v23 =	vmul.f32 $5.656854150e+00, v23;
	s6 =	sadd.s32 $0x17D80, s31;
	[tilespmem:s16+$0x0] =	vst v21  }
0xdd: {  	s17 =	sor.u32 s0, s6;
	[tilespmem:s5+$0x0] =	vst v4  }
0xde: {  	s11 =	sadd.s32 $0x17E00, s31;
	v17 =	vmul.f32 $5.656854150e+00, v22;
	[tilespmem:s17+$0x0] =	vst v23  }
0xdf: {  	s18 =	sor.u32 s0, s11;
	[tilespmem:s2+$0x0] =	vst v8  }
0xe0: {  	s14 =	sadd.s32 $0x17E80, s31;
	v19 =	vmul.f32 $5.656854150e+00, v19;
	[tilespmem:s18+$0x0] =	vst v17  }
0xe1: {  	v2 =	vld.idx.msk [tilespmem:v6+s12+$0x0], $0xffff;
	s19 =	sor.u32 s0, s14;
	[tilespmem:s7+$0x0] =	vst v9  }
0xe2: {  	v3 =	vld.idx.msk [tilespmem:v5+s12+$0x0], $0xffff;
	s16 =	sadd.s32 $0x17F00, s31;
	v20 =	vmul.f32 $5.656854150e+00, v20;
	[tilespmem:s19+$0x0] =	vst v19  }
0xe3: {  	v4 =	vld.idx.msk [tilespmem:v7+s12+$0x0], $0xffff;
	s20 =	sor.u32 s0, s16;
	[tilespmem:s22+$0x0] =	vst v10  }
0xe4: {  	v5 =	vld.idx.msk [tilespmem:v13+s12+$0x0], $0xffff;
	s17 =	sadd.s32 $0x17F80, s31;
	v17 =	vmul.f32 $5.656854150e+00, v18;
	[tilespmem:s20+$0x0] =	vst v20  }
0xe5: {  	v6 =	vld.idx.msk [tilespmem:v15+s12+$0x0], $0xffff;
	s23 =	sor.u32 s0, s17;
	[tilespmem:s10+$0x0] =	vst v11  }
0xe6: {  	v7 =	vld.idx.msk [tilespmem:v14+s12+$0x0], $0xffff;
	v2 =	vmul.f32 $5.656854150e+00, v2;
	[tilespmem:s23+$0x0] =	vst v17  }
0xe7: {  	s24 =	sor.u32 s26, s21;
	v8 =	vld.idx.msk [tilespmem:v16+s12+$0x0], $0xffff;
	v3 =	vmul.f32 $5.656854150e+00, v3;
	[tilespmem:s8+$0x0] =	vst v12  }
0xe8: {  	v1 =	vld.idx.msk [tilespmem:v1+s12+$0x0], $0xffff;
	s1 =	sor.u32 s26, s4;
	[tilespmem:s24+$0x0] =	vst v2;
	v2 =	vmul.f32 $5.656854150e+00, v4  }
0xe9: {  	s2 =	sor.u32 s26, s3;
	[tilespmem:s1+$0x0] =	vst v3;
	v3 =	vmul.f32 $5.656854150e+00, v5  }
0xea: {  	s3 =	sor.u32 s26, s6;
	[tilespmem:s2+$0x0] =	vst v2;
	v2 =	vmul.f32 $5.656854150e+00, v6  }
0xeb: {  	s4 =	sor.u32 s26, s11;
	[tilespmem:s3+$0x0] =	vst v3;
	v3 =	vmul.f32 $5.656854150e+00, v7  }
0xec: {  	s5 =	sor.u32 s26, s14;
	[tilespmem:s4+$0x0] =	vst v2;
	v2 =	vmul.f32 $5.656854150e+00, v8  }
0xed: {  	s6 =	sor.u32 s26, s16;
	v1 =	vmul.f32 $5.656854150e+00, v1;
	[tilespmem:s5+$0x0] =	vst v3  }
0xee: {  	s7 =	sor.u32 s26, s17;
	[tilespmem:s6+$0x0] =	vst v2  }
0xef: {  	p0 =	seq.s32 s25, $0x31;
	s9 =	simm.s32 $0x20000;
	[tilespmem:s7+$0x0] =	vst v1  }
0xf0: {  	s11 =	simm.s32 $0x2;
	s26 =	sshll.u32 s25, $0x10;
	s0 =	rddreg [dreg:$0x4]  }
0xf1: {  	s10 =	simm.s32 $0x16400;
	s8 =	simm.s32 $0x800;
	s0 =	sadd.s32 s26, s0  }
0xf2: {  	[hbm4b:s0+s8] =	stream.strided.scatter [tilespmem:s10], [sflag:$0x3], $0x2000, s9, s8, $0x38;
	[tilespmem:$0x1A400] =	vst v63  }
0xf3: {  	s13 =	simm.s32 $0x0;
	s1 =	simm.s32 @!p0 $0x80;
	_ =	swait.ge [sflag:s11], $0x8000  }
0xf4: {  	s2 =	simm.s32 @!p0 $0x6400;
	[sflag:s11] =	ssyncset.done $0x0;
	s4 =	rddreg [dreg:$0x9]  }
0xf5: {  	s3 =	rddreg [dreg:$0x3];
	[sflag:s11] =	ssyncadd.s32 $0xFFFF8000;
	s0 =	sadd.s32 @!p0 $0x200, s4  }
0xf6: {  	[tilespmem:s2], [sflag:$0x1] =	stream.indirect.gather @!p0 [hbm4b:s3+s1], $0x80, s0, s1, $0xb8;
	[tilespmem:$0x1A400] =	vst v63  }
0xf7: {  	p1 =	seq.s32 @!p0 s25, $0x0;
	v1 =	vmov s13;
	s0 =	sadd.s32 @!p0 $0x280, s4;
	s2 =	simm.s32 @!p0 $0xA400  }
0xf8: {  	v1 =	vshll.u32 v1, $0x7;
	[tilespmem:s2], [sflag:$0x1] =	stream.indirect.gather @!p0 [hbm4b:s3+s1], $0x80, s0, s1, $0xb8;
	[tilespmem:$0x1A400] =	vst v63  }
0xf9: {  	v2 =	vor.u32 v0, v1;
	p0 =	por p0, !p1  }
0xfa: {  	v1 =	vor.u32 $0x1, v2;
	s0 =	simm.s32 @p0 $0x4  }
0xfb: {  	v3 =	vor.u32 $0x2, v2;
	_ =	swait.ge @p0 [sflag:s0], $0x2000  }
0xfc: {  	v4 =	vor.u32 $0x3, v2;
	[sflag:s0] =	ssyncset.done @p0 $0x0  }
0xfd: {  	v5 =	vor.u32 $0x4, v2;
	[sflag:s0] =	ssyncadd.s32 @p0 $0xFFFFE000  }
0xfe: {  	s14 =	simm.s32 $0x10;
	v7 =	vor.u32 $0x5, v2;
	v6 =	vld.idx.msk [tilespmem:v2+s15+$0x0], $0xffff  }
0xff: {  	v8 =	vmov s14;
	v10 =	vor.u32 $0x6, v2;
	v9 =	vld.idx.msk [tilespmem:v1+s15+$0x0], $0xffff  }
0x100: {  	v1 =	vshll.u32 v8, $0x7;
	v3 =	vld.idx.msk [tilespmem:v3+s15+$0x0], $0xffff;
	v8 =	vor.u32 $0x7, v2  }
0x101: {  	v4 =	vld.idx.msk [tilespmem:v4+s15+$0x0], $0xffff;
	v1 =	vor.u32 v0, v1  }
0x102: {  	s16 =	simm.s32 $0x0;
	v5 =	vld.idx.msk [tilespmem:v5+s15+$0x0], $0xffff;
	v11 =	vor.u32 $0x1, v1  }
0x103: {  	s1 =	sand.u32 $0x400, s16;
	v7 =	vld.idx.msk [tilespmem:v7+s15+$0x0], $0xffff;
	v12 =	vor.u32 $0x2, v1  }
0x104: {  	s17 =	sadd.s32 $0x18400, s1;
	s0 =	sand.u32 $0x60, s13;
	v10 =	vld.idx.msk [tilespmem:v10+s15+$0x0], $0xffff;
	v13 =	vor.u32 $0x3, v1;
	v6 =	vmul.f32 $5.656854150e+00, v6  }
0x105: {  	s18 =	sor.u32 s0, s17;
	v14 =	vor.u32 $0x4, v1;
	v9 =	vmul.f32 $5.656854150e+00, v9;
	v8 =	vld.idx.msk [tilespmem:v8+s15+$0x0], $0xffff  }
0x106: {  	v15 =	vor.u32 $0x5, v1;
	v3 =	vmul.f32 $5.656854150e+00, v3;
	v16 =	vld.idx.msk [tilespmem:v1+s15+$0x0], $0xffff;
	[tilespmem:s18+$0x0] =	vst v6  }
0x107: {  	v4 =	vmul.f32 $5.656854150e+00, v4;
	v6 =	vor.u32 $0x6, v1;
	v11 =	vld.idx.msk [tilespmem:v11+s15+$0x0], $0xffff;
	[tilespmem:s18+$0x80] =	vst v9  }
0x108: {  	s19 =	sand.u32 $0x3, s16;
	v5 =	vmul.f32 $5.656854150e+00, v5;
	v9 =	vor.u32 $0x7, v1;
	v12 =	vld.idx.msk [tilespmem:v12+s15+$0x0], $0xffff;
	[tilespmem:s18+$0x100] =	vst v3  }
0x109: {  	s7 =	sshll.u32 s19, $0x5;
	v7 =	vmul.f32 $5.656854150e+00, v7;
	v3 =	vld.idx.msk [tilespmem:v13+s15+$0x0], $0xffff;
	[tilespmem:s18+$0x180] =	vst v4;
	v4 =	vor.u32 $0x8, v2  }
0x10a: {  	s7 =	sadd.s32 $0x0, s7;
	v10 =	vmul.f32 $5.656854150e+00, v10;
	v13 =	vld.idx.msk [tilespmem:v14+s15+$0x0], $0xffff;
	[tilespmem:s18+$0x200] =	vst v5;
	v5 =	vor.u32 $0x9, v2  }
0x10b: {  	s20 =	sor.u32 $0x300, s7;
	s3 =	sor.u32 s13, s16;
	v14 =	vld.idx.msk [tilespmem:v15+s15+$0x0], $0xffff;
	[tilespmem:s18+$0x280] =	vst v7;
	v7 =	vor.u32 $0xA, v2;
	v8 =	vmul.f32 $5.656854150e+00, v8  }
0x10c: {  	s8 =	sand.u32 $0x70, s14;
	s3 =	sor.u32 $0x380, s3;
	[tilespmem:s20+$0x18400] =	vst v10;
	v10 =	vor.u32 $0xB, v2;
	v16 =	vmul.f32 $5.656854150e+00, v16;
	v6 =	vld.idx.msk [tilespmem:v6+s15+$0x0], $0xffff  }
0x10d: {  	s5 =	sor.u32 s8, s17;
	v15 =	vor.u32 $0xD, v2;
	v11 =	vmul.f32 $5.656854150e+00, v11;
	v9 =	vld.idx.msk [tilespmem:v9+s15+$0x0], $0xffff;
	[tilespmem:s3+$0x18400] =	vst v8  }
0x10e: {  	v8 =	vor.u32 $0xC, v2;
	v12 =	vmul.f32 $5.656854150e+00, v12;
	v4 =	vld.idx.msk [tilespmem:v4+s15+$0x0], $0xffff;
	[tilespmem:s5+$0x0] =	vst v16  }
0x10f: {  	s21 =	sand.u32 $0x7, s16;
	v3 =	vmul.f32 $5.656854150e+00, v3;
	v5 =	vld.idx.msk [tilespmem:v5+s15+$0x0], $0xffff;
	[tilespmem:s5+$0x80] =	vst v11;
	v11 =	vor.u32 $0xE, v2  }
0x110: {  	v13 =	vmul.f32 $5.656854150e+00, v13;
	s3 =	sshll.u32 s21, $0x4;
	v7 =	vld.idx.msk [tilespmem:v7+s15+$0x0], $0xffff;
	[tilespmem:s5+$0x100] =	vst v12;
	v12 =	vor.u32 $0xF, v2  }
0x111: {  	v14 =	vmul.f32 $5.656854150e+00, v14;
	s3 =	sadd.s32 $0x0, s3;
	v10 =	vld.idx.msk [tilespmem:v10+s15+$0x0], $0xffff;
	[tilespmem:s5+$0x180] =	vst v3;
	v3 =	vor.u32 $0x8, v1  }
0x112: {  	v15 =	vld.idx.msk [tilespmem:v15+s15+$0x0], $0xffff;
	[tilespmem:s5+$0x200] =	vst v13;
	v13 =	vor.u32 $0x9, v1;
	s3 =	sadd.s32 $0x10, s3;
	v6 =	vmul.f32 $5.656854150e+00, v6  }
0x113: {  	s2 =	sor.u32 s14, s16;
	[tilespmem:s5+$0x280] =	vst v14;
	v14 =	vor.u32 $0xA, v1;
	s3 =	sor.u32 $0x300, s3;
	v8 =	vld.idx.msk [tilespmem:v8+s15+$0x0], $0xffff;
	v9 =	vmul.f32 $5.656854150e+00, v9  }
0x114: {  	s2 =	sor.u32 $0x380, s2;
	s22 =	sadd.s32 $0x18C00, s1;
	v16 =	vor.u32 $0xB, v1;
	v4 =	vmul.f32 $5.656854150e+00, v4;
	v11 =	vld.idx.msk [tilespmem:v11+s15+$0x0], $0xffff;
	[tilespmem:s3+$0x18400] =	vst v6  }
0x115: {  	s24 =	sadd.s32 $0x18C80, s1;
	s23 =	sor.u32 s0, s22;
	v5 =	vmul.f32 $5.656854150e+00, v5;
	v6 =	vor.u32 $0xC, v1;
	v12 =	vld.idx.msk [tilespmem:v12+s15+$0x0], $0xffff;
	[tilespmem:s2+$0x18400] =	vst v9  }
0x116: {  	s6 =	sadd.s32 $0x18D00, s1;
	v7 =	vmul.f32 $5.656854150e+00, v7;
	s3 =	sor.u32 s0, s24;
	v9 =	vor.u32 $0xD, v1;
	[tilespmem:s23+$0x0] =	vst v4;
	v3 =	vld.idx.msk [tilespmem:v3+s15+$0x0], $0xffff  }
0x117: {  	s9 =	sadd.s32 $0x18D80, s1;
	s7 =	sor.u32 s0, s6;
	v10 =	vmul.f32 $5.656854150e+00, v10;
	v4 =	vor.u32 $0xE, v1;
	[tilespmem:s3+$0x0] =	vst v5;
	v5 =	vld.idx.msk [tilespmem:v13+s15+$0x0], $0xffff  }
0x118: {  	s11 =	sadd.s32 $0x18E00, s1;
	s10 =	sor.u32 s0, s9;
	v13 =	vor.u32 $0xF, v1;
	v8 =	vmul.f32 $5.656854150e+00, v8;
	[tilespmem:s7+$0x0] =	vst v7;
	v7 =	vld.idx.msk [tilespmem:v14+s15+$0x0], $0xffff  }
0x119: {  	s14 =	sadd.s32 $0x18E80, s1;
	s13 =	sor.u32 s0, s11;
	v14 =	vmul.f32 $5.656854150e+00, v15;
	v15 =	vld.idx.msk [tilespmem:v16+s15+$0x0], $0xffff;
	[tilespmem:s10+$0x0] =	vst v10;
	v10 =	vor.u32 $0x10, v2  }
0x11a: {  	s16 =	sor.u32 s0, s14;
	s17 =	sadd.s32 $0x18F00, s1;
	v11 =	vmul.f32 $5.656854150e+00, v11;
	[tilespmem:s13+$0x0] =	vst v8;
	v8 =	vor.u32 $0x11, v2;
	v6 =	vld.idx.msk [tilespmem:v6+s15+$0x0], $0xffff  }
0x11b: {  	s19 =	sadd.s32 $0x18F80, s1;
	s18 =	sor.u32 s0, s17;
	v12 =	vmul.f32 $5.656854150e+00, v12;
	[tilespmem:s16+$0x0] =	vst v14;
	v14 =	vor.u32 $0x12, v2;
	v9 =	vld.idx.msk [tilespmem:v9+s15+$0x0], $0xffff  }
0x11c: {  	s20 =	sor.u32 s0, s19;
	v16 =	vor.u32 $0x15, v2;
	v4 =	vld.idx.msk [tilespmem:v4+s15+$0x0], $0xffff;
	[tilespmem:s18+$0x0] =	vst v11;
	v3 =	vmul.f32 $5.656854150e+00, v3  }
0x11d: {  	s4 =	sor.u32 s8, s22;
	v11 =	vor.u32 $0x13, v2;
	v5 =	vmul.f32 $5.656854150e+00, v5;
	v13 =	vld.idx.msk [tilespmem:v13+s15+$0x0], $0xffff;
	[tilespmem:s20+$0x0] =	vst v12  }
0x11e: {  	s21 =	sor.u32 s8, s24;
	v12 =	vor.u32 $0x14, v2;
	v7 =	vmul.f32 $5.656854150e+00, v7;
	v10 =	vld.idx.msk [tilespmem:v10+s15+$0x0], $0xffff;
	[tilespmem:s4+$0x0] =	vst v3  }
0x11f: {  	s3 =	sor.u32 s8, s6;
	v15 =	vmul.f32 $5.656854150e+00, v15;
	v3 =	vld.idx.msk [tilespmem:v8+s15+$0x0], $0xffff;
	v8 =	vor.u32 $0x16, v2;
	[tilespmem:s21+$0x0] =	vst v5  }
0x120: {  	s22 =	sor.u32 s8, s9;
	v6 =	vmul.f32 $5.656854150e+00, v6;
	v5 =	vld.idx.msk [tilespmem:v14+s15+$0x0], $0xffff;
	v14 =	vor.u32 $0x17, v2;
	[tilespmem:s3+$0x0] =	vst v7  }
0x121: {  	s23 =	sor.u32 s8, s11;
	v16 =	vld.idx.msk [tilespmem:v16+s15+$0x0], $0xffff;
	v7 =	vor.u32 $0x10, v1;
	v9 =	vmul.f32 $5.656854150e+00, v9;
	[tilespmem:s22+$0x0] =	vst v15  }
0x122: {  	s24 =	sor.u32 s8, s14;
	v4 =	vmul.f32 $5.656854150e+00, v4;
	v11 =	vld.idx.msk [tilespmem:v11+s15+$0x0], $0xffff;
	v15 =	vor.u32 $0x11, v1;
	[tilespmem:s23+$0x0] =	vst v6  }
0x123: {  	s4 =	sor.u32 s8, s17;
	v13 =	vmul.f32 $5.656854150e+00, v13;
	v12 =	vld.idx.msk [tilespmem:v12+s15+$0x0], $0xffff;
	v6 =	vor.u32 $0x12, v1;
	[tilespmem:s24+$0x0] =	vst v9  }
0x124: {  	s5 =	sor.u32 s8, s19;
	s6 =	sadd.s32 $0x19400, s1;
	v9 =	vor.u32 $0x13, v1;
	v10 =	vmul.f32 $5.656854150e+00, v10;
	v8 =	vld.idx.msk [tilespmem:v8+s15+$0x0], $0xffff;
	[tilespmem:s4+$0x0] =	vst v4  }
0x125: {  	s9 =	sadd.s32 $0x19480, s1;
	s7 =	sor.u32 s0, s6;
	v4 =	vor.u32 $0x14, v1;
	v3 =	vmul.f32 $5.656854150e+00, v3;
	v14 =	vld.idx.msk [tilespmem:v14+s15+$0x0], $0xffff;
	[tilespmem:s5+$0x0] =	vst v13  }
0x126: {  	s11 =	sadd.s32 $0x19500, s1;
	s10 =	sor.u32 s0, s9;
	v13 =	vor.u32 $0x15, v1;
	v5 =	vmul.f32 $5.656854150e+00, v5;
	[tilespmem:s7+$0x0] =	vst v10;
	v7 =	vld.idx.msk [tilespmem:v7+s15+$0x0], $0xffff  }
0x127: {  	s14 =	sadd.s32 $0x19580, s1;
	s13 =	sor.u32 s0, s11;
	v10 =	vor.u32 $0x16, v1;
	v11 =	vmul.f32 $5.656854150e+00, v11;
	[tilespmem:s10+$0x0] =	vst v3;
	v3 =	vld.idx.msk [tilespmem:v15+s15+$0x0], $0xffff  }
0x128: {  	s16 =	sor.u32 s0, s14;
	s17 =	sadd.s32 $0x19600, s1;
	v15 =	vor.u32 $0x17, v1;
	v12 =	vmul.f32 $5.656854150e+00, v12;
	[tilespmem:s13+$0x0] =	vst v5;
	v5 =	vld.idx.msk [tilespmem:v6+s15+$0x0], $0xffff  }
0x129: {  	s19 =	sadd.s32 $0x19680, s1;
	s18 =	sor.u32 s0, s17;
	v6 =	vmul.f32 $5.656854150e+00, v16;
	[tilespmem:s16+$0x0] =	vst v11;
	v11 =	vor.u32 $0x18, v2;
	v9 =	vld.idx.msk [tilespmem:v9+s15+$0x0], $0xffff  }
0x12a: {  	s20 =	sor.u32 s0, s19;
	s21 =	sadd.s32 $0x19700, s1;
	v8 =	vmul.f32 $5.656854150e+00, v8;
	[tilespmem:s18+$0x0] =	vst v12;
	v12 =	vor.u32 $0x19, v2;
	v4 =	vld.idx.msk [tilespmem:v4+s15+$0x0], $0xffff  }
0x12b: {  	s22 =	sor.u32 s0, s21;
	s23 =	sadd.s32 $0x19780, s1;
	v14 =	vmul.f32 $5.656854150e+00, v14;
	[tilespmem:s20+$0x0] =	vst v6;
	v6 =	vor.u32 $0x1A, v2;
	v13 =	vld.idx.msk [tilespmem:v13+s15+$0x0], $0xffff  }
0x12c: {  	s24 =	sor.u32 s0, s23;
	v10 =	vld.idx.msk [tilespmem:v10+s15+$0x0], $0xffff;
	[tilespmem:s22+$0x0] =	vst v8;
	v8 =	vor.u32 $0x1B, v2;
	v7 =	vmul.f32 $5.656854150e+00, v7  }
0x12d: {  	s4 =	sor.u32 s8, s6;
	v3 =	vmul.f32 $5.656854150e+00, v3;
	v15 =	vld.idx.msk [tilespmem:v15+s15+$0x0], $0xffff;
	[tilespmem:s24+$0x0] =	vst v14;
	v14 =	vor.u32 $0x1C, v2  }
0x12e: {  	s5 =	sor.u32 s8, s9;
	v16 =	vor.u32 $0x1D, v2;
	v5 =	vmul.f32 $5.656854150e+00, v5;
	v11 =	vld.idx.msk [tilespmem:v11+s15+$0x0], $0xffff;
	[tilespmem:s4+$0x0] =	vst v7  }
0x12f: {  	s3 =	sor.u32 s8, s11;
	v9 =	vmul.f32 $5.656854150e+00, v9;
	v7 =	vld.idx.msk [tilespmem:v12+s15+$0x0], $0xffff;
	v12 =	vor.u32 $0x1E, v2;
	[tilespmem:s5+$0x0] =	vst v3  }
0x130: {  	s6 =	sor.u32 s8, s14;
	v2 =	vor.u32 $0x1F, v2;
	v3 =	vmul.f32 $5.656854150e+00, v4;
	v18 =	vld.idx.msk [tilespmem:v6+s15+$0x0], $0xffff;
	[tilespmem:s3+$0x0] =	vst v5  }
0x131: {  	s7 =	sor.u32 s8, s17;
	v4 =	vor.u32 $0x18, v1;
	v6 =	vmul.f32 $5.656854150e+00, v13;
	v5 =	vld.idx.msk [tilespmem:v8+s15+$0x0], $0xffff;
	[tilespmem:s6+$0x0] =	vst v9  }
0x132: {  	s13 =	sor.u32 s8, s19;
	v8 =	vor.u32 $0x19, v1;
	v9 =	vmul.f32 $5.656854150e+00, v10;
	v13 =	vld.idx.msk [tilespmem:v14+s15+$0x0], $0xffff;
	[tilespmem:s7+$0x0] =	vst v3  }
0x133: {  	s14 =	sor.u32 s8, s21;
	v10 =	vor.u32 $0x1A, v1;
	v14 =	vld.idx.msk [tilespmem:v16+s15+$0x0], $0xffff;
	v3 =	vmul.f32 $5.656854150e+00, v15;
	[tilespmem:s13+$0x0] =	vst v6  }
0x134: {  	v19 =	vor.u32 $0x1D, v1;
	s16 =	sor.u32 s8, s23;
	v15 =	vld.idx.msk [tilespmem:v12+s15+$0x0], $0xffff;
	[tilespmem:s14+$0x0] =	vst v9  }
0x135: {  	v20 =	vor.u32 $0x1E, v1;
	s9 =	simm.s32 $0x30;
	v16 =	vld.idx.msk [tilespmem:v2+s15+$0x0], $0xffff;
	[tilespmem:s16+$0x0] =	vst v3  }
0x136: {  	v6 =	vor.u32 $0x1B, v1;
	s13 =	simm.s32 $0x20;
	v3 =	vmov s9;
	v2 =	vld.idx.msk [tilespmem:v4+s15+$0x0], $0xffff  }
0x137: {  	v9 =	vor.u32 $0x1C, v1;
	v4 =	vmov s13;
	v12 =	vshll.u32 v3, $0x7;
	v3 =	vld.idx.msk [tilespmem:v8+s15+$0x0], $0xffff  }
0x138: {  	v1 =	vor.u32 $0x1F, v1;
	v8 =	vshll.u32 v4, $0x7;
	v4 =	vld.idx.msk [tilespmem:v10+s15+$0x0], $0xffff  }
0x139: {  	v17 =	vor.u32 v0, v12;
	v10 =	vld.idx.msk [tilespmem:v19+s15+$0x0], $0xffff  }
0x13a: {  	v19 =	vmul.f32 $5.656854150e+00, v11;
	v11 =	vld.idx.msk [tilespmem:v20+s15+$0x0], $0xffff;
	v12 =	vor.u32 v0, v8  }
0x13b: {  	v6 =	vld.idx.msk [tilespmem:v6+s15+$0x0], $0xffff;
	v8 =	vor.u32 $0x1, v12  }
0x13c: {  	s2 =	sadd.s32 $0x19C00, s1;
	v9 =	vld.idx.msk [tilespmem:v9+s15+$0x0], $0xffff;
	v21 =	vor.u32 $0x2, v12  }
0x13d: {  	s17 =	sor.u32 s0, s2;
	s7 =	sadd.s32 $0x19C80, s1;
	v7 =	vmul.f32 $5.656854150e+00, v7;
	v22 =	vor.u32 $0x3, v12;
	v1 =	vld.idx.msk [tilespmem:v1+s15+$0x0], $0xffff  }
0x13e: {  	s5 =	sadd.s32 $0x19D00, s1;
	s18 =	sor.u32 s0, s7;
	v18 =	vmul.f32 $5.656854150e+00, v18;
	v20 =	vor.u32 $0x4, v12;
	[tilespmem:s17+$0x0] =	vst v19;
	v23 =	vld.idx.msk [tilespmem:v17+s15+$0x0], $0xffff  }
0x13f: {  	s19 =	sor.u32 s0, s5;
	s16 =	sadd.s32 $0x19D80, s1;
	v5 =	vmul.f32 $5.656854150e+00, v5;
	v24 =	vor.u32 $0x5, v12;
	[tilespmem:s18+$0x0] =	vst v7;
	v19 =	vld.idx.msk [tilespmem:v12+s15+$0x0], $0xffff  }
0x140: {  	s10 =	sadd.s32 $0x19E00, s1;
	s20 =	sor.u32 s0, s16;
	v13 =	vmul.f32 $5.656854150e+00, v13;
	[tilespmem:s19+$0x0] =	vst v18;
	v7 =	vld.idx.msk [tilespmem:v8+s15+$0x0], $0xffff;
	v8 =	vor.u32 $0x6, v12  }
0x141: {  	s21 =	sor.u32 s0, s10;
	s22 =	sadd.s32 $0x19E80, s1;
	v14 =	vmul.f32 $5.656854150e+00, v14;
	[tilespmem:s20+$0x0] =	vst v5;
	v18 =	vld.idx.msk [tilespmem:v21+s15+$0x0], $0xffff;
	v21 =	vor.u32 $0x7, v12  }
0x142: {  	s29 =	simm.s32 $0x100;
	s23 =	sor.u32 s0, s22;
	s24 =	sadd.s32 $0x19F00, s1;
	v25 =	vor.u32 $0x1, v17;
	v15 =	vmul.f32 $5.656854150e+00, v15;
	[tilespmem:s21+$0x0] =	vst v13;
	v5 =	vld.idx.msk [tilespmem:v22+s15+$0x0], $0xffff  }
0x143: {  	s31 =	sand.u32 $0x400, s29;
	s4 =	sor.u32 s0, s24;
	v16 =	vmul.f32 $5.656854150e+00, v16;
	s19 =	sadd.s32 $0x19F80, s1;
	v22 =	vor.u32 $0x2, v17;
	v13 =	vld.idx.msk [tilespmem:v20+s15+$0x0], $0xffff;
	[tilespmem:s23+$0x0] =	vst v14  }
0x144: {  	s6 =	sadd.s32 $0x18400, s31;
	s1 =	sor.u32 s0, s19;
	s0 =	sand.u32 $0x60, s13;
	v20 =	vor.u32 $0x3, v17;
	v14 =	vld.idx.msk [tilespmem:v24+s15+$0x0], $0xffff;
	[tilespmem:s4+$0x0] =	vst v15;
	v15 =	vmul.f32 $5.656854150e+00, v19  }
0x145: {  	s11 =	sor.u32 s0, s6;
	v24 =	vor.u32 $0x4, v17;
	[tilespmem:s1+$0x0] =	vst v16;
	v8 =	vld.idx.msk [tilespmem:v8+s15+$0x0], $0xffff;
	v7 =	vmul.f32 $5.656854150e+00, v7  }
0x146: {  	v19 =	vor.u32 $0x5, v17;
	v16 =	vld.idx.msk [tilespmem:v21+s15+$0x0], $0xffff;
	v18 =	vmul.f32 $5.656854150e+00, v18;
	[tilespmem:s11+$0x0] =	vst v15  }
0x147: {  	s30 =	simm.s32 $0x1;
	v21 =	vor.u32 $0x6, v17;
	v5 =	vmul.f32 $5.656854150e+00, v5;
	v15 =	vld.idx.msk [tilespmem:v25+s15+$0x0], $0xffff;
	[tilespmem:s11+$0x80] =	vst v7  }
0x148: {  	s14 =	sand.u32 $0x3, s30;
	v13 =	vmul.f32 $5.656854150e+00, v13;
	v25 =	vor.u32 $0x7, v17;
	v7 =	vld.idx.msk [tilespmem:v22+s15+$0x0], $0xffff;
	[tilespmem:s11+$0x100] =	vst v18  }
0x149: {  	s4 =	sshll.u32 s14, $0x5;
	v14 =	vmul.f32 $5.656854150e+00, v14;
	v18 =	vld.idx.msk [tilespmem:v20+s15+$0x0], $0xffff;
	[tilespmem:s11+$0x180] =	vst v5;
	v5 =	vor.u32 $0x8, v12  }
0x14a: {  	s4 =	sadd.s32 $0x100, s4;
	v20 =	vld.idx.msk [tilespmem:v24+s15+$0x0], $0xffff;
	[tilespmem:s11+$0x200] =	vst v13;
	v13 =	vor.u32 $0x9, v12;
	v8 =	vmul.f32 $5.656854150e+00, v8  }
0x14b: {  	s18 =	sor.u32 s13, s29;
	s17 =	sor.u32 $0x300, s4;
	[tilespmem:s11+$0x280] =	vst v14;
	v14 =	vor.u32 $0xA, v12;
	v19 =	vld.idx.msk [tilespmem:v19+s15+$0x0], $0xffff;
	v16 =	vmul.f32 $5.656854150e+00, v16  }
0x14c: {  	s28 =	sand.u32 $0x70, s9;
	s20 =	sor.u32 $0x380, s18;
	v23 =	vmul.f32 $5.656854150e+00, v23;
	v24 =	vor.u32 $0xD, v12;
	v21 =	vld.idx.msk [tilespmem:v21+s15+$0x0], $0xffff;
	[tilespmem:s17+$0x18400] =	vst v8  }
0x14d: {  	s3 =	sor.u32 s28, s6;
	v15 =	vmul.f32 $5.656854150e+00, v15;
	v22 =	vld.idx.msk [tilespmem:v25+s15+$0x0], $0xffff;
	v8 =	vor.u32 $0xB, v12;
	[tilespmem:s20+$0x18400] =	vst v16  }
0x14e: {  	s1 =	simm.s32 $0x2;
	[tilespmem:s3+$0x0] =	vst v23;
	v7 =	vmul.f32 $5.656854150e+00, v7;
	v16 =	vor.u32 $0xC, v12;
	v5 =	vld.idx.msk [tilespmem:v5+s15+$0x0], $0xffff  }
0x14f: {  	s21 =	sand.u32 $0x7, s1;
	v18 =	vmul.f32 $5.656854150e+00, v18;
	[tilespmem:s3+$0x80] =	vst v15;
	v15 =	vor.u32 $0xE, v12;
	v13 =	vld.idx.msk [tilespmem:v13+s15+$0x0], $0xffff  }
0x150: {  	s4 =	sshll.u32 s21, $0x4;
	v20 =	vmul.f32 $5.656854150e+00, v20;
	[tilespmem:s3+$0x100] =	vst v7;
	v7 =	vld.idx.msk [tilespmem:v14+s15+$0x0], $0xffff;
	v14 =	vor.u32 $0xF, v12  }
0x151: {  	s4 =	sadd.s32 $0x100, s4;
	v23 =	vor.u32 $0xB, v17;
	v19 =	vmul.f32 $5.656854150e+00, v19;
	[tilespmem:s3+$0x180] =	vst v18;
	v24 =	vld.idx.msk [tilespmem:v24+s15+$0x0], $0xffff  }
0x152: {  	s4 =	sadd.s32 $0x10, s4;
	v18 =	vor.u32 $0x8, v17;
	[tilespmem:s3+$0x200] =	vst v20;
	v21 =	vmul.f32 $5.656854150e+00, v21;
	v8 =	vld.idx.msk [tilespmem:v8+s15+$0x0], $0xffff  }
0x153: {  	s23 =	sor.u32 s9, s29;
	s4 =	sor.u32 $0x300, s4;
	v20 =	vor.u32 $0x9, v17;
	[tilespmem:s3+$0x280] =	vst v19;
	v22 =	vmul.f32 $5.656854150e+00, v22;
	v16 =	vld.idx.msk [tilespmem:v16+s15+$0x0], $0xffff  }
0x154: {  	s9 =	sadd.s32 $0x18C00, s31;
	s6 =	sor.u32 $0x380, s23;
	v19 =	vor.u32 $0xA, v17;
	[tilespmem:s4+$0x18400] =	vst v21;
	v15 =	vld.idx.msk [tilespmem:v15+s15+$0x0], $0xffff;
	v5 =	vmul.f32 $5.656854150e+00, v5  }
0x155: {  	s23 =	sadd.s32 $0x18C80, s31;
	s21 =	sor.u32 s0, s9;
	v21 =	vor.u32 $0xC, v17;
	[tilespmem:s6+$0x18400] =	vst v22;
	v13 =	vmul.f32 $5.656854150e+00, v13;
	v14 =	vld.idx.msk [tilespmem:v14+s15+$0x0], $0xffff  }
0x156: {  	s11 =	sor.u32 s0, s23;
	s4 =	sadd.s32 $0x18D00, s31;
	v22 =	vor.u32 $0xD, v17;
	v7 =	vmul.f32 $5.656854150e+00, v7;
	v23 =	vld.idx.msk [tilespmem:v23+s15+$0x0], $0xffff;
	[tilespmem:s21+$0x0] =	vst v5  }
0x157: {  	s13 =	sor.u32 s0, s4;
	v5 =	vld.idx.msk [tilespmem:v18+s15+$0x0], $0xffff;
	v18 =	vor.u32 $0xE, v17;
	v8 =	vmul.f32 $5.656854150e+00, v8;
	[tilespmem:s11+$0x0] =	vst v13;
	s11 =	sadd.s32 $0x18D80, s31  }
0x158: {  	v13 =	vld.idx.msk [tilespmem:v20+s15+$0x0], $0xffff;
	v20 =	vor.u32 $0xF, v17;
	v16 =	vmul.f32 $5.656854150e+00, v16;
	[tilespmem:s13+$0x0] =	vst v7;
	s14 =	sor.u32 s0, s11;
	s13 =	sadd.s32 $0x18E00, s31  }
0x159: {  	v7 =	vld.idx.msk [tilespmem:v19+s15+$0x0], $0xffff;
	v19 =	vmul.f32 $5.656854150e+00, v24;
	[tilespmem:s14+$0x0] =	vst v8;
	s17 =	sor.u32 s0, s13;
	s14 =	sadd.s32 $0x18E80, s31;
	v8 =	vor.u32 $0x10, v12  }
0x15a: {  	v21 =	vld.idx.msk [tilespmem:v21+s15+$0x0], $0xffff;
	v15 =	vmul.f32 $5.656854150e+00, v15;
	[tilespmem:s17+$0x0] =	vst v16;
	s18 =	sor.u32 s0, s14;
	s17 =	sadd.s32 $0x18F00, s31;
	v16 =	vor.u32 $0x11, v12  }
0x15b: {  	v22 =	vld.idx.msk [tilespmem:v22+s15+$0x0], $0xffff;
	v14 =	vmul.f32 $5.656854150e+00, v14;
	[tilespmem:s18+$0x0] =	vst v19;
	s20 =	sor.u32 s0, s17;
	s18 =	sadd.s32 $0x18F80, s31;
	v19 =	vor.u32 $0x12, v12  }
0x15c: {  	v24 =	vor.u32 $0x15, v12;
	v5 =	vmul.f32 $5.656854150e+00, v5;
	v18 =	vld.idx.msk [tilespmem:v18+s15+$0x0], $0xffff;
	[tilespmem:s20+$0x0] =	vst v15;
	s21 =	sor.u32 s0, s18  }
0x15d: {  	s6 =	sor.u32 s28, s9;
	v15 =	vor.u32 $0x13, v12;
	v13 =	vmul.f32 $5.656854150e+00, v13;
	v20 =	vld.idx.msk [tilespmem:v20+s15+$0x0], $0xffff;
	[tilespmem:s21+$0x0] =	vst v14  }
0x15e: {  	s23 =	sor.u32 s28, s23;
	v14 =	vor.u32 $0x14, v12;
	v7 =	vmul.f32 $5.656854150e+00, v7;
	[tilespmem:s6+$0x0] =	vst v5;
	v8 =	vld.idx.msk [tilespmem:v8+s15+$0x0], $0xffff  }
0x15f: {  	s4 =	sor.u32 s28, s4;
	v23 =	vmul.f32 $5.656854150e+00, v23;
	[tilespmem:s23+$0x0] =	vst v13;
	v5 =	vld.idx.msk [tilespmem:v16+s15+$0x0], $0xffff;
	v16 =	vor.u32 $0x16, v12  }
0x160: {  	v21 =	vmul.f32 $5.656854150e+00, v21;
	s6 =	sor.u32 s28, s11;
	[tilespmem:s4+$0x0] =	vst v7;
	v13 =	vld.idx.msk [tilespmem:v19+s15+$0x0], $0xffff;
	v19 =	vor.u32 $0x17, v12  }
0x161: {  	s9 =	sor.u32 s28, s13;
	v22 =	vmul.f32 $5.656854150e+00, v22;
	v24 =	vld.idx.msk [tilespmem:v24+s15+$0x0], $0xffff;
	v7 =	vor.u32 $0x10, v17;
	[tilespmem:s6+$0x0] =	vst v23  }
0x162: {  	v25 =	vor.u32 $0x16, v17;
	s11 =	sor.u32 s28, s14;
	v18 =	vmul.f32 $5.656854150e+00, v18;
	v15 =	vld.idx.msk [tilespmem:v15+s15+$0x0], $0xffff;
	[tilespmem:s9+$0x0] =	vst v21  }
0x163: {  	s13 =	sor.u32 s28, s17;
	v23 =	vor.u32 $0x11, v17;
	v20 =	vmul.f32 $5.656854150e+00, v20;
	v14 =	vld.idx.msk [tilespmem:v14+s15+$0x0], $0xffff;
	[tilespmem:s11+$0x0] =	vst v22  }
0x164: {  	s14 =	sor.u32 s28, s18;
	s6 =	sadd.s32 $0x19400, s31;
	v21 =	vor.u32 $0x12, v17;
	v8 =	vmul.f32 $5.656854150e+00, v8;
	[tilespmem:s13+$0x0] =	vst v18;
	v16 =	vld.idx.msk [tilespmem:v16+s15+$0x0], $0xffff  }
0x165: {  	s17 =	sor.u32 s0, s6;
	s9 =	sadd.s32 $0x19480, s31;
	v22 =	vor.u32 $0x13, v17;
	v5 =	vmul.f32 $5.656854150e+00, v5;
	[tilespmem:s14+$0x0] =	vst v20;
	v19 =	vld.idx.msk [tilespmem:v19+s15+$0x0], $0xffff  }
0x166: {  	s18 =	sor.u32 s0, s9;
	s11 =	sadd.s32 $0x19500, s31;
	v18 =	vor.u32 $0x14, v17;
	v13 =	vmul.f32 $5.656854150e+00, v13;
	[tilespmem:s17+$0x0] =	vst v8;
	v8 =	vld.idx.msk [tilespmem:v7+s15+$0x0], $0xffff  }
0x167: {  	s20 =	sor.u32 s0, s11;
	v20 =	vor.u32 $0x15, v17;
	s14 =	sadd.s32 $0x19580, s31;
	v25 =	vld.idx.msk [tilespmem:v25+s15+$0x0], $0xffff;
	v7 =	vmul.f32 $5.656854150e+00, v15;
	[tilespmem:s18+$0x0] =	vst v5  }
0x168: {  	s21 =	sor.u32 s0, s14;
	s17 =	sadd.s32 $0x19600, s31;
	v15 =	vld.idx.msk [tilespmem:v23+s15+$0x0], $0xffff;
	v23 =	vor.u32 $0x17, v17;
	v5 =	vmul.f32 $5.656854150e+00, v14;
	[tilespmem:s20+$0x0] =	vst v13  }
0x169: {  	s23 =	sor.u32 s0, s17;
	s18 =	sadd.s32 $0x19680, s31;
	v13 =	vld.idx.msk [tilespmem:v21+s15+$0x0], $0xffff;
	v14 =	vmul.f32 $5.656854150e+00, v24;
	v21 =	vor.u32 $0x18, v12;
	[tilespmem:s21+$0x0] =	vst v7  }
0x16a: {  	v22 =	vld.idx.msk [tilespmem:v22+s15+$0x0], $0xffff;
	s4 =	sor.u32 s0, s18;
	s20 =	sadd.s32 $0x19700, s31;
	v24 =	vor.u32 $0x19, v12;
	v16 =	vmul.f32 $5.656854150e+00, v16;
	[tilespmem:s23+$0x0] =	vst v5  }
0x16b: {  	v2 =	vmul.f32 $5.656854150e+00, v2;
	v18 =	vld.idx.msk [tilespmem:v18+s15+$0x0], $0xffff;
	s13 =	sor.u32 s0, s20;
	s21 =	sadd.s32 $0x19780, s31;
	v19 =	vmul.f32 $5.656854150e+00, v19;
	[tilespmem:s4+$0x0] =	vst v14;
	v14 =	vor.u32 $0x1A, v12  }
0x16c: {  	v3 =	vmul.f32 $5.656854150e+00, v3;
	v20 =	vld.idx.msk [tilespmem:v20+s15+$0x0], $0xffff;
	s23 =	sor.u32 s0, s21;
	v26 =	vmul.f32 $5.656854150e+00, v8;
	[tilespmem:s13+$0x0] =	vst v16;
	v16 =	vor.u32 $0x1B, v12  }
0x16d: {  	v27 =	vor.u32 $0x1C, v12;
	v4 =	vmul.f32 $5.656854150e+00, v4;
	s6 =	sor.u32 s28, s6;
	v15 =	vmul.f32 $5.656854150e+00, v15;
	v28 =	vld.idx.msk [tilespmem:v23+s15+$0x0], $0xffff;
	[tilespmem:s23+$0x0] =	vst v19  }
0x16e: {  	v10 =	vmul.f32 $5.656854150e+00, v10;
	s9 =	sor.u32 s28, s9;
	v13 =	vmul.f32 $5.656854150e+00, v13;
	[tilespmem:s6+$0x0] =	vst v26;
	v29 =	vld.idx.msk [tilespmem:v21+s15+$0x0], $0xffff;
	v21 =	vor.u32 $0x1D, v12  }
0x16f: {  	v11 =	vmul.f32 $5.656854150e+00, v11;
	s11 =	sor.u32 s28, s11;
	v23 =	vmul.f32 $5.656854150e+00, v22;
	v26 =	vld.idx.msk [tilespmem:v24+s15+$0x0], $0xffff;
	v24 =	vor.u32 $0x1E, v12;
	[tilespmem:s9+$0x0] =	vst v15  }
0x170: {  	s22 =	sor.u32 s8, s22;
	s5 =	sor.u32 s8, s5;
	v30 =	vor.u32 $0x1F, v12;
	v6 =	vmul.f32 $5.656854150e+00, v6;
	s14 =	sor.u32 s28, s14;
	v12 =	vmul.f32 $5.656854150e+00, v18;
	[tilespmem:s11+$0x0] =	vst v13;
	v19 =	vld.idx.msk [tilespmem:v14+s15+$0x0], $0xffff  }
0x171: {  	v9 =	vmul.f32 $5.656854150e+00, v9;
	s17 =	sor.u32 s28, s17;
	s18 =	sor.u32 s28, s18;
	v7 =	vor.u32 $0x18, v17;
	s20 =	sor.u32 s28, s20;
	[tilespmem:s14+$0x0] =	vst v23;
	v22 =	vld.idx.msk [tilespmem:v16+s15+$0x0], $0xffff;
	v16 =	vmul.f32 $5.656854150e+00, v20  }
0x172: {  	v5 =	vor.u32 $0x19, v17;
	v8 =	vor.u32 $0x1A, v17;
	s4 =	sadd.s32 $0x19C80, s31;
	s13 =	sor.u32 s8, s2;
	s2 =	sor.u32 s8, s16;
	v18 =	vmul.f32 $5.656854150e+00, v25;
	v23 =	vld.idx.msk [tilespmem:v27+s15+$0x0], $0xffff;
	[tilespmem:s17+$0x0] =	vst v12  }
0x173: {  	s16 =	simm.s32 $0x50;
	s23 =	sor.u32 s28, s21;
	s21 =	sadd.s32 $0x19C00, s31;
	v15 =	vor.u32 $0x1C, v17;
	v13 =	vor.u32 $0x1B, v17;
	v25 =	vmul.f32 $5.656854150e+00, v28;
	v20 =	vld.idx.msk [tilespmem:v21+s15+$0x0], $0xffff;
	[tilespmem:s18+$0x0] =	vst v16  }
0x174: {  	s9 =	sor.u32 s8, s7;
	s7 =	sor.u32 s8, s10;
	s10 =	sor.u32 s8, s24;
	v14 =	vor.u32 $0x1D, v17;
	v12 =	vmul.f32 $5.656854150e+00, v1;
	v21 =	vld.idx.msk [tilespmem:v24+s15+$0x0], $0xffff;
	v24 =	vmul.f32 $5.656854150e+00, v29;
	[tilespmem:s20+$0x0] =	vst v18  }
0x175: {  	s8 =	sor.u32 s8, s19;
	s24 =	simm.s32 $0x2;
	s6 =	sor.u32 s0, s21;
	v1 =	vor.u32 $0x1F, v17;
	v16 =	vor.u32 $0x1E, v17;
	v17 =	vmul.f32 $5.656854150e+00, v26;
	v18 =	vld.idx.msk [tilespmem:v30+s15+$0x0], $0xffff;
	[tilespmem:s23+$0x0] =	vst v25  }
.LBB2_5:
0x176: {  	s19 =	sadd.s32 $0xFFFFFFF0, s16;
	v25 =	vmov s16;
	v19 =	vmul.f32 $5.656854150e+00, v19;
	[tilespmem:s6+$0x0] =	vst v24;
	s3 =	sor.u32 s0, s4;
	s6 =	sadd.s32 $0x19D00, s31;
	v34 =	vld.idx.msk [tilespmem:v7+s15+$0x0], $0xffff  }
0x177: {  	s11 =	sand.u32 $0x70, s16;
	v22 =	vmul.f32 $5.656854150e+00, v22;
	s14 =	sadd.s32 $0x19D80, s31;
	v7 =	vmov s19;
	v24 =	vshll.u32 v25, $0x7;
	[tilespmem:s3+$0x0] =	vst v17;
	s3 =	sor.u32 s0, s6;
	v35 =	vld.idx.msk [tilespmem:v5+s15+$0x0], $0xffff  }
0x178: {  	s17 =	sadd.s32 $0x19E00, s31;
	s20 =	sor.u32 s28, s21;
	v5 =	vshll.u32 v7, $0x7;
	v41 =	vor.u32 v0, v24;
	v7 =	vmul.f32 $5.656854150e+00, v23;
	[tilespmem:s3+$0x0] =	vst v19;
	s3 =	sor.u32 s0, s14;
	v36 =	vld.idx.msk [tilespmem:v8+s15+$0x0], $0xffff  }
0x179: {  	s18 =	sadd.s32 $0x19E80, s31;
	s4 =	sor.u32 s28, s4;
	v17 =	vor.u32 v0, v5;
	v8 =	vor.u32 $0x1, v41;
	v5 =	vmul.f32 $5.656854150e+00, v20;
	[tilespmem:s3+$0x0] =	vst v22;
	s3 =	sor.u32 s0, s17;
	v37 =	vld.idx.msk [tilespmem:v13+s15+$0x0], $0xffff  }
0x17a: {  	s21 =	sadd.s32 $0x19F00, s31;
	s23 =	sor.u32 s28, s6;
	v42 =	vor.u32 $0x2, v41;
	v19 =	vmul.f32 $5.656854150e+00, v21;
	v13 =	vor.u32 $0x1, v17;
	[tilespmem:s3+$0x0] =	vst v7;
	s3 =	sor.u32 s0, s18;
	v38 =	vld.idx.msk [tilespmem:v15+s15+$0x0], $0xffff  }
0x17b: {  	s6 =	sadd.s32 $0x19F80, s31;
	s14 =	sor.u32 s28, s14;
	v43 =	vor.u32 $0x3, v41;
	v7 =	vor.u32 $0x2, v17;
	v15 =	vmul.f32 $5.656854150e+00, v18;
	[tilespmem:s3+$0x0] =	vst v5;
	s3 =	sor.u32 s0, s21;
	v39 =	vld.idx.msk [tilespmem:v14+s15+$0x0], $0xffff  }
0x17c: {  	v44 =	vor.u32 $0x4, v41;
	v45 =	vor.u32 $0x5, v41;
	v5 =	vor.u32 $0x3, v17;
	s0 =	sor.u32 s0, s6;
	[tilespmem:s3+$0x0] =	vst v19;
	v40 =	vld.idx.msk [tilespmem:v16+s15+$0x0], $0xffff;
	s3 =	sor.u32 s28, s17;
	s17 =	sor.u32 s28, s18  }
0x17d: {  	v46 =	vor.u32 $0x6, v41;
	v47 =	vor.u32 $0x7, v41;
	v14 =	vor.u32 $0x4, v17;
	s6 =	sor.u32 s28, s6;
	s18 =	sor.u32 s28, s21;
	s28 =	smov.u32 s11;
	v16 =	vld.idx.msk [tilespmem:v41+s15+$0x0], $0xffff;
	[tilespmem:s0+$0x0] =	vst v15  }
0x17e: {  	v33 =	vor.u32 $0x8, v41;
	v32 =	vor.u32 $0x9, v41;
	v18 =	vor.u32 $0x5, v17;
	v15 =	vld.idx.msk [tilespmem:v17+s15+$0x0], $0xffff;
	[tilespmem:s13+$0x0] =	vst v2;
	s13 =	smov.u32 s20  }
0x17f: {  	v31 =	vor.u32 $0xA, v41;
	v30 =	vor.u32 $0xB, v41;
	v2 =	vld.idx.msk [tilespmem:v13+s15+$0x0], $0xffff;
	v13 =	vor.u32 $0x6, v17;
	[tilespmem:s9+$0x0] =	vst v3;
	s9 =	smov.u32 s4  }
0x180: {  	s1 =	sadd.s32 $0x2, s1;
	v29 =	vor.u32 $0xC, v41;
	v27 =	vor.u32 $0xD, v41;
	v3 =	vld.idx.msk [tilespmem:v7+s15+$0x0], $0xffff;
	v7 =	vor.u32 $0x7, v17;
	[tilespmem:s5+$0x0] =	vst v4;
	s5 =	smov.u32 s23  }
0x181: {  	v28 =	vor.u32 $0xE, v41;
	v26 =	vor.u32 $0xF, v41;
	v25 =	vor.u32 $0x10, v41;
	s0 =	sand.u32 $0x7, s1;
	v4 =	vld.idx.msk [tilespmem:v5+s15+$0x0], $0xffff;
	[tilespmem:s2+$0x0] =	vst v6;
	s2 =	smov.u32 s14  }
0x182: {  	s29 =	sadd.s32 $0x100, s29;
	v24 =	vor.u32 $0x11, v41;
	v23 =	vor.u32 $0x12, v41;
	v21 =	vor.u32 $0x13, v41;
	s0 =	sshll.u32 s0, $0x4;
	v6 =	vld.idx.msk [tilespmem:v14+s15+$0x0], $0xffff;
	[tilespmem:s7+$0x0] =	vst v9;
	s7 =	smov.u32 s3  }
0x183: {  	s31 =	sand.u32 $0x400, s29;
	v22 =	vor.u32 $0x14, v41;
	s11 =	sor.u32 s16, s29;
	v19 =	vor.u32 $0x15, v41;
	s3 =	sadd.s32 s29, s0;
	v48 =	vmul.f32 $5.656854150e+00, v16;
	v9 =	vld.idx.msk [tilespmem:v18+s15+$0x0], $0xffff;
	[tilespmem:s22+$0x0] =	vst v10  }
0x184: {  	v20 =	vor.u32 $0x16, v41;
	s4 =	sadd.s32 $0x18400, s31;
	s0 =	sand.u32 $0x60, s19;
	v10 =	vmul.f32 $5.656854150e+00, v15;
	s3 =	sadd.s32 $0x10, s3;
	v18 =	vor.u32 $0x17, v41;
	v49 =	vld.idx.msk [tilespmem:v13+s15+$0x0], $0xffff;
	[tilespmem:s10+$0x0] =	vst v11  }
0x185: {  	v5 =	vor.u32 $0x19, v41;
	s14 =	sor.u32 s0, s4;
	s4 =	sor.u32 s28, s4;
	v2 =	vmul.f32 $5.656854150e+00, v2;
	s21 =	sor.u32 $0x300, s3;
	v11 =	vld.idx.msk [tilespmem:v7+s15+$0x0], $0xffff;
	v7 =	vor.u32 $0x18, v41;
	[tilespmem:s8+$0x0] =	vst v12  }
0x186: {  	s23 =	sor.u32 $0x380, s11;
	s22 =	smov.u32 s17;
	v13 =	vor.u32 $0x1B, v41;
	s10 =	smov.u32 s18;
	v3 =	vmul.f32 $5.656854150e+00, v3;
	[tilespmem:s14+$0x0] =	vst v10;
	v10 =	vld.idx.msk [tilespmem:v8+s15+$0x0], $0xffff;
	v8 =	vor.u32 $0x1A, v41  }
0x187: {  	s30 =	sadd.s32 $0x1, s30;
	v14 =	vor.u32 $0x1D, v41;
	v15 =	vor.u32 $0x1C, v41;
	s8 =	smov.u32 s6;
	v4 =	vmul.f32 $5.656854150e+00, v4;
	[tilespmem:s14+$0x80] =	vst v2;
	v12 =	vld.idx.msk [tilespmem:v42+s15+$0x0], $0xffff  }
0x188: {  	v16 =	vor.u32 $0x1E, v41;
	s3 =	sand.u32 $0x3, s30;
	v41 =	vor.u32 $0x1F, v41;
	v6 =	vmul.f32 $5.656854150e+00, v6;
	[tilespmem:s14+$0x100] =	vst v3;
	v42 =	vld.idx.msk [tilespmem:v43+s15+$0x0], $0xffff  }
0x189: {  	s3 =	sshll.u32 s3, $0x5;
	v2 =	vmul.f32 $5.656854150e+00, v34;
	v9 =	vmul.f32 $5.656854150e+00, v9;
	v43 =	vor.u32 $0x8, v17;
	[tilespmem:s14+$0x180] =	vst v4;
	v44 =	vld.idx.msk [tilespmem:v44+s15+$0x0], $0xffff  }
0x18a: {  	s3 =	sadd.s32 s3, s29;
	v3 =	vmul.f32 $5.656854150e+00, v35;
	v34 =	vmul.f32 $5.656854150e+00, v49;
	v49 =	vor.u32 $0x9, v17;
	[tilespmem:s14+$0x200] =	vst v6;
	v45 =	vld.idx.msk [tilespmem:v45+s15+$0x0], $0xffff  }
0x18b: {  	s6 =	sor.u32 s19, s29;
	s3 =	sor.u32 $0x300, s3;
	v35 =	vor.u32 $0xA, v17;
	v4 =	vmul.f32 $5.656854150e+00, v36;
	v11 =	vmul.f32 $5.656854150e+00, v11;
	[tilespmem:s14+$0x280] =	vst v9;
	v46 =	vld.idx.msk [tilespmem:v46+s15+$0x0], $0xffff  }
0x18c: {  	v6 =	vmul.f32 $5.656854150e+00, v37;
	v10 =	vmul.f32 $5.656854150e+00, v10;
	[tilespmem:s3+$0x18400] =	vst v34;
	s3 =	sor.u32 $0x380, s6;
	v34 =	vor.u32 $0xB, v17;
	v36 =	vld.idx.msk [tilespmem:v47+s15+$0x0], $0xffff  }
0x18d: {  	v37 =	vor.u32 $0xC, v17;
	v9 =	vmul.f32 $5.656854150e+00, v38;
	[tilespmem:s3+$0x18400] =	vst v11;
	v11 =	vmul.f32 $5.656854150e+00, v12;
	v12 =	vld.idx.msk [tilespmem:v1+s15+$0x0], $0xffff;
	v1 =	vmovc v41  }
0x18e: {  	v41 =	vor.u32 $0xD, v17;
	v42 =	vmul.f32 $5.656854150e+00, v42;
	v38 =	vld.idx.msk [tilespmem:v43+s15+$0x0], $0xffff;
	[tilespmem:s4+$0x80] =	vst v10;
	v10 =	vmul.f32 $5.656854150e+00, v39  }
0x18f: {  	v43 =	vor.u32 $0xE, v17;
	v44 =	vmul.f32 $5.656854150e+00, v44;
	v39 =	vld.idx.msk [tilespmem:v49+s15+$0x0], $0xffff;
	[tilespmem:s4+$0x100] =	vst v11;
	v11 =	vmul.f32 $5.656854150e+00, v40  }
0x190: {  	v40 =	vor.u32 $0xF, v17;
	v45 =	vmul.f32 $5.656854150e+00, v45;
	v35 =	vld.idx.msk [tilespmem:v35+s15+$0x0], $0xffff;
	[tilespmem:s4+$0x180] =	vst v42  }
0x191: {  	s24 =	sadd.s32 $0x2, s24;
	v42 =	vmul.f32 $5.656854150e+00, v46;
	v34 =	vld.idx.msk [tilespmem:v34+s15+$0x0], $0xffff;
	[tilespmem:s4+$0x200] =	vst v44  }
0x192: {  	p0 =	slt.u32 s24, $0xE;
	v36 =	vmul.f32 $5.656854150e+00, v36;
	v37 =	vld.idx.msk [tilespmem:v37+s15+$0x0], $0xffff;
	[tilespmem:s4+$0x280] =	vst v45  }
0x193: {  	v12 =	vmul.f32 $5.656854150e+00, v12;
	v41 =	vld.idx.msk [tilespmem:v41+s15+$0x0], $0xffff;
	[tilespmem:s4+$0x0] =	vst v48  }
0x194: {  	s3 =	sadd.s32 $0x18C00, s31;
	v38 =	vmul.f32 $5.656854150e+00, v38;
	v43 =	vld.idx.msk [tilespmem:v43+s15+$0x0], $0xffff;
	[tilespmem:s21+$0x18400] =	vst v42  }
0x195: {  	s6 =	sadd.s32 $0x18C80, s31;
	s4 =	sor.u32 s0, s3;
	s3 =	sor.u32 s28, s3;
	v39 =	vmul.f32 $5.656854150e+00, v39;
	v40 =	vld.idx.msk [tilespmem:v40+s15+$0x0], $0xffff;
	[tilespmem:s23+$0x18400] =	vst v36  }
0x196: {  	s11 =	sadd.s32 $0x18D00, s31;
	v35 =	vmul.f32 $5.656854150e+00, v35;
	[tilespmem:s4+$0x0] =	vst v38;
	s4 =	sor.u32 s0, s6;
	v33 =	vld.idx.msk [tilespmem:v33+s15+$0x0], $0xffff;
	s6 =	sor.u32 s28, s6  }
0x197: {  	s14 =	sadd.s32 $0x18D80, s31;
	v34 =	vmul.f32 $5.656854150e+00, v34;
	[tilespmem:s4+$0x0] =	vst v39;
	s4 =	sor.u32 s0, s11;
	v32 =	vld.idx.msk [tilespmem:v32+s15+$0x0], $0xffff;
	s11 =	sor.u32 s28, s11  }
0x198: {  	s17 =	sadd.s32 $0x18E00, s31;
	v36 =	vmul.f32 $5.656854150e+00, v37;
	[tilespmem:s4+$0x0] =	vst v35;
	s4 =	sor.u32 s0, s14;
	v31 =	vld.idx.msk [tilespmem:v31+s15+$0x0], $0xffff;
	s14 =	sor.u32 s28, s14  }
0x199: {  	s18 =	sadd.s32 $0x18E80, s31;
	v35 =	vmul.f32 $5.656854150e+00, v41;
	[tilespmem:s4+$0x0] =	vst v34;
	s4 =	sor.u32 s0, s17;
	v34 =	vor.u32 $0x10, v17;
	v30 =	vld.idx.msk [tilespmem:v30+s15+$0x0], $0xffff;
	s17 =	sor.u32 s28, s17  }
0x19a: {  	s19 =	sadd.s32 $0x18F00, s31;
	v37 =	vmul.f32 $5.656854150e+00, v43;
	[tilespmem:s4+$0x0] =	vst v36;
	s4 =	sor.u32 s0, s18;
	v36 =	vor.u32 $0x11, v17;
	v29 =	vld.idx.msk [tilespmem:v29+s15+$0x0], $0xffff;
	s18 =	sor.u32 s28, s18  }
0x19b: {  	s20 =	sadd.s32 $0x18F80, s31;
	v38 =	vmul.f32 $5.656854150e+00, v40;
	[tilespmem:s4+$0x0] =	vst v35;
	s4 =	sor.u32 s0, s19;
	v35 =	vor.u32 $0x12, v17;
	v27 =	vld.idx.msk [tilespmem:v27+s15+$0x0], $0xffff;
	s19 =	sor.u32 s28, s19  }
0x19c: {  	v33 =	vmul.f32 $5.656854150e+00, v33;
	[tilespmem:s4+$0x0] =	vst v37;
	s4 =	sor.u32 s0, s20;
	v37 =	vor.u32 $0x13, v17;
	v28 =	vld.idx.msk [tilespmem:v28+s15+$0x0], $0xffff;
	s20 =	sor.u32 s28, s20  }
0x19d: {  	v32 =	vmul.f32 $5.656854150e+00, v32;
	[tilespmem:s4+$0x0] =	vst v38;
	v38 =	vor.u32 $0x14, v17;
	v26 =	vld.idx.msk [tilespmem:v26+s15+$0x0], $0xffff  }
0x19e: {  	v39 =	vor.u32 $0x15, v17;
	v31 =	vmul.f32 $5.656854150e+00, v31;
	v34 =	vld.idx.msk [tilespmem:v34+s15+$0x0], $0xffff;
	[tilespmem:s3+$0x0] =	vst v33  }
0x19f: {  	v30 =	vmul.f32 $5.656854150e+00, v30;
	v33 =	vld.idx.msk [tilespmem:v36+s15+$0x0], $0xffff;
	v36 =	vor.u32 $0x16, v17;
	[tilespmem:s6+$0x0] =	vst v32  }
0x1a0: {  	v29 =	vmul.f32 $5.656854150e+00, v29;
	v32 =	vld.idx.msk [tilespmem:v35+s15+$0x0], $0xffff;
	v35 =	vor.u32 $0x17, v17;
	[tilespmem:s11+$0x0] =	vst v31  }
0x1a1: {  	v27 =	vmul.f32 $5.656854150e+00, v27;
	v31 =	vld.idx.msk [tilespmem:v37+s15+$0x0], $0xffff;
	[tilespmem:s14+$0x0] =	vst v30  }
0x1a2: {  	v28 =	vmul.f32 $5.656854150e+00, v28;
	v30 =	vld.idx.msk [tilespmem:v38+s15+$0x0], $0xffff;
	[tilespmem:s17+$0x0] =	vst v29  }
0x1a3: {  	v26 =	vmul.f32 $5.656854150e+00, v26;
	v29 =	vld.idx.msk [tilespmem:v39+s15+$0x0], $0xffff;
	[tilespmem:s18+$0x0] =	vst v27  }
0x1a4: {  	s3 =	sadd.s32 $0x19400, s31;
	v27 =	vmul.f32 $5.656854150e+00, v34;
	v34 =	vld.idx.msk [tilespmem:v36+s15+$0x0], $0xffff;
	[tilespmem:s19+$0x0] =	vst v28  }
0x1a5: {  	s4 =	sor.u32 s0, s3;
	s6 =	sadd.s32 $0x19480, s31;
	s3 =	sor.u32 s28, s3;
	v28 =	vmul.f32 $5.656854150e+00, v33;
	v33 =	vld.idx.msk [tilespmem:v35+s15+$0x0], $0xffff;
	[tilespmem:s20+$0x0] =	vst v26  }
0x1a6: {  	s11 =	sadd.s32 $0x19500, s31;
	v26 =	vmul.f32 $5.656854150e+00, v32;
	[tilespmem:s4+$0x0] =	vst v27;
	s4 =	sor.u32 s0, s6;
	v25 =	vld.idx.msk [tilespmem:v25+s15+$0x0], $0xffff;
	s6 =	sor.u32 s28, s6  }
0x1a7: {  	s14 =	sadd.s32 $0x19580, s31;
	v27 =	vmul.f32 $5.656854150e+00, v31;
	[tilespmem:s4+$0x0] =	vst v28;
	s4 =	sor.u32 s0, s11;
	v24 =	vld.idx.msk [tilespmem:v24+s15+$0x0], $0xffff;
	s11 =	sor.u32 s28, s11  }
0x1a8: {  	s17 =	sadd.s32 $0x19600, s31;
	v28 =	vmul.f32 $5.656854150e+00, v30;
	[tilespmem:s4+$0x0] =	vst v26;
	s4 =	sor.u32 s0, s14;
	v23 =	vld.idx.msk [tilespmem:v23+s15+$0x0], $0xffff;
	s14 =	sor.u32 s28, s14  }
0x1a9: {  	s18 =	sadd.s32 $0x19680, s31;
	v26 =	vmul.f32 $5.656854150e+00, v29;
	[tilespmem:s4+$0x0] =	vst v27;
	s4 =	sor.u32 s0, s17;
	v27 =	vor.u32 $0x18, v17;
	v21 =	vld.idx.msk [tilespmem:v21+s15+$0x0], $0xffff;
	s17 =	sor.u32 s28, s17  }
0x1aa: {  	s19 =	sadd.s32 $0x19700, s31;
	v29 =	vmul.f32 $5.656854150e+00, v34;
	[tilespmem:s4+$0x0] =	vst v28;
	s4 =	sor.u32 s0, s18;
	v28 =	vor.u32 $0x19, v17;
	v22 =	vld.idx.msk [tilespmem:v22+s15+$0x0], $0xffff;
	s18 =	sor.u32 s28, s18  }
0x1ab: {  	s20 =	sadd.s32 $0x19780, s31;
	v30 =	vmul.f32 $5.656854150e+00, v33;
	[tilespmem:s4+$0x0] =	vst v26;
	s4 =	sor.u32 s0, s19;
	v26 =	vor.u32 $0x1A, v17;
	v31 =	vld.idx.msk [tilespmem:v19+s15+$0x0], $0xffff;
	s19 =	sor.u32 s28, s19  }
0x1ac: {  	v19 =	vmul.f32 $5.656854150e+00, v25;
	[tilespmem:s4+$0x0] =	vst v29;
	s4 =	sor.u32 s0, s20;
	v29 =	vor.u32 $0x1B, v17;
	v20 =	vld.idx.msk [tilespmem:v20+s15+$0x0], $0xffff;
	s20 =	sor.u32 s28, s20  }
0x1ad: {  	v25 =	vor.u32 $0x1C, v17;
	v24 =	vmul.f32 $5.656854150e+00, v24;
	[tilespmem:s4+$0x0] =	vst v30;
	v18 =	vld.idx.msk [tilespmem:v18+s15+$0x0], $0xffff  }
0x1ae: {  	v30 =	vor.u32 $0x1D, v17;
	v23 =	vmul.f32 $5.656854150e+00, v23;
	v27 =	vld.idx.msk [tilespmem:v27+s15+$0x0], $0xffff;
	[tilespmem:s3+$0x0] =	vst v19  }
0x1af: {  	v32 =	vor.u32 $0x1E, v17;
	v21 =	vmul.f32 $5.656854150e+00, v21;
	v28 =	vld.idx.msk [tilespmem:v28+s15+$0x0], $0xffff;
	[tilespmem:s6+$0x0] =	vst v24  }
0x1b0: {  	v19 =	vld.idx.msk [tilespmem:v26+s15+$0x0], $0xffff;
	v26 =	vor.u32 $0x1F, v17;
	v17 =	vmul.f32 $5.656854150e+00, v22;
	[tilespmem:s11+$0x0] =	vst v23  }
.Ltmp1:
0x1b1: {  	v24 =	vmul.f32 $5.656854150e+00, v31;
	v22 =	vld.idx.msk [tilespmem:v29+s15+$0x0], $0xffff;
	[tilespmem:s14+$0x0] =	vst v21;
	(pc) =	sbr.rel @p0 .LBB2_5-.Ltmp1, $4  }
0x1b2: {  	v23 =	vld.idx.msk [tilespmem:v25+s15+$0x0], $0xffff;
	v25 =	vmul.f32 $5.656854150e+00, v20;
	[tilespmem:s17+$0x0] =	vst v17  }
0x1b3: {  	v29 =	vmul.f32 $5.656854150e+00, v18;
	v20 =	vld.idx.msk [tilespmem:v30+s15+$0x0], $0xffff;
	[tilespmem:s18+$0x0] =	vst v24  }
0x1b4: {  	s21 =	sadd.s32 $0x19C00, s31;
	v24 =	vmul.f32 $5.656854150e+00, v27;
	v21 =	vld.idx.msk [tilespmem:v32+s15+$0x0], $0xffff;
	[tilespmem:s19+$0x0] =	vst v25  }
0x1b5: {  	s16 =	sadd.s32 $0x20, s16;
	s4 =	sadd.s32 $0x19C80, s31;
	s6 =	sor.u32 s0, s21;
	v17 =	vmul.f32 $5.656854150e+00, v28;
	v18 =	vld.idx.msk [tilespmem:v26+s15+$0x0], $0xffff;
	[tilespmem:s20+$0x0] =	vst v29  }
0x1b6: {  	[tilespmem:s6+$0x0] =	vst v24  }
0x1b7: {  	s1 =	sor.u32 s0, s4;
	[tilespmem:s13+$0x0] =	vst v2  }
0x1b8: {  	v19 =	vmul.f32 $5.656854150e+00, v19;
	s3 =	sadd.s32 $0x19D00, s31;
	[tilespmem:s1+$0x0] =	vst v17  }
0x1b9: {  	s20 =	sor.u32 s0, s3;
	[tilespmem:s9+$0x0] =	vst v3  }
0x1ba: {  	v22 =	vmul.f32 $5.656854150e+00, v22;
	s6 =	sadd.s32 $0x19D80, s31;
	[tilespmem:s20+$0x0] =	vst v19  }
0x1bb: {  	s23 =	sor.u32 s0, s6;
	[tilespmem:s5+$0x0] =	vst v4  }
0x1bc: {  	s11 =	sadd.s32 $0x19E00, s31;
	v55 =	vmul.f32 $5.656854150e+00, v23;
	[tilespmem:s23+$0x0] =	vst v22  }
0x1bd: {  	s24 =	sor.u32 s0, s11;
	[tilespmem:s2+$0x0] =	vst v6  }
0x1be: {  	s14 =	sadd.s32 $0x19E80, s31;
	v56 =	vmul.f32 $5.656854150e+00, v20;
	[tilespmem:s24+$0x0] =	vst v55  }
0x1bf: {  	v7 =	vld.idx.msk [tilespmem:v7+s15+$0x0], $0xffff;
	s29 =	sor.u32 s0, s14;
	[tilespmem:s7+$0x0] =	vst v9  }
0x1c0: {  	s16 =	sadd.s32 $0x19F00, s31;
	v2 =	vld.idx.msk [tilespmem:v5+s15+$0x0], $0xffff;
	v57 =	vmul.f32 $5.656854150e+00, v21;
	[tilespmem:s29+$0x0] =	vst v56  }
0x1c1: {  	s30 =	sor.u32 s0, s16;
	v3 =	vld.idx.msk [tilespmem:v8+s15+$0x0], $0xffff;
	[tilespmem:s22+$0x0] =	vst v10  }
0x1c2: {  	s17 =	sadd.s32 $0x19F80, s31;
	v59 =	vld.idx.msk [tilespmem:v13+s15+$0x0], $0xffff;
	v58 =	vmul.f32 $5.656854150e+00, v18;
	[tilespmem:s30+$0x0] =	vst v57  }
0x1c3: {  	v60 =	vld.idx.msk [tilespmem:v15+s15+$0x0], $0xffff;
	s1 =	sor.u32 s0, s17;
	[tilespmem:s10+$0x0] =	vst v11  }
0x1c4: {  	v61 =	vld.idx.msk [tilespmem:v14+s15+$0x0], $0xffff;
	v7 =	vmul.f32 $5.656854150e+00, v7;
	[tilespmem:s1+$0x0] =	vst v58  }
0x1c5: {  	v62 =	vld.idx.msk [tilespmem:v16+s15+$0x0], $0xffff;
	s18 =	sor.u32 s28, s21;
	v2 =	vmul.f32 $5.656854150e+00, v2;
	[tilespmem:s8+$0x0] =	vst v12  }
0x1c6: {  	v1 =	vld.idx.msk [tilespmem:v1+s15+$0x0], $0xffff;
	s19 =	sor.u32 s28, s4;
	v3 =	vmul.f32 $5.656854150e+00, v3;
	[tilespmem:s18+$0x0] =	vst v7  }
0x1c7: {  	s20 =	sor.u32 s28, s3;
	v4 =	vmul.f32 $5.656854150e+00, v59;
	[tilespmem:s19+$0x0] =	vst v2  }
0x1c8: {  	s21 =	sor.u32 s28, s6;
	v2 =	vmul.f32 $5.656854150e+00, v60;
	[tilespmem:s20+$0x0] =	vst v3  }
0x1c9: {  	s22 =	sor.u32 s28, s11;
	v3 =	vmul.f32 $5.656854150e+00, v61;
	[tilespmem:s21+$0x0] =	vst v4  }
0x1ca: {  	s25 =	sadd.s32 $0x1, s25;
	s23 =	sor.u32 s28, s14;
	v63 =	vmul.f32 $5.656854150e+00, v62;
	[tilespmem:s22+$0x0] =	vst v2  }
0x1cb: {  	p0 =	sne.s32 s25, $0x32;
	s24 =	sor.u32 s28, s16;
	v1 =	vmul.f32 $5.656854150e+00, v1;
	[tilespmem:s23+$0x0] =	vst v3  }
.Ltmp2:
0x1cc: {  	s28 =	sor.u32 s28, s17;
	[tilespmem:s24+$0x0] =	vst v63;
	(pc) =	sbr.rel @p0 .LBB2_2-.Ltmp2, $4  }
0x1cd: {  	[tilespmem:s28+$0x0] =	vst v1  }
0x1ce: {  	s31 =	simm.s32 $0x18400;
	s0 =	rddreg [dreg:$0x6]  }
0x1cf: {  	s29 =	simm.s32 $0x800;
	s30 =	simm.s32 $0x20000;
	s0 =	sadd.s32 s26, s0  }
0x1d0: {  	[hbm4b:s0+s29] =	stream.strided.scatter [tilespmem:s31], [sflag:$0x4], $0x2000, s30, s29, $0x38;
	[tilespmem:$0x1A400] =	vst v63  }
0x1d1: {  	s0 =	simm.s32 $0x3  }
0x1d2: {  	_ =	swait.ge [sflag:s0], $0x2000  }
0x1d3: {  	[sflag:s0] =	ssyncset.done $0x0  }
0x1d4: {  	s1 =	simm.s32 $0x4;
	[sflag:s0] =	ssyncadd.s32 $0xFFFFE000  }
0x1d5: {  	_ =	swait.ge [sflag:s1], $0x2000  }
0x1d6: {  	s2 =	rddreg [dreg:$0x8]  }
0x1d7: {  	s31 =	rddreg [dreg:$0x7];
	s2 =	sadd.s32 $0x1, s2  }
0x1d8: {  	p0 =	sne.s32 s2, s31  }
.Ltmp3:
0x1d9: {  	_ = 	snop;
	(pc) =	sbr.rel @p0 .LBB2_1-.Ltmp3, $3  }
0x1da: {  	_ =	sdelay $0x1  }
0x1db: {  	[sflag:s1] =	ssyncset.done $0x0  }
0x1dc: {  	[sflag:s1] =	ssyncadd.s32 $0xFFFFE000  }
0x1dd: {  	_ =	sfence.sel $0x180000  }
0x1de: {  	[bflag:$0x0] =	sbarrier.arrive $0xFFFF  }
0x1df: {  	_ =	strace $0x90000047  }
0x1e0: {  	s0 =	stileid.u32;
	[bflag:$0x2] =	sbarrier.arrive $0xFFFF  }
0x1e1: {  	p0 =	sne.s32 s0, $0x0;
	s0 =	rddreg [dreg:$0x2]  }
0x1e2: {  	s0 =	sadd.s32 @!p0 $0x100000, s0  }
0x1e3: {  	[sflag:s0] =	ssyncadd.tile.s32 @!p0 $0x1;
	_ =	shalt  }
.Lfunc_end2:
_tile_overlayer_lowered:
.L_overlay_start_2:
0x1e4: {  	(tag) =	ssettag $0x2  }
0x1e5: {  	s0 =	rddreg [dreg:$0x0];
	s2 =	stileid.u32  }
0x1e6: {  	s1 =	rddreg [dreg:$0x1];
	p0 =	sne.s32 s2, $0x0  }
0x1e7: {  	s3 =	rddreg [dreg:$0x2];
	[bflag:$0x3] =	sbarrier.arrive $0xFFFF;
	s2 =	simm.s32 @!p0 $0x1C05  }
0x1e8: {  	[timem:s3], [sflag:s2] =	dma.local @!p0 [hbm:s0], s1  }
0x1e9: {  	s0 =	simm.s32 @!p0 $0x5  }
0x1ea: {  	_ =	swait.ge @!p0 [sflag:s0], s1  }
0x1eb: {  	s1 =	ssub.s32 @!p0 $0x0, s1;
	[sflag:s0] =	ssyncset.done @!p0 $0x0  }
0x1ec: {  	[sflag:s0] =	ssyncadd.s32 @!p0 s1  }
0x1ed: {  	[bflag:$0x3] =	sbarrier.arrive $0xFFFF  }
0x1ee: {  	_ =	shalt  }

</sc_bundles>
